<compile_context>
chip_gen: v7x
topology: tpu7x:2x2x1
jax: 0.10.2.dev20260603
libtpu: 0.0.44.dev20260713+nightly
codegen_flags: <defaults>
</compile_context>

<pallas_src>
import jax
import jax.numpy as jnp
from jax import lax
from jax.experimental import pallas as pl
from jax.experimental.pallas import tpu as pltpu
from jax.experimental.pallas import tpu_sc as plsc

FRAME = 130
NFRAMES = 64 * 128
NW = 32
FRAMES_PER_W = NFRAMES // NW
LANES = 16
WORDS_PER_W = FRAMES_PER_W * FRAME
FPB = 8
NBATCH = FRAMES_PER_W // FPB
NPAIR = FRAME // 2


def _body(x_hbm, out_hbm, x_v, out_v):
    wid = lax.axis_index("s") * 2 + lax.axis_index("c")
    base = wid * WORDS_PER_W
    pltpu.sync_copy(x_hbm.at[pl.ds(base, WORDS_PER_W)], x_v)

    lane = lax.iota(jnp.int32, LANES)
    lane8 = lane & 7
    cshift = lane >> 3

    zero_i = jnp.zeros((LANES,), jnp.int32)
    one_i = jnp.ones((LANES,), jnp.int32)
    zero_f = jnp.zeros((LANES,), jnp.float32)
    one_f = jnp.ones((LANES,), jnp.float32)
    mixc = 63 - 126 * cshift

    @plsc.parallel_loop(0, NBATCH, unroll=2)
    def batch_body(fb):
        cbase = (fb * FPB + lane8) * FRAME
        pos0 = cbase + cshift

        hs0 = plsc.load_gather(x_v, [cbase])
        p0 = plsc.load_gather(x_v, [cbase + 1])
        hs1 = plsc.load_gather(x_v, [cbase + 2])
        p1 = plsc.load_gather(x_v, [cbase + 3])

        nan0 = hs0 != hs0
        nan1 = hs1 != hs1
        skip1 = hs1 > hs0
        skip2 = nan0 & nan1
        skip3 = nan0 & (hs1 == one_f)
        skip4 = nan1 & (hs0 == zero_f)
        same = (~nan0) & (~nan1) & (hs0 == hs1)
        skip5 = same & (hs0 == zero_f) & (p0 > p1)
        skip6 = same & (hs0 == one_f) & (p1 > p0)
        skip = skip1 | skip2 | skip3 | skip4 | skip5 | skip6

        nd = jnp.where(skip, zero_i, one_i)
        d2 = nd * 2
        d63 = nd * 63
        dmix = nd * mixc

        for p in range(NPAIR):
            if p == 0:
                dvec = d2
            elif p == 1:
                dvec = -d2
            elif p < 33:
                dvec = d63
            elif p == 33:
                dvec = dmix
            else:
                dvec = -d63
            dst = pos0 + 2 * p
            src = dst + dvec
            v = plsc.load_gather(x_v, [src])
            plsc.store_scatter(out_v, [dst], v)

    pltpu.sync_copy(out_v, out_hbm.at[pl.ds(base, WORDS_PER_W)])


def kernel(X):
    flat = X.reshape(-1)
    n = flat.shape[0]
    mesh = plsc.VectorSubcoreMesh(
        core_axis_name="c", subcore_axis_name="s", num_cores=2, num_subcores=16
    )
    out = pl.kernel(
        _body,
        out_type=jax.ShapeDtypeStruct((n,), jnp.float32),
        mesh=mesh,
        compiler_params=pltpu.CompilerParams(needs_layout_passes=False),
        scratch_types=[
            pltpu.VMEM((WORDS_PER_W,), jnp.float32),
            pltpu.VMEM((WORDS_PER_W,), jnp.float32),
        ],
    )(flat)
    return out.reshape(X.shape)

# --- scband reference (transcript-rebuilt; emitter-appended) ---
"""Pipeline reference for scband-hand-input-sorter-48636209660396 (READ-ONLY COPY).

The authoritative reference and input builder live on the scoring server;
editing this copy changes nothing except your own understanding.
"""

import jax, jax.numpy as jnp
import numpy as np

# --- CSV_Architecture_v2 (reconstructed) ---
# frame layout (len 130):
#   0: handedness_0 label, 1: handedness_0 prob,
#   2: handedness_1 label, 3: handedness_1 prob,
#   4:67   hand_0 landmarks (21*3),
#   67:130 hand_1 landmarks (21*3)
FRAME_LEN = 130
IDX_H0, IDX_P0, IDX_H1, IDX_P1 = 0, 1, 2, 3
IDXS_0 = np.array([0, 1] + list(range(4, 67)), dtype=np.int64)
IDXS_1 = np.array([2, 3] + list(range(67, 130)), dtype=np.int64)
_perm = np.arange(FRAME_LEN, dtype=np.int64)
_tmp0 = _perm[IDXS_0].copy()
_perm[IDXS_0] = _perm[IDXS_1]
_perm[IDXS_1] = _tmp0
SWAP_PATTERN = jnp.asarray(_perm)


def setup_inputs(seed: int = 0) -> dict:
    key = jax.random.key(seed)
    X = jax.random.normal(key, (64, 128, 130), dtype=jnp.float32)
    return {"X": X}


def reference(X):
    # strategy == 'mp_max_prob'
    hs0 = X[..., IDX_H0]
    p0 = X[..., IDX_P0]
    hs1 = X[..., IDX_H1]
    p1 = X[..., IDX_P1]

    nan0 = jnp.isnan(hs0)
    nan1 = jnp.isnan(hs1)
    nan_count = nan0.astype(jnp.float32) + nan1.astype(jnp.float32)

    c0 = jnp.float32(0.0)
    c1 = jnp.float32(1.0)
    c2 = jnp.float32(2.0)

    # skip1: left/right already at correct positions
    skip1 = hs1 > hs0
    # skip2: no hand detected at all
    skip2 = nan_count == c2
    # skip3: only hand_1 present and it is a right hand
    skip3 = jnp.logical_and(nan0, hs1 == c1)
    # skip4: only hand_0 present and it is a left hand
    skip4 = jnp.logical_and(nan1, hs0 == c0)
    # skip5: two left hands, higher-prob one keeps position 0
    both = jnp.logical_and(nan_count == c0, hs0 == hs1)
    skip5 = jnp.logical_and(both, jnp.logical_and(hs0 == c0, p0 > p1))
    # skip6: two right hands, higher-prob one keeps position 1
    skip6 = jnp.logical_and(both, jnp.logical_and(hs0 == c1, p1 > p0))

    skip = skip1 | skip2 | skip3 | skip4 | skip5 | skip6

    swapped = jnp.take(X, SWAP_PATTERN, axis=-1)
    out = jnp.where(skip[..., None], X, swapped)
    return out

if __name__ == "__main__":
    import jax
    _d = setup_inputs()
    print(jax.jit(kernel)(*tuple(_d.values())))

</pallas_src>

<mosaic_0001>
#map = affine_map<(d0, d1) -> (0)>
module attributes {stable_mosaic.version = 14 : i64} {
  func.func @_body(%arg0: i32, %arg1: i32, %arg2: memref<1064960xf32, #tpu.memory_space<hbm>>, %arg3: memref<1064960xf32, #tpu.memory_space<hbm>>, %arg4: memref<33280xf32, #tpu.memory_space<vmem>>, %arg5: memref<33280xf32, #tpu.memory_space<vmem>>) attributes {dimension_semantics = [#tpu.dimension_semantics<core_parallel>, #tpu.dimension_semantics<subcore_parallel>], iteration_bounds = array<i64: 2, 16>, scalar_prefetch = 0 : i64, scratch_operands = 2 : i64, tpu.core_type = #tpu.core_type<sc_vector_subcore>, window_params = [{transform_indices = #map}, {transform_indices = #map}]} {
    %mul3A = arith.constant 2 : i32
    %mul3A_0 = arith.muli %arg1, %mul3A : i32
    %add3A = arith.addi %mul3A_0, %arg0 : i32
    %mul3A_1 = arith.constant 33280 : i32
    %mul3A_2 = arith.muli %add3A, %mul3A_1 : i32
    "tpu.region"() ({
      %run_scoped3A = tpu.sem_alloc : memref<!tpu.dma_semaphore, #tpu.memory_space<semaphore_mem>>
      %dma_start3A = tpu.memref_slice %arg2[%mul3A_2] : memref<1064960xf32, #tpu.memory_space<hbm>> -> memref<33280xf32, #tpu.memory_space<hbm>>
      %dma_start3A_21 = tpu.memref_slice %arg2[%mul3A_2] : memref<1064960xf32, #tpu.memory_space<hbm>> -> memref<33280xf32, #tpu.memory_space<hbm>>
      tpu.enqueue_dma source(%dma_start3A_21 : memref<33280xf32, #tpu.memory_space<hbm>>) target(%arg4 : memref<33280xf32, #tpu.memory_space<vmem>>) target_semaphore(%run_scoped3A : memref<!tpu.dma_semaphore, #tpu.memory_space<semaphore_mem>>)
      %dma_wait3A = tpu.memref_slice %arg2[%mul3A_2] : memref<1064960xf32, #tpu.memory_space<hbm>> -> memref<33280xf32, #tpu.memory_space<hbm>>
      %dma_wait3A_22 = tpu.memref_slice %arg2[%mul3A_2] : memref<1064960xf32, #tpu.memory_space<hbm>> -> memref<33280xf32, #tpu.memory_space<hbm>>
      tpu.wait_dma2 semaphore(%run_scoped3A : memref<!tpu.dma_semaphore, #tpu.memory_space<semaphore_mem>>) src(%dma_wait3A_22 : memref<33280xf32, #tpu.memory_space<hbm>>) dst(%arg4 : memref<33280xf32, #tpu.memory_space<vmem>>)
      tpu.yield
    }) : () -> ()
    %iota3A = tpu.iota {dimensions = array<i32: 0>} : vector<16xi32>
    %and3A = arith.constant 7 : i32
    %and3A_3 = vector.broadcast %and3A : i32 to vector<16xi32>
    %and3A_4 = arith.andi %iota3A, %and3A_3 : vector<16xi32>
    %shift_right_arithmetic3A = arith.constant 3 : i32
    %shift_right_arithmetic3A_5 = vector.broadcast %shift_right_arithmetic3A : i32 to vector<16xi32>
    %shift_right_arithmetic3A_6 = arith.shrsi %iota3A, %shift_right_arithmetic3A_5 : vector<16xi32>
    %broadcast_in_dim3A = arith.constant 0 : i32
    %broadcast_in_dim3A_7 = vector.broadcast %broadcast_in_dim3A : i32 to vector<16xi32>
    %broadcast_in_dim3A_8 = arith.constant 1 : i32
    %broadcast_in_dim3A_9 = vector.broadcast %broadcast_in_dim3A_8 : i32 to vector<16xi32>
    %broadcast_in_dim3A_10 = arith.constant 0.000000e+00 : f32
    %broadcast_in_dim3A_11 = vector.broadcast %broadcast_in_dim3A_10 : f32 to vector<16xf32>
    %broadcast_in_dim3A_12 = arith.constant 1.000000e+00 : f32
    %broadcast_in_dim3A_13 = vector.broadcast %broadcast_in_dim3A_12 : f32 to vector<16xf32>
    %mul3A_14 = arith.constant 126 : i32
    %mul3A_15 = vector.broadcast %mul3A_14 : i32 to vector<16xi32>
    %mul3A_16 = arith.muli %mul3A_15, %shift_right_arithmetic3A_6 : vector<16xi32>
    %sub3A = arith.constant 63 : i32
    %sub3A_17 = vector.broadcast %sub3A : i32 to vector<16xi32>
    %sub3A_18 = arith.subi %sub3A_17, %mul3A_16 : vector<16xi32>
    %parallel_loop3A = arith.constant 0 : i32
    %parallel_loop3A_19 = arith.constant 32 : i32
    %parallel_loop3A_20 = arith.constant 1 : i32
    scf.for %parallel_loop3A_21 = %parallel_loop3A to %parallel_loop3A_19 step %parallel_loop3A_20  : i32 {
      %parallel_loop3A_22 = arith.constant 8 : i32
      %parallel_loop3A_23 = arith.muli %parallel_loop3A_21, %parallel_loop3A_22 : i32
      %parallel_loop3A_24 = vector.broadcast %parallel_loop3A_23 : i32 to vector<16xi32>
      %parallel_loop3A_25 = arith.addi %parallel_loop3A_24, %and3A_4 : vector<16xi32>
      %parallel_loop3A_26 = arith.constant 130 : i32
      %parallel_loop3A_27 = vector.broadcast %parallel_loop3A_26 : i32 to vector<16xi32>
      %parallel_loop3A_28 = arith.muli %parallel_loop3A_25, %parallel_loop3A_27 : vector<16xi32>
      %parallel_loop3A_29 = arith.addi %parallel_loop3A_28, %shift_right_arithmetic3A_6 : vector<16xi32>
      %parallel_loop3A_30 = tpu.vector_load_idx %arg4[%parallel_loop3A_28] : memref<33280xf32, #tpu.memory_space<vmem>>[vector<16xi32>], vector<16xf32>,
      %parallel_loop3A_31 = arith.constant 1 : i32
      %parallel_loop3A_32 = vector.broadcast %parallel_loop3A_31 : i32 to vector<16xi32>
      %parallel_loop3A_33 = arith.addi %parallel_loop3A_28, %parallel_loop3A_32 : vector<16xi32>
      %parallel_loop3A_34 = tpu.vector_load_idx %arg4[%parallel_loop3A_33] : memref<33280xf32, #tpu.memory_space<vmem>>[vector<16xi32>], vector<16xf32>,
      %parallel_loop3A_35 = arith.constant 2 : i32
      %parallel_loop3A_36 = vector.broadcast %parallel_loop3A_35 : i32 to vector<16xi32>
      %parallel_loop3A_37 = arith.addi %parallel_loop3A_28, %parallel_loop3A_36 : vector<16xi32>
      %parallel_loop3A_38 = tpu.vector_load_idx %arg4[%parallel_loop3A_37] : memref<33280xf32, #tpu.memory_space<vmem>>[vector<16xi32>], vector<16xf32>,
      %parallel_loop3A_39 = arith.constant 3 : i32
      %parallel_loop3A_40 = vector.broadcast %parallel_loop3A_39 : i32 to vector<16xi32>
      %parallel_loop3A_41 = arith.addi %parallel_loop3A_28, %parallel_loop3A_40 : vector<16xi32>
      %parallel_loop3A_42 = tpu.vector_load_idx %arg4[%parallel_loop3A_41] : memref<33280xf32, #tpu.memory_space<vmem>>[vector<16xi32>], vector<16xf32>,
      %parallel_loop3A_43 = arith.cmpf one, %parallel_loop3A_30, %parallel_loop3A_30 : vector<16xf32>
      %parallel_loop3A_44 = arith.cmpf one, %parallel_loop3A_38, %parallel_loop3A_38 : vector<16xf32>
      %parallel_loop3A_45 = arith.cmpf ogt, %parallel_loop3A_38, %parallel_loop3A_30 : vector<16xf32>
      %parallel_loop3A_46 = arith.andi %parallel_loop3A_43, %parallel_loop3A_44 : vector<16xi1>
      %parallel_loop3A_47 = arith.cmpf oeq, %parallel_loop3A_38, %broadcast_in_dim3A_13 : vector<16xf32>
      %parallel_loop3A_48 = arith.andi %parallel_loop3A_43, %parallel_loop3A_47 : vector<16xi1>
      %parallel_loop3A_49 = arith.cmpf oeq, %parallel_loop3A_30, %broadcast_in_dim3A_11 : vector<16xf32>
      %parallel_loop3A_50 = arith.andi %parallel_loop3A_44, %parallel_loop3A_49 : vector<16xi1>
      %parallel_loop3A_51 = arith.constant dense<true> : vector<16xi1>
      %parallel_loop3A_52 = arith.xori %parallel_loop3A_43, %parallel_loop3A_51 : vector<16xi1>
      %parallel_loop3A_53 = arith.constant dense<true> : vector<16xi1>
      %parallel_loop3A_54 = arith.xori %parallel_loop3A_44, %parallel_loop3A_53 : vector<16xi1>
      %parallel_loop3A_55 = arith.andi %parallel_loop3A_52, %parallel_loop3A_54 : vector<16xi1>
      %parallel_loop3A_56 = arith.cmpf oeq, %parallel_loop3A_30, %parallel_loop3A_38 : vector<16xf32>
      %parallel_loop3A_57 = arith.andi %parallel_loop3A_55, %parallel_loop3A_56 : vector<16xi1>
      %parallel_loop3A_58 = arith.cmpf oeq, %parallel_loop3A_30, %broadcast_in_dim3A_11 : vector<16xf32>
      %parallel_loop3A_59 = arith.andi %parallel_loop3A_57, %parallel_loop3A_58 : vector<16xi1>
      %parallel_loop3A_60 = arith.cmpf ogt, %parallel_loop3A_34, %parallel_loop3A_42 : vector<16xf32>
      %parallel_loop3A_61 = arith.andi %parallel_loop3A_59, %parallel_loop3A_60 : vector<16xi1>
      %parallel_loop3A_62 = arith.cmpf oeq, %parallel_loop3A_30, %broadcast_in_dim3A_13 : vector<16xf32>
      %parallel_loop3A_63 = arith.andi %parallel_loop3A_57, %parallel_loop3A_62 : vector<16xi1>
      %parallel_loop3A_64 = arith.cmpf ogt, %parallel_loop3A_42, %parallel_loop3A_34 : vector<16xf32>
      %parallel_loop3A_65 = arith.andi %parallel_loop3A_63, %parallel_loop3A_64 : vector<16xi1>
      %parallel_loop3A_66 = arith.ori %parallel_loop3A_45, %parallel_loop3A_46 : vector<16xi1>
      %parallel_loop3A_67 = arith.ori %parallel_loop3A_66, %parallel_loop3A_48 : vector<16xi1>
      %parallel_loop3A_68 = arith.ori %parallel_loop3A_67, %parallel_loop3A_50 : vector<16xi1>
      %parallel_loop3A_69 = arith.ori %parallel_loop3A_68, %parallel_loop3A_61 : vector<16xi1>
      %parallel_loop3A_70 = arith.ori %parallel_loop3A_69, %parallel_loop3A_65 : vector<16xi1>
      %parallel_loop3A_71 = arith.select %parallel_loop3A_70, %broadcast_in_dim3A_7, %broadcast_in_dim3A_9 : vector<16xi1>, vector<16xi32>
      %parallel_loop3A_72 = arith.constant 2 : i32
      %parallel_loop3A_73 = vector.broadcast %parallel_loop3A_72 : i32 to vector<16xi32>
      %parallel_loop3A_74 = arith.muli %parallel_loop3A_71, %parallel_loop3A_73 : vector<16xi32>
      %parallel_loop3A_75 = arith.constant 63 : i32
      %parallel_loop3A_76 = vector.broadcast %parallel_loop3A_75 : i32 to vector<16xi32>
      %parallel_loop3A_77 = arith.muli %parallel_loop3A_71, %parallel_loop3A_76 : vector<16xi32>
      %parallel_loop3A_78 = arith.muli %parallel_loop3A_71, %sub3A_18 : vector<16xi32>
      %parallel_loop3A_79 = arith.constant 0 : i32
      %parallel_loop3A_80 = vector.broadcast %parallel_loop3A_79 : i32 to vector<16xi32>
      %parallel_loop3A_81 = arith.addi %parallel_loop3A_29, %parallel_loop3A_80 : vector<16xi32>
      %parallel_loop3A_82 = arith.addi %parallel_loop3A_81, %parallel_loop3A_74 : vector<16xi32>
      %parallel_loop3A_83 = tpu.vector_load_idx %arg4[%parallel_loop3A_82] : memref<33280xf32, #tpu.memory_space<vmem>>[vector<16xi32>], vector<16xf32>,
      tpu.vector_store_idx %arg5[%parallel_loop3A_81], %parallel_loop3A_83 : memref<33280xf32, #tpu.memory_space<vmem>>[vector<16xi32>], vector<16xf32>,
      %parallel_loop3A_84 = arith.constant 0 : i32
      %parallel_loop3A_85 = vector.broadcast %parallel_loop3A_84 : i32 to vector<16xi32>
      %parallel_loop3A_86 = arith.subi %parallel_loop3A_85, %parallel_loop3A_74 : vector<16xi32>
      %parallel_loop3A_87 = arith.constant 2 : i32
      %parallel_loop3A_88 = vector.broadcast %parallel_loop3A_87 : i32 to vector<16xi32>
      %parallel_loop3A_89 = arith.addi %parallel_loop3A_29, %parallel_loop3A_88 : vector<16xi32>
      %parallel_loop3A_90 = arith.addi %parallel_loop3A_89, %parallel_loop3A_86 : vector<16xi32>
      %parallel_loop3A_91 = tpu.vector_load_idx %arg4[%parallel_loop3A_90] : memref<33280xf32, #tpu.memory_space<vmem>>[vector<16xi32>], vector<16xf32>,
      tpu.vector_store_idx %arg5[%parallel_loop3A_89], %parallel_loop3A_91 : memref<33280xf32, #tpu.memory_space<vmem>>[vector<16xi32>], vector<16xf32>,
      %parallel_loop3A_92 = arith.constant 4 : i32
      %parallel_loop3A_93 = vector.broadcast %parallel_loop3A_92 : i32 to vector<16xi32>
      %parallel_loop3A_94 = arith.addi %parallel_loop3A_29, %parallel_loop3A_93 : vector<16xi32>
      %parallel_loop3A_95 = arith.addi %parallel_loop3A_94, %parallel_loop3A_77 : vector<16xi32>
      %parallel_loop3A_96 = tpu.vector_load_idx %arg4[%parallel_loop3A_95] : memref<33280xf32, #tpu.memory_space<vmem>>[vector<16xi32>], vector<16xf32>,
      tpu.vector_store_idx %arg5[%parallel_loop3A_94], %parallel_loop3A_96 : memref<33280xf32, #tpu.memory_space<vmem>>[vector<16xi32>], vector<16xf32>,
      %parallel_loop3A_97 = arith.constant 6 : i32
      %parallel_loop3A_98 = vector.broadcast %parallel_loop3A_97 : i32 to vector<16xi32>
      %parallel_loop3A_99 = arith.addi %parallel_loop3A_29, %parallel_loop3A_98 : vector<16xi32>
      %parallel_loop3A_100 = arith.addi %parallel_loop3A_99, %parallel_loop3A_77 : vector<16xi32>
      %parallel_loop3A_101 = tpu.vector_load_idx %arg4[%parallel_loop3A_100] : memref<33280xf32, #tpu.memory_space<vmem>>[vector<16xi32>], vector<16xf32>,
      tpu.vector_store_idx %arg5[%parallel_loop3A_99], %parallel_loop3A_101 : memref<33280xf32, #tpu.memory_space<vmem>>[vector<16xi32>], vector<16xf32>,
      %parallel_loop3A_102 = arith.constant 8 : i32
      %parallel_loop3A_103 = vector.broadcast %parallel_loop3A_102 : i32 to vector<16xi32>
      %parallel_loop3A_104 = arith.addi %parallel_loop3A_29, %parallel_loop3A_103 : vector<16xi32>
      %parallel_loop3A_105 = arith.addi %parallel_loop3A_104, %parallel_loop3A_77 : vector<16xi32>
      %parallel_loop3A_106 = tpu.vector_load_idx %arg4[%parallel_loop3A_105] : memref<33280xf32, #tpu.memory_space<vmem>>[vector<16xi32>], vector<16xf32>,
      tpu.vector_store_idx %arg5[%parallel_loop3A_104], %parallel_loop3A_106 : memref<33280xf32, #tpu.memory_space<vmem>>[vector<16xi32>], vector<16xf32>,
      %parallel_loop3A_107 = arith.constant 10 : i32
      %parallel_loop3A_108 = vector.broadcast %parallel_loop3A_107 : i32 to vector<16xi32>
      %parallel_loop3A_109 = arith.addi %parallel_loop3A_29, %parallel_loop3A_108 : vector<16xi32>
      %parallel_loop3A_110 = arith.addi %parallel_loop3A_109, %parallel_loop3A_77 : vector<16xi32>
      %parallel_loop3A_111 = tpu.vector_load_idx %arg4[%parallel_loop3A_110] : memref<33280xf32, #tpu.memory_space<vmem>>[vector<16xi32>], vector<16xf32>,
      tpu.vector_store_idx %arg5[%parallel_loop3A_109], %parallel_loop3A_111 : memref<33280xf32, #tpu.memory_space<vmem>>[vector<16xi32>], vector<16xf32>,
      %parallel_loop3A_112 = arith.constant 12 : i32
      %parallel_loop3A_113 = vector.broadcast %parallel_loop3A_112 : i32 to vector<16xi32>
      %parallel_loop3A_114 = arith.addi %parallel_loop3A_29, %parallel_loop3A_113 : vector<16xi32>
      %parallel_loop3A_115 = arith.addi %parallel_loop3A_114, %parallel_loop3A_77 : vector<16xi32>
      %parallel_loop3A_116 = tpu.vector_load_idx %arg4[%parallel_loop3A_115] : memref<33280xf32, #tpu.memory_space<vmem>>[vector<16xi32>], vector<16xf32>,
      tpu.vector_store_idx %arg5[%parallel_loop3A_114], %parallel_loop3A_116 : memref<33280xf32, #tpu.memory_space<vmem>>[vector<16xi32>], vector<16xf32>,
      %parallel_loop3A_117 = arith.constant 14 : i32
      %parallel_loop3A_118 = vector.broadcast %parallel_loop3A_117 : i32 to vector<16xi32>
      %parallel_loop3A_119 = arith.addi %parallel_loop3A_29, %parallel_loop3A_118 : vector<16xi32>
      %parallel_loop3A_120 = arith.addi %parallel_loop3A_119, %parallel_loop3A_77 : vector<16xi32>
      %parallel_loop3A_121 = tpu.vector_load_idx %arg4[%parallel_loop3A_120] : memref<33280xf32, #tpu.memory_space<vmem>>[vector<16xi32>], vector<16xf32>,
      tpu.vector_store_idx %arg5[%parallel_loop3A_119], %parallel_loop3A_121 : memref<33280xf32, #tpu.memory_space<vmem>>[vector<16xi32>], vector<16xf32>,
      %parallel_loop3A_122 = arith.constant 16 : i32
      %parallel_loop3A_123 = vector.broadcast %parallel_loop3A_122 : i32 to vector<16xi32>
      %parallel_loop3A_124 = arith.addi %parallel_loop3A_29, %parallel_loop3A_123 : vector<16xi32>
      %parallel_loop3A_125 = arith.addi %parallel_loop3A_124, %parallel_loop3A_77 : vector<16xi32>
      %parallel_loop3A_126 = tpu.vector_load_idx %arg4[%parallel_loop3A_125] : memref<33280xf32, #tpu.memory_space<vmem>>[vector<16xi32>], vector<16xf32>,
      tpu.vector_store_idx %arg5[%parallel_loop3A_124], %parallel_loop3A_126 : memref<33280xf32, #tpu.memory_space<vmem>>[vector<16xi32>], vector<16xf32>,
      %parallel_loop3A_127 = arith.constant 18 : i32
      %parallel_loop3A_128 = vector.broadcast %parallel_loop3A_127 : i32 to vector<16xi32>
      %parallel_loop3A_129 = arith.addi %parallel_loop3A_29, %parallel_loop3A_128 : vector<16xi32>
      %parallel_loop3A_130 = arith.addi %parallel_loop3A_129, %parallel_loop3A_77 : vector<16xi32>
      %parallel_loop3A_131 = tpu.vector_load_idx %arg4[%parallel_loop3A_130] : memref<33280xf32, #tpu.memory_space<vmem>>[vector<16xi32>], vector<16xf32>,
      tpu.vector_store_idx %arg5[%parallel_loop3A_129], %parallel_loop3A_131 : memref<33280xf32, #tpu.memory_space<vmem>>[vector<16xi32>], vector<16xf32>,
      %parallel_loop3A_132 = arith.constant 20 : i32
      %parallel_loop3A_133 = vector.broadcast %parallel_loop3A_132 : i32 to vector<16xi32>
      %parallel_loop3A_134 = arith.addi %parallel_loop3A_29, %parallel_loop3A_133 : vector<16xi32>
      %parallel_loop3A_135 = arith.addi %parallel_loop3A_134, %parallel_loop3A_77 : vector<16xi32>
      %parallel_loop3A_136 = tpu.vector_load_idx %arg4[%parallel_loop3A_135] : memref<33280xf32, #tpu.memory_space<vmem>>[vector<16xi32>], vector<16xf32>,
      tpu.vector_store_idx %arg5[%parallel_loop3A_134], %parallel_loop3A_136 : memref<33280xf32, #tpu.memory_space<vmem>>[vector<16xi32>], vector<16xf32>,
      %parallel_loop3A_137 = arith.constant 22 : i32
      %parallel_loop3A_138 = vector.broadcast %parallel_loop3A_137 : i32 to vector<16xi32>
      %parallel_loop3A_139 = arith.addi %parallel_loop3A_29, %parallel_loop3A_138 : vector<16xi32>
      %parallel_loop3A_140 = arith.addi %parallel_loop3A_139, %parallel_loop3A_77 : vector<16xi32>
      %parallel_loop3A_141 = tpu.vector_load_idx %arg4[%parallel_loop3A_140] : memref<33280xf32, #tpu.memory_space<vmem>>[vector<16xi32>], vector<16xf32>,
      tpu.vector_store_idx %arg5[%parallel_loop3A_139], %parallel_loop3A_141 : memref<33280xf32, #tpu.memory_space<vmem>>[vector<16xi32>], vector<16xf32>,
      %parallel_loop3A_142 = arith.constant 24 : i32
      %parallel_loop3A_143 = vector.broadcast %parallel_loop3A_142 : i32 to vector<16xi32>
      %parallel_loop3A_144 = arith.addi %parallel_loop3A_29, %parallel_loop3A_143 : vector<16xi32>
      %parallel_loop3A_145 = arith.addi %parallel_loop3A_144, %parallel_loop3A_77 : vector<16xi32>
      %parallel_loop3A_146 = tpu.vector_load_idx %arg4[%parallel_loop3A_145] : memref<33280xf32, #tpu.memory_space<vmem>>[vector<16xi32>], vector<16xf32>,
      tpu.vector_store_idx %arg5[%parallel_loop3A_144], %parallel_loop3A_146 : memref<33280xf32, #tpu.memory_space<vmem>>[vector<16xi32>], vector<16xf32>,
      %parallel_loop3A_147 = arith.constant 26 : i32
      %parallel_loop3A_148 = vector.broadcast %parallel_loop3A_147 : i32 to vector<16xi32>
      %parallel_loop3A_149 = arith.addi %parallel_loop3A_29, %parallel_loop3A_148 : vector<16xi32>
      %parallel_loop3A_150 = arith.addi %parallel_loop3A_149, %parallel_loop3A_77 : vector<16xi32>
      %parallel_loop3A_151 = tpu.vector_load_idx %arg4[%parallel_loop3A_150] : memref<33280xf32, #tpu.memory_space<vmem>>[vector<16xi32>], vector<16xf32>,
      tpu.vector_store_idx %arg5[%parallel_loop3A_149], %parallel_loop3A_151 : memref<33280xf32, #tpu.memory_space<vmem>>[vector<16xi32>], vector<16xf32>,
      %parallel_loop3A_152 = arith.constant 28 : i32
      %parallel_loop3A_153 = vector.broadcast %parallel_loop3A_152 : i32 to vector<16xi32>
      %parallel_loop3A_154 = arith.addi %parallel_loop3A_29, %parallel_loop3A_153 : vector<16xi32>
      %parallel_loop3A_155 = arith.addi %parallel_loop3A_154, %parallel_loop3A_77 : vector<16xi32>
      %parallel_loop3A_156 = tpu.vector_load_idx %arg4[%parallel_loop3A_155] : memref<33280xf32, #tpu.memory_space<vmem>>[vector<16xi32>], vector<16xf32>,
      tpu.vector_store_idx %arg5[%parallel_loop3A_154], %parallel_loop3A_156 : memref<33280xf32, #tpu.memory_space<vmem>>[vector<16xi32>], vector<16xf32>,
      %parallel_loop3A_157 = arith.constant 30 : i32
      %parallel_loop3A_158 = vector.broadcast %parallel_loop3A_157 : i32 to vector<16xi32>
      %parallel_loop3A_159 = arith.addi %parallel_loop3A_29, %parallel_loop3A_158 : vector<16xi32>
      %parallel_loop3A_160 = arith.addi %parallel_loop3A_159, %parallel_loop3A_77 : vector<16xi32>
      %parallel_loop3A_161 = tpu.vector_load_idx %arg4[%parallel_loop3A_160] : memref<33280xf32, #tpu.memory_space<vmem>>[vector<16xi32>], vector<16xf32>,
      tpu.vector_store_idx %arg5[%parallel_loop3A_159], %parallel_loop3A_161 : memref<33280xf32, #tpu.memory_space<vmem>>[vector<16xi32>], vector<16xf32>,
      %parallel_loop3A_162 = arith.constant 32 : i32
      %parallel_loop3A_163 = vector.broadcast %parallel_loop3A_162 : i32 to vector<16xi32>
      %parallel_loop3A_164 = arith.addi %parallel_loop3A_29, %parallel_loop3A_163 : vector<16xi32>
      %parallel_loop3A_165 = arith.addi %parallel_loop3A_164, %parallel_loop3A_77 : vector<16xi32>
      %parallel_loop3A_166 = tpu.vector_load_idx %arg4[%parallel_loop3A_165] : memref<33280xf32, #tpu.memory_space<vmem>>[vector<16xi32>], vector<16xf32>,
      tpu.vector_store_idx %arg5[%parallel_loop3A_164], %parallel_loop3A_166 : memref<33280xf32, #tpu.memory_space<vmem>>[vector<16xi32>], vector<16xf32>,
      %parallel_loop3A_167 = arith.constant 34 : i32
      %parallel_loop3A_168 = vector.broadcast %parallel_loop3A_167 : i32 to vector<16xi32>
      %parallel_loop3A_169 = arith.addi %parallel_loop3A_29, %parallel_loop3A_168 : vector<16xi32>
      %parallel_loop3A_170 = arith.addi %parallel_loop3A_169, %parallel_loop3A_77 : vector<16xi32>
      %parallel_loop3A_171 = tpu.vector_load_idx %arg4[%parallel_loop3A_170] : memref<33280xf32, #tpu.memory_space<vmem>>[vector<16xi32>], vector<16xf32>,
      tpu.vector_store_idx %arg5[%parallel_loop3A_169], %parallel_loop3A_171 : memref<33280xf32, #tpu.memory_space<vmem>>[vector<16xi32>], vector<16xf32>,
      %parallel_loop3A_172 = arith.constant 36 : i32
      %parallel_loop3A_173 = vector.broadcast %parallel_loop3A_172 : i32 to vector<16xi32>
      %parallel_loop3A_174 = arith.addi %parallel_loop3A_29, %parallel_loop3A_173 : vector<16xi32>
      %parallel_loop3A_175 = arith.addi %parallel_loop3A_174, %parallel_loop3A_77 : vector<16xi32>
      %parallel_loop3A_176 = tpu.vector_load_idx %arg4[%parallel_loop3A_175] : memref<33280xf32, #tpu.memory_space<vmem>>[vector<16xi32>], vector<16xf32>,
      tpu.vector_store_idx %arg5[%parallel_loop3A_174], %parallel_loop3A_176 : memref<33280xf32, #tpu.memory_space<vmem>>[vector<16xi32>], vector<16xf32>,
      %parallel_loop3A_177 = arith.constant 38 : i32
      %parallel_loop3A_178 = vector.broadcast %parallel_loop3A_177 : i32 to vector<16xi32>
      %parallel_loop3A_179 = arith.addi %parallel_loop3A_29, %parallel_loop3A_178 : vector<16xi32>
      %parallel_loop3A_180 = arith.addi %parallel_loop3A_179, %parallel_loop3A_77 : vector<16xi32>
      %parallel_loop3A_181 = tpu.vector_load_idx %arg4[%parallel_loop3A_180] : memref<33280xf32, #tpu.memory_space<vmem>>[vector<16xi32>], vector<16xf32>,
      tpu.vector_store_idx %arg5[%parallel_loop3A_179], %parallel_loop3A_181 : memref<33280xf32, #tpu.memory_space<vmem>>[vector<16xi32>], vector<16xf32>,
      %parallel_loop3A_182 = arith.constant 40 : i32
      %parallel_loop3A_183 = vector.broadcast %parallel_loop3A_182 : i32 to vector<16xi32>
      %parallel_loop3A_184 = arith.addi %parallel_loop3A_29, %parallel_loop3A_183 : vector<16xi32>
      %parallel_loop3A_185 = arith.addi %parallel_loop3A_184, %parallel_loop3A_77 : vector<16xi32>
      %parallel_loop3A_186 = tpu.vector_load_idx %arg4[%parallel_loop3A_185] : memref<33280xf32, #tpu.memory_space<vmem>>[vector<16xi32>], vector<16xf32>,
      tpu.vector_store_idx %arg5[%parallel_loop3A_184], %parallel_loop3A_186 : memref<33280xf32, #tpu.memory_space<vmem>>[vector<16xi32>], vector<16xf32>,
      %parallel_loop3A_187 = arith.constant 42 : i32
      %parallel_loop3A_188 = vector.broadcast %parallel_loop3A_187 : i32 to vector<16xi32>
      %parallel_loop3A_189 = arith.addi %parallel_loop3A_29, %parallel_loop3A_188 : vector<16xi32>
      %parallel_loop3A_190 = arith.addi %parallel_loop3A_189, %parallel_loop3A_77 : vector<16xi32>
      %parallel_loop3A_191 = tpu.vector_load_idx %arg4[%parallel_loop3A_190] : memref<33280xf32, #tpu.memory_space<vmem>>[vector<16xi32>], vector<16xf32>,
      tpu.vector_store_idx %arg5[%parallel_loop3A_189], %parallel_loop3A_191 : memref<33280xf32, #tpu.memory_space<vmem>>[vector<16xi32>], vector<16xf32>,
      %parallel_loop3A_192 = arith.constant 44 : i32
      %parallel_loop3A_193 = vector.broadcast %parallel_loop3A_192 : i32 to vector<16xi32>
      %parallel_loop3A_194 = arith.addi %parallel_loop3A_29, %parallel_loop3A_193 : vector<16xi32>
      %parallel_loop3A_195 = arith.addi %parallel_loop3A_194, %parallel_loop3A_77 : vector<16xi32>
      %parallel_loop3A_196 = tpu.vector_load_idx %arg4[%parallel_loop3A_195] : memref<33280xf32, #tpu.memory_space<vmem>>[vector<16xi32>], vector<16xf32>,
      tpu.vector_store_idx %arg5[%parallel_loop3A_194], %parallel_loop3A_196 : memref<33280xf32, #tpu.memory_space<vmem>>[vector<16xi32>], vector<16xf32>,
      %parallel_loop3A_197 = arith.constant 46 : i32
      %parallel_loop3A_198 = vector.broadcast %parallel_loop3A_197 : i32 to vector<16xi32>
      %parallel_loop3A_199 = arith.addi %parallel_loop3A_29, %parallel_loop3A_198 : vector<16xi32>
      %parallel_loop3A_200 = arith.addi %parallel_loop3A_199, %parallel_loop3A_77 : vector<16xi32>
      %parallel_loop3A_201 = tpu.vector_load_idx %arg4[%parallel_loop3A_200] : memref<33280xf32, #tpu.memory_space<vmem>>[vector<16xi32>], vector<16xf32>,
      tpu.vector_store_idx %arg5[%parallel_loop3A_199], %parallel_loop3A_201 : memref<33280xf32, #tpu.memory_space<vmem>>[vector<16xi32>], vector<16xf32>,
      %parallel_loop3A_202 = arith.constant 48 : i32
      %parallel_loop3A_203 = vector.broadcast %parallel_loop3A_202 : i32 to vector<16xi32>
      %parallel_loop3A_204 = arith.addi %parallel_loop3A_29, %parallel_loop3A_203 : vector<16xi32>
      %parallel_loop3A_205 = arith.addi %parallel_loop3A_204, %parallel_loop3A_77 : vector<16xi32>
      %parallel_loop3A_206 = tpu.vector_load_idx %arg4[%parallel_loop3A_205] : memref<33280xf32, #tpu.memory_space<vmem>>[vector<16xi32>], vector<16xf32>,
      tpu.vector_store_idx %arg5[%parallel_loop3A_204], %parallel_loop3A_206 : memref<33280xf32, #tpu.memory_space<vmem>>[vector<16xi32>], vector<16xf32>,
      %parallel_loop3A_207 = arith.constant 50 : i32
      %parallel_loop3A_208 = vector.broadcast %parallel_loop3A_207 : i32 to vector<16xi32>
      %parallel_loop3A_209 = arith.addi %parallel_loop3A_29, %parallel_loop3A_208 : vector<16xi32>
      %parallel_loop3A_210 = arith.addi %parallel_loop3A_209, %parallel_loop3A_77 : vector<16xi32>
      %parallel_loop3A_211 = tpu.vector_load_idx %arg4[%parallel_loop3A_210] : memref<33280xf32, #tpu.memory_space<vmem>>[vector<16xi32>], vector<16xf32>,
      tpu.vector_store_idx %arg5[%parallel_loop3A_209], %parallel_loop3A_211 : memref<33280xf32, #tpu.memory_space<vmem>>[vector<16xi32>], vector<16xf32>,
      %parallel_loop3A_212 = arith.constant 52 : i32
      %parallel_loop3A_213 = vector.broadcast %parallel_loop3A_212 : i32 to vector<16xi32>
      %parallel_loop3A_214 = arith.addi %parallel_loop3A_29, %parallel_loop3A_213 : vector<16xi32>
      %parallel_loop3A_215 = arith.addi %parallel_loop3A_214, %parallel_loop3A_77 : vector<16xi32>
      %parallel_loop3A_216 = tpu.vector_load_idx %arg4[%parallel_loop3A_215] : memref<33280xf32, #tpu.memory_space<vmem>>[vector<16xi32>], vector<16xf32>,
      tpu.vector_store_idx %arg5[%parallel_loop3A_214], %parallel_loop3A_216 : memref<33280xf32, #tpu.memory_space<vmem>>[vector<16xi32>], vector<16xf32>,
      %parallel_loop3A_217 = arith.constant 54 : i32
      %parallel_loop3A_218 = vector.broadcast %parallel_loop3A_217 : i32 to vector<16xi32>
      %parallel_loop3A_219 = arith.addi %parallel_loop3A_29, %parallel_loop3A_218 : vector<16xi32>
      %parallel_loop3A_220 = arith.addi %parallel_loop3A_219, %parallel_loop3A_77 : vector<16xi32>
      %parallel_loop3A_221 = tpu.vector_load_idx %arg4[%parallel_loop3A_220] : memref<33280xf32, #tpu.memory_space<vmem>>[vector<16xi32>], vector<16xf32>,
      tpu.vector_store_idx %arg5[%parallel_loop3A_219], %parallel_loop3A_221 : memref<33280xf32, #tpu.memory_space<vmem>>[vector<16xi32>], vector<16xf32>,
      %parallel_loop3A_222 = arith.constant 56 : i32
      %parallel_loop3A_223 = vector.broadcast %parallel_loop3A_222 : i32 to vector<16xi32>
      %parallel_loop3A_224 = arith.addi %parallel_loop3A_29, %parallel_loop3A_223 : vector<16xi32>
      %parallel_loop3A_225 = arith.addi %parallel_loop3A_224, %parallel_loop3A_77 : vector<16xi32>
      %parallel_loop3A_226 = tpu.vector_load_idx %arg4[%parallel_loop3A_225] : memref<33280xf32, #tpu.memory_space<vmem>>[vector<16xi32>], vector<16xf32>,
      tpu.vector_store_idx %arg5[%parallel_loop3A_224], %parallel_loop3A_226 : memref<33280xf32, #tpu.memory_space<vmem>>[vector<16xi32>], vector<16xf32>,
      %parallel_loop3A_227 = arith.constant 58 : i32
      %parallel_loop3A_228 = vector.broadcast %parallel_loop3A_227 : i32 to vector<16xi32>
      %parallel_loop3A_229 = arith.addi %parallel_loop3A_29, %parallel_loop3A_228 : vector<16xi32>
      %parallel_loop3A_230 = arith.addi %parallel_loop3A_229, %parallel_loop3A_77 : vector<16xi32>
      %parallel_loop3A_231 = tpu.vector_load_idx %arg4[%parallel_loop3A_230] : memref<33280xf32, #tpu.memory_space<vmem>>[vector<16xi32>], vector<16xf32>,
      tpu.vector_store_idx %arg5[%parallel_loop3A_229], %parallel_loop3A_231 : memref<33280xf32, #tpu.memory_space<vmem>>[vector<16xi32>], vector<16xf32>,
      %parallel_loop3A_232 = arith.constant 60 : i32
      %parallel_loop3A_233 = vector.broadcast %parallel_loop3A_232 : i32 to vector<16xi32>
      %parallel_loop3A_234 = arith.addi %parallel_loop3A_29, %parallel_loop3A_233 : vector<16xi32>
      %parallel_loop3A_235 = arith.addi %parallel_loop3A_234, %parallel_loop3A_77 : vector<16xi32>
      %parallel_loop3A_236 = tpu.vector_load_idx %arg4[%parallel_loop3A_235] : memref<33280xf32, #tpu.memory_space<vmem>>[vector<16xi32>], vector<16xf32>,
      tpu.vector_store_idx %arg5[%parallel_loop3A_234], %parallel_loop3A_236 : memref<33280xf32, #tpu.memory_space<vmem>>[vector<16xi32>], vector<16xf32>,
      %parallel_loop3A_237 = arith.constant 62 : i32
      %parallel_loop3A_238 = vector.broadcast %parallel_loop3A_237 : i32 to vector<16xi32>
      %parallel_loop3A_239 = arith.addi %parallel_loop3A_29, %parallel_loop3A_238 : vector<16xi32>
      %parallel_loop3A_240 = arith.addi %parallel_loop3A_239, %parallel_loop3A_77 : vector<16xi32>
      %parallel_loop3A_241 = tpu.vector_load_idx %arg4[%parallel_loop3A_240] : memref<33280xf32, #tpu.memory_space<vmem>>[vector<16xi32>], vector<16xf32>,
      tpu.vector_store_idx %arg5[%parallel_loop3A_239], %parallel_loop3A_241 : memref<33280xf32, #tpu.memory_space<vmem>>[vector<16xi32>], vector<16xf32>,
      %parallel_loop3A_242 = arith.constant 64 : i32
      %parallel_loop3A_243 = vector.broadcast %parallel_loop3A_242 : i32 to vector<16xi32>
      %parallel_loop3A_244 = arith.addi %parallel_loop3A_29, %parallel_loop3A_243 : vector<16xi32>
      %parallel_loop3A_245 = arith.addi %parallel_loop3A_244, %parallel_loop3A_77 : vector<16xi32>
      %parallel_loop3A_246 = tpu.vector_load_idx %arg4[%parallel_loop3A_245] : memref<33280xf32, #tpu.memory_space<vmem>>[vector<16xi32>], vector<16xf32>,
      tpu.vector_store_idx %arg5[%parallel_loop3A_244], %parallel_loop3A_246 : memref<33280xf32, #tpu.memory_space<vmem>>[vector<16xi32>], vector<16xf32>,
      %parallel_loop3A_247 = arith.constant 66 : i32
      %parallel_loop3A_248 = vector.broadcast %parallel_loop3A_247 : i32 to vector<16xi32>
      %parallel_loop3A_249 = arith.addi %parallel_loop3A_29, %parallel_loop3A_248 : vector<16xi32>
      %parallel_loop3A_250 = arith.addi %parallel_loop3A_249, %parallel_loop3A_78 : vector<16xi32>
      %parallel_loop3A_251 = tpu.vector_load_idx %arg4[%parallel_loop3A_250] : memref<33280xf32, #tpu.memory_space<vmem>>[vector<16xi32>], vector<16xf32>,
      tpu.vector_store_idx %arg5[%parallel_loop3A_249], %parallel_loop3A_251 : memref<33280xf32, #tpu.memory_space<vmem>>[vector<16xi32>], vector<16xf32>,
      %parallel_loop3A_252 = arith.constant 0 : i32
      %parallel_loop3A_253 = vector.broadcast %parallel_loop3A_252 : i32 to vector<16xi32>
      %parallel_loop3A_254 = arith.subi %parallel_loop3A_253, %parallel_loop3A_77 : vector<16xi32>
      %parallel_loop3A_255 = arith.constant 68 : i32
      %parallel_loop3A_256 = vector.broadcast %parallel_loop3A_255 : i32 to vector<16xi32>
      %parallel_loop3A_257 = arith.addi %parallel_loop3A_29, %parallel_loop3A_256 : vector<16xi32>
      %parallel_loop3A_258 = arith.addi %parallel_loop3A_257, %parallel_loop3A_254 : vector<16xi32>
      %parallel_loop3A_259 = tpu.vector_load_idx %arg4[%parallel_loop3A_258] : memref<33280xf32, #tpu.memory_space<vmem>>[vector<16xi32>], vector<16xf32>,
      tpu.vector_store_idx %arg5[%parallel_loop3A_257], %parallel_loop3A_259 : memref<33280xf32, #tpu.memory_space<vmem>>[vector<16xi32>], vector<16xf32>,
      %parallel_loop3A_260 = arith.constant 0 : i32
      %parallel_loop3A_261 = vector.broadcast %parallel_loop3A_260 : i32 to vector<16xi32>
      %parallel_loop3A_262 = arith.subi %parallel_loop3A_261, %parallel_loop3A_77 : vector<16xi32>
      %parallel_loop3A_263 = arith.constant 70 : i32
      %parallel_loop3A_264 = vector.broadcast %parallel_loop3A_263 : i32 to vector<16xi32>
      %parallel_loop3A_265 = arith.addi %parallel_loop3A_29, %parallel_loop3A_264 : vector<16xi32>
      %parallel_loop3A_266 = arith.addi %parallel_loop3A_265, %parallel_loop3A_262 : vector<16xi32>
      %parallel_loop3A_267 = tpu.vector_load_idx %arg4[%parallel_loop3A_266] : memref<33280xf32, #tpu.memory_space<vmem>>[vector<16xi32>], vector<16xf32>,
      tpu.vector_store_idx %arg5[%parallel_loop3A_265], %parallel_loop3A_267 : memref<33280xf32, #tpu.memory_space<vmem>>[vector<16xi32>], vector<16xf32>,
      %parallel_loop3A_268 = arith.constant 0 : i32
      %parallel_loop3A_269 = vector.broadcast %parallel_loop3A_268 : i32 to vector<16xi32>
      %parallel_loop3A_270 = arith.subi %parallel_loop3A_269, %parallel_loop3A_77 : vector<16xi32>
      %parallel_loop3A_271 = arith.constant 72 : i32
      %parallel_loop3A_272 = vector.broadcast %parallel_loop3A_271 : i32 to vector<16xi32>
      %parallel_loop3A_273 = arith.addi %parallel_loop3A_29, %parallel_loop3A_272 : vector<16xi32>
      %parallel_loop3A_274 = arith.addi %parallel_loop3A_273, %parallel_loop3A_270 : vector<16xi32>
      %parallel_loop3A_275 = tpu.vector_load_idx %arg4[%parallel_loop3A_274] : memref<33280xf32, #tpu.memory_space<vmem>>[vector<16xi32>], vector<16xf32>,
      tpu.vector_store_idx %arg5[%parallel_loop3A_273], %parallel_loop3A_275 : memref<33280xf32, #tpu.memory_space<vmem>>[vector<16xi32>], vector<16xf32>,
      %parallel_loop3A_276 = arith.constant 0 : i32
      %parallel_loop3A_277 = vector.broadcast %parallel_loop3A_276 : i32 to vector<16xi32>
      %parallel_loop3A_278 = arith.subi %parallel_loop3A_277, %parallel_loop3A_77 : vector<16xi32>
      %parallel_loop3A_279 = arith.constant 74 : i32
      %parallel_loop3A_280 = vector.broadcast %parallel_loop3A_279 : i32 to vector<16xi32>
      %parallel_loop3A_281 = arith.addi %parallel_loop3A_29, %parallel_loop3A_280 : vector<16xi32>
      %parallel_loop3A_282 = arith.addi %parallel_loop3A_281, %parallel_loop3A_278 : vector<16xi32>
      %parallel_loop3A_283 = tpu.vector_load_idx %arg4[%parallel_loop3A_282] : memref<33280xf32, #tpu.memory_space<vmem>>[vector<16xi32>], vector<16xf32>,
      tpu.vector_store_idx %arg5[%parallel_loop3A_281], %parallel_loop3A_283 : memref<33280xf32, #tpu.memory_space<vmem>>[vector<16xi32>], vector<16xf32>,
      %parallel_loop3A_284 = arith.constant 0 : i32
      %parallel_loop3A_285 = vector.broadcast %parallel_loop3A_284 : i32 to vector<16xi32>
      %parallel_loop3A_286 = arith.subi %parallel_loop3A_285, %parallel_loop3A_77 : vector<16xi32>
      %parallel_loop3A_287 = arith.constant 76 : i32
      %parallel_loop3A_288 = vector.broadcast %parallel_loop3A_287 : i32 to vector<16xi32>
      %parallel_loop3A_289 = arith.addi %parallel_loop3A_29, %parallel_loop3A_288 : vector<16xi32>
      %parallel_loop3A_290 = arith.addi %parallel_loop3A_289, %parallel_loop3A_286 : vector<16xi32>
      %parallel_loop3A_291 = tpu.vector_load_idx %arg4[%parallel_loop3A_290] : memref<33280xf32, #tpu.memory_space<vmem>>[vector<16xi32>], vector<16xf32>,
      tpu.vector_store_idx %arg5[%parallel_loop3A_289], %parallel_loop3A_291 : memref<33280xf32, #tpu.memory_space<vmem>>[vector<16xi32>], vector<16xf32>,
      %parallel_loop3A_292 = arith.constant 0 : i32
      %parallel_loop3A_293 = vector.broadcast %parallel_loop3A_292 : i32 to vector<16xi32>
      %parallel_loop3A_294 = arith.subi %parallel_loop3A_293, %parallel_loop3A_77 : vector<16xi32>
      %parallel_loop3A_295 = arith.constant 78 : i32
      %parallel_loop3A_296 = vector.broadcast %parallel_loop3A_295 : i32 to vector<16xi32>
      %parallel_loop3A_297 = arith.addi %parallel_loop3A_29, %parallel_loop3A_296 : vector<16xi32>
      %parallel_loop3A_298 = arith.addi %parallel_loop3A_297, %parallel_loop3A_294 : vector<16xi32>
      %parallel_loop3A_299 = tpu.vector_load_idx %arg4[%parallel_loop3A_298] : memref<33280xf32, #tpu.memory_space<vmem>>[vector<16xi32>], vector<16xf32>,
      tpu.vector_store_idx %arg5[%parallel_loop3A_297], %parallel_loop3A_299 : memref<33280xf32, #tpu.memory_space<vmem>>[vector<16xi32>], vector<16xf32>,
      %parallel_loop3A_300 = arith.constant 0 : i32
      %parallel_loop3A_301 = vector.broadcast %parallel_loop3A_300 : i32 to vector<16xi32>
      %parallel_loop3A_302 = arith.subi %parallel_loop3A_301, %parallel_loop3A_77 : vector<16xi32>
      %parallel_loop3A_303 = arith.constant 80 : i32
      %parallel_loop3A_304 = vector.broadcast %parallel_loop3A_303 : i32 to vector<16xi32>
      %parallel_loop3A_305 = arith.addi %parallel_loop3A_29, %parallel_loop3A_304 : vector<16xi32>
      %parallel_loop3A_306 = arith.addi %parallel_loop3A_305, %parallel_loop3A_302 : vector<16xi32>
      %parallel_loop3A_307 = tpu.vector_load_idx %arg4[%parallel_loop3A_306] : memref<33280xf32, #tpu.memory_space<vmem>>[vector<16xi32>], vector<16xf32>,
      tpu.vector_store_idx %arg5[%parallel_loop3A_305], %parallel_loop3A_307 : memref<33280xf32, #tpu.memory_space<vmem>>[vector<16xi32>], vector<16xf32>,
      %parallel_loop3A_308 = arith.constant 0 : i32
      %parallel_loop3A_309 = vector.broadcast %parallel_loop3A_308 : i32 to vector<16xi32>
      %parallel_loop3A_310 = arith.subi %parallel_loop3A_309, %parallel_loop3A_77 : vector<16xi32>
      %parallel_loop3A_311 = arith.constant 82 : i32
      %parallel_loop3A_312 = vector.broadcast %parallel_loop3A_311 : i32 to vector<16xi32>
      %parallel_loop3A_313 = arith.addi %parallel_loop3A_29, %parallel_loop3A_312 : vector<16xi32>
      %parallel_loop3A_314 = arith.addi %parallel_loop3A_313, %parallel_loop3A_310 : vector<16xi32>
      %parallel_loop3A_315 = tpu.vector_load_idx %arg4[%parallel_loop3A_314] : memref<33280xf32, #tpu.memory_space<vmem>>[vector<16xi32>], vector<16xf32>,
      tpu.vector_store_idx %arg5[%parallel_loop3A_313], %parallel_loop3A_315 : memref<33280xf32, #tpu.memory_space<vmem>>[vector<16xi32>], vector<16xf32>,
      %parallel_loop3A_316 = arith.constant 0 : i32
      %parallel_loop3A_317 = vector.broadcast %parallel_loop3A_316 : i32 to vector<16xi32>
      %parallel_loop3A_318 = arith.subi %parallel_loop3A_317, %parallel_loop3A_77 : vector<16xi32>
      %parallel_loop3A_319 = arith.constant 84 : i32
      %parallel_loop3A_320 = vector.broadcast %parallel_loop3A_319 : i32 to vector<16xi32>
      %parallel_loop3A_321 = arith.addi %parallel_loop3A_29, %parallel_loop3A_320 : vector<16xi32>
      %parallel_loop3A_322 = arith.addi %parallel_loop3A_321, %parallel_loop3A_318 : vector<16xi32>
      %parallel_loop3A_323 = tpu.vector_load_idx %arg4[%parallel_loop3A_322] : memref<33280xf32, #tpu.memory_space<vmem>>[vector<16xi32>], vector<16xf32>,
      tpu.vector_store_idx %arg5[%parallel_loop3A_321], %parallel_loop3A_323 : memref<33280xf32, #tpu.memory_space<vmem>>[vector<16xi32>], vector<16xf32>,
      %parallel_loop3A_324 = arith.constant 0 : i32
      %parallel_loop3A_325 = vector.broadcast %parallel_loop3A_324 : i32 to vector<16xi32>
      %parallel_loop3A_326 = arith.subi %parallel_loop3A_325, %parallel_loop3A_77 : vector<16xi32>
      %parallel_loop3A_327 = arith.constant 86 : i32
      %parallel_loop3A_328 = vector.broadcast %parallel_loop3A_327 : i32 to vector<16xi32>
      %parallel_loop3A_329 = arith.addi %parallel_loop3A_29, %parallel_loop3A_328 : vector<16xi32>
      %parallel_loop3A_330 = arith.addi %parallel_loop3A_329, %parallel_loop3A_326 : vector<16xi32>
      %parallel_loop3A_331 = tpu.vector_load_idx %arg4[%parallel_loop3A_330] : memref<33280xf32, #tpu.memory_space<vmem>>[vector<16xi32>], vector<16xf32>,
      tpu.vector_store_idx %arg5[%parallel_loop3A_329], %parallel_loop3A_331 : memref<33280xf32, #tpu.memory_space<vmem>>[vector<16xi32>], vector<16xf32>,
      %parallel_loop3A_332 = arith.constant 0 : i32
      %parallel_loop3A_333 = vector.broadcast %parallel_loop3A_332 : i32 to vector<16xi32>
      %parallel_loop3A_334 = arith.subi %parallel_loop3A_333, %parallel_loop3A_77 : vector<16xi32>
      %parallel_loop3A_335 = arith.constant 88 : i32
      %parallel_loop3A_336 = vector.broadcast %parallel_loop3A_335 : i32 to vector<16xi32>
      %parallel_loop3A_337 = arith.addi %parallel_loop3A_29, %parallel_loop3A_336 : vector<16xi32>
      %parallel_loop3A_338 = arith.addi %parallel_loop3A_337, %parallel_loop3A_334 : vector<16xi32>
      %parallel_loop3A_339 = tpu.vector_load_idx %arg4[%parallel_loop3A_338] : memref<33280xf32, #tpu.memory_space<vmem>>[vector<16xi32>], vector<16xf32>,
      tpu.vector_store_idx %arg5[%parallel_loop3A_337], %parallel_loop3A_339 : memref<33280xf32, #tpu.memory_space<vmem>>[vector<16xi32>], vector<16xf32>,
      %parallel_loop3A_340 = arith.constant 0 : i32
      %parallel_loop3A_341 = vector.broadcast %parallel_loop3A_340 : i32 to vector<16xi32>
      %parallel_loop3A_342 = arith.subi %parallel_loop3A_341, %parallel_loop3A_77 : vector<16xi32>
      %parallel_loop3A_343 = arith.constant 90 : i32
      %parallel_loop3A_344 = vector.broadcast %parallel_loop3A_343 : i32 to vector<16xi32>
      %parallel_loop3A_345 = arith.addi %parallel_loop3A_29, %parallel_loop3A_344 : vector<16xi32>
      %parallel_loop3A_346 = arith.addi %parallel_loop3A_345, %parallel_loop3A_342 : vector<16xi32>
      %parallel_loop3A_347 = tpu.vector_load_idx %arg4[%parallel_loop3A_346] : memref<33280xf32, #tpu.memory_space<vmem>>[vector<16xi32>], vector<16xf32>,
      tpu.vector_store_idx %arg5[%parallel_loop3A_345], %parallel_loop3A_347 : memref<33280xf32, #tpu.memory_space<vmem>>[vector<16xi32>], vector<16xf32>,
      %parallel_loop3A_348 = arith.constant 0 : i32
      %parallel_loop3A_349 = vector.broadcast %parallel_loop3A_348 : i32 to vector<16xi32>
      %parallel_loop3A_350 = arith.subi %parallel_loop3A_349, %parallel_loop3A_77 : vector<16xi32>
      %parallel_loop3A_351 = arith.constant 92 : i32
      %parallel_loop3A_352 = vector.broadcast %parallel_loop3A_351 : i32 to vector<16xi32>
      %parallel_loop3A_353 = arith.addi %parallel_loop3A_29, %parallel_loop3A_352 : vector<16xi32>
      %parallel_loop3A_354 = arith.addi %parallel_loop3A_353, %parallel_loop3A_350 : vector<16xi32>
      %parallel_loop3A_355 = tpu.vector_load_idx %arg4[%parallel_loop3A_354] : memref<33280xf32, #tpu.memory_space<vmem>>[vector<16xi32>], vector<16xf32>,
      tpu.vector_store_idx %arg5[%parallel_loop3A_353], %parallel_loop3A_355 : memref<33280xf32, #tpu.memory_space<vmem>>[vector<16xi32>], vector<16xf32>,
      %parallel_loop3A_356 = arith.constant 0 : i32
      %parallel_loop3A_357 = vector.broadcast %parallel_loop3A_356 : i32 to vector<16xi32>
      %parallel_loop3A_358 = arith.subi %parallel_loop3A_357, %parallel_loop3A_77 : vector<16xi32>
      %parallel_loop3A_359 = arith.constant 94 : i32
      %parallel_loop3A_360 = vector.broadcast %parallel_loop3A_359 : i32 to vector<16xi32>
      %parallel_loop3A_361 = arith.addi %parallel_loop3A_29, %parallel_loop3A_360 : vector<16xi32>
      %parallel_loop3A_362 = arith.addi %parallel_loop3A_361, %parallel_loop3A_358 : vector<16xi32>
      %parallel_loop3A_363 = tpu.vector_load_idx %arg4[%parallel_loop3A_362] : memref<33280xf32, #tpu.memory_space<vmem>>[vector<16xi32>], vector<16xf32>,
      tpu.vector_store_idx %arg5[%parallel_loop3A_361], %parallel_loop3A_363 : memref<33280xf32, #tpu.memory_space<vmem>>[vector<16xi32>], vector<16xf32>,
      %parallel_loop3A_364 = arith.constant 0 : i32
      %parallel_loop3A_365 = vector.broadcast %parallel_loop3A_364 : i32 to vector<16xi32>
      %parallel_loop3A_366 = arith.subi %parallel_loop3A_365, %parallel_loop3A_77 : vector<16xi32>
      %parallel_loop3A_367 = arith.constant 96 : i32
      %parallel_loop3A_368 = vector.broadcast %parallel_loop3A_367 : i32 to vector<16xi32>
      %parallel_loop3A_369 = arith.addi %parallel_loop3A_29, %parallel_loop3A_368 : vector<16xi32>
      %parallel_loop3A_370 = arith.addi %parallel_loop3A_369, %parallel_loop3A_366 : vector<16xi32>
      %parallel_loop3A_371 = tpu.vector_load_idx %arg4[%parallel_loop3A_370] : memref<33280xf32, #tpu.memory_space<vmem>>[vector<16xi32>], vector<16xf32>,
      tpu.vector_store_idx %arg5[%parallel_loop3A_369], %parallel_loop3A_371 : memref<33280xf32, #tpu.memory_space<vmem>>[vector<16xi32>], vector<16xf32>,
      %parallel_loop3A_372 = arith.constant 0 : i32
      %parallel_loop3A_373 = vector.broadcast %parallel_loop3A_372 : i32 to vector<16xi32>
      %parallel_loop3A_374 = arith.subi %parallel_loop3A_373, %parallel_loop3A_77 : vector<16xi32>
      %parallel_loop3A_375 = arith.constant 98 : i32
      %parallel_loop3A_376 = vector.broadcast %parallel_loop3A_375 : i32 to vector<16xi32>
      %parallel_loop3A_377 = arith.addi %parallel_loop3A_29, %parallel_loop3A_376 : vector<16xi32>
      %parallel_loop3A_378 = arith.addi %parallel_loop3A_377, %parallel_loop3A_374 : vector<16xi32>
      %parallel_loop3A_379 = tpu.vector_load_idx %arg4[%parallel_loop3A_378] : memref<33280xf32, #tpu.memory_space<vmem>>[vector<16xi32>], vector<16xf32>,
      tpu.vector_store_idx %arg5[%parallel_loop3A_377], %parallel_loop3A_379 : memref<33280xf32, #tpu.memory_space<vmem>>[vector<16xi32>], vector<16xf32>,
      %parallel_loop3A_380 = arith.constant 0 : i32
      %parallel_loop3A_381 = vector.broadcast %parallel_loop3A_380 : i32 to vector<16xi32>
      %parallel_loop3A_382 = arith.subi %parallel_loop3A_381, %parallel_loop3A_77 : vector<16xi32>
      %parallel_loop3A_383 = arith.constant 100 : i32
      %parallel_loop3A_384 = vector.broadcast %parallel_loop3A_383 : i32 to vector<16xi32>
      %parallel_loop3A_385 = arith.addi %parallel_loop3A_29, %parallel_loop3A_384 : vector<16xi32>
      %parallel_loop3A_386 = arith.addi %parallel_loop3A_385, %parallel_loop3A_382 : vector<16xi32>
      %parallel_loop3A_387 = tpu.vector_load_idx %arg4[%parallel_loop3A_386] : memref<33280xf32, #tpu.memory_space<vmem>>[vector<16xi32>], vector<16xf32>,
      tpu.vector_store_idx %arg5[%parallel_loop3A_385], %parallel_loop3A_387 : memref<33280xf32, #tpu.memory_space<vmem>>[vector<16xi32>], vector<16xf32>,
      %parallel_loop3A_388 = arith.constant 0 : i32
      %parallel_loop3A_389 = vector.broadcast %parallel_loop3A_388 : i32 to vector<16xi32>
      %parallel_loop3A_390 = arith.subi %parallel_loop3A_389, %parallel_loop3A_77 : vector<16xi32>
      %parallel_loop3A_391 = arith.constant 102 : i32
      %parallel_loop3A_392 = vector.broadcast %parallel_loop3A_391 : i32 to vector<16xi32>
      %parallel_loop3A_393 = arith.addi %parallel_loop3A_29, %parallel_loop3A_392 : vector<16xi32>
      %parallel_loop3A_394 = arith.addi %parallel_loop3A_393, %parallel_loop3A_390 : vector<16xi32>
      %parallel_loop3A_395 = tpu.vector_load_idx %arg4[%parallel_loop3A_394] : memref<33280xf32, #tpu.memory_space<vmem>>[vector<16xi32>], vector<16xf32>,
      tpu.vector_store_idx %arg5[%parallel_loop3A_393], %parallel_loop3A_395 : memref<33280xf32, #tpu.memory_space<vmem>>[vector<16xi32>], vector<16xf32>,
      %parallel_loop3A_396 = arith.constant 0 : i32
      %parallel_loop3A_397 = vector.broadcast %parallel_loop3A_396 : i32 to vector<16xi32>
      %parallel_loop3A_398 = arith.subi %parallel_loop3A_397, %parallel_loop3A_77 : vector<16xi32>
      %parallel_loop3A_399 = arith.constant 104 : i32
      %parallel_loop3A_400 = vector.broadcast %parallel_loop3A_399 : i32 to vector<16xi32>
      %parallel_loop3A_401 = arith.addi %parallel_loop3A_29, %parallel_loop3A_400 : vector<16xi32>
      %parallel_loop3A_402 = arith.addi %parallel_loop3A_401, %parallel_loop3A_398 : vector<16xi32>
      %parallel_loop3A_403 = tpu.vector_load_idx %arg4[%parallel_loop3A_402] : memref<33280xf32, #tpu.memory_space<vmem>>[vector<16xi32>], vector<16xf32>,
      tpu.vector_store_idx %arg5[%parallel_loop3A_401], %parallel_loop3A_403 : memref<33280xf32, #tpu.memory_space<vmem>>[vector<16xi32>], vector<16xf32>,
      %parallel_loop3A_404 = arith.constant 0 : i32
      %parallel_loop3A_405 = vector.broadcast %parallel_loop3A_404 : i32 to vector<16xi32>
      %parallel_loop3A_406 = arith.subi %parallel_loop3A_405, %parallel_loop3A_77 : vector<16xi32>
      %parallel_loop3A_407 = arith.constant 106 : i32
      %parallel_loop3A_408 = vector.broadcast %parallel_loop3A_407 : i32 to vector<16xi32>
      %parallel_loop3A_409 = arith.addi %parallel_loop3A_29, %parallel_loop3A_408 : vector<16xi32>
      %parallel_loop3A_410 = arith.addi %parallel_loop3A_409, %parallel_loop3A_406 : vector<16xi32>
      %parallel_loop3A_411 = tpu.vector_load_idx %arg4[%parallel_loop3A_410] : memref<33280xf32, #tpu.memory_space<vmem>>[vector<16xi32>], vector<16xf32>,
      tpu.vector_store_idx %arg5[%parallel_loop3A_409], %parallel_loop3A_411 : memref<33280xf32, #tpu.memory_space<vmem>>[vector<16xi32>], vector<16xf32>,
      %parallel_loop3A_412 = arith.constant 0 : i32
      %parallel_loop3A_413 = vector.broadcast %parallel_loop3A_412 : i32 to vector<16xi32>
      %parallel_loop3A_414 = arith.subi %parallel_loop3A_413, %parallel_loop3A_77 : vector<16xi32>
      %parallel_loop3A_415 = arith.constant 108 : i32
      %parallel_loop3A_416 = vector.broadcast %parallel_loop3A_415 : i32 to vector<16xi32>
      %parallel_loop3A_417 = arith.addi %parallel_loop3A_29, %parallel_loop3A_416 : vector<16xi32>
      %parallel_loop3A_418 = arith.addi %parallel_loop3A_417, %parallel_loop3A_414 : vector<16xi32>
      %parallel_loop3A_419 = tpu.vector_load_idx %arg4[%parallel_loop3A_418] : memref<33280xf32, #tpu.memory_space<vmem>>[vector<16xi32>], vector<16xf32>,
      tpu.vector_store_idx %arg5[%parallel_loop3A_417], %parallel_loop3A_419 : memref<33280xf32, #tpu.memory_space<vmem>>[vector<16xi32>], vector<16xf32>,
      %parallel_loop3A_420 = arith.constant 0 : i32
      %parallel_loop3A_421 = vector.broadcast %parallel_loop3A_420 : i32 to vector<16xi32>
      %parallel_loop3A_422 = arith.subi %parallel_loop3A_421, %parallel_loop3A_77 : vector<16xi32>
      %parallel_loop3A_423 = arith.constant 110 : i32
      %parallel_loop3A_424 = vector.broadcast %parallel_loop3A_423 : i32 to vector<16xi32>
      %parallel_loop3A_425 = arith.addi %parallel_loop3A_29, %parallel_loop3A_424 : vector<16xi32>
      %parallel_loop3A_426 = arith.addi %parallel_loop3A_425, %parallel_loop3A_422 : vector<16xi32>
      %parallel_loop3A_427 = tpu.vector_load_idx %arg4[%parallel_loop3A_426] : memref<33280xf32, #tpu.memory_space<vmem>>[vector<16xi32>], vector<16xf32>,
      tpu.vector_store_idx %arg5[%parallel_loop3A_425], %parallel_loop3A_427 : memref<33280xf32, #tpu.memory_space<vmem>>[vector<16xi32>], vector<16xf32>,
      %parallel_loop3A_428 = arith.constant 0 : i32
      %parallel_loop3A_429 = vector.broadcast %parallel_loop3A_428 : i32 to vector<16xi32>
      %parallel_loop3A_430 = arith.subi %parallel_loop3A_429, %parallel_loop3A_77 : vector<16xi32>
      %parallel_loop3A_431 = arith.constant 112 : i32
      %parallel_loop3A_432 = vector.broadcast %parallel_loop3A_431 : i32 to vector<16xi32>
      %parallel_loop3A_433 = arith.addi %parallel_loop3A_29, %parallel_loop3A_432 : vector<16xi32>
      %parallel_loop3A_434 = arith.addi %parallel_loop3A_433, %parallel_loop3A_430 : vector<16xi32>
      %parallel_loop3A_435 = tpu.vector_load_idx %arg4[%parallel_loop3A_434] : memref<33280xf32, #tpu.memory_space<vmem>>[vector<16xi32>], vector<16xf32>,
      tpu.vector_store_idx %arg5[%parallel_loop3A_433], %parallel_loop3A_435 : memref<33280xf32, #tpu.memory_space<vmem>>[vector<16xi32>], vector<16xf32>,
      %parallel_loop3A_436 = arith.constant 0 : i32
      %parallel_loop3A_437 = vector.broadcast %parallel_loop3A_436 : i32 to vector<16xi32>
      %parallel_loop3A_438 = arith.subi %parallel_loop3A_437, %parallel_loop3A_77 : vector<16xi32>
      %parallel_loop3A_439 = arith.constant 114 : i32
      %parallel_loop3A_440 = vector.broadcast %parallel_loop3A_439 : i32 to vector<16xi32>
      %parallel_loop3A_441 = arith.addi %parallel_loop3A_29, %parallel_loop3A_440 : vector<16xi32>
      %parallel_loop3A_442 = arith.addi %parallel_loop3A_441, %parallel_loop3A_438 : vector<16xi32>
      %parallel_loop3A_443 = tpu.vector_load_idx %arg4[%parallel_loop3A_442] : memref<33280xf32, #tpu.memory_space<vmem>>[vector<16xi32>], vector<16xf32>,
      tpu.vector_store_idx %arg5[%parallel_loop3A_441], %parallel_loop3A_443 : memref<33280xf32, #tpu.memory_space<vmem>>[vector<16xi32>], vector<16xf32>,
      %parallel_loop3A_444 = arith.constant 0 : i32
      %parallel_loop3A_445 = vector.broadcast %parallel_loop3A_444 : i32 to vector<16xi32>
      %parallel_loop3A_446 = arith.subi %parallel_loop3A_445, %parallel_loop3A_77 : vector<16xi32>
      %parallel_loop3A_447 = arith.constant 116 : i32
      %parallel_loop3A_448 = vector.broadcast %parallel_loop3A_447 : i32 to vector<16xi32>
      %parallel_loop3A_449 = arith.addi %parallel_loop3A_29, %parallel_loop3A_448 : vector<16xi32>
      %parallel_loop3A_450 = arith.addi %parallel_loop3A_449, %parallel_loop3A_446 : vector<16xi32>
      %parallel_loop3A_451 = tpu.vector_load_idx %arg4[%parallel_loop3A_450] : memref<33280xf32, #tpu.memory_space<vmem>>[vector<16xi32>], vector<16xf32>,
      tpu.vector_store_idx %arg5[%parallel_loop3A_449], %parallel_loop3A_451 : memref<33280xf32, #tpu.memory_space<vmem>>[vector<16xi32>], vector<16xf32>,
      %parallel_loop3A_452 = arith.constant 0 : i32
      %parallel_loop3A_453 = vector.broadcast %parallel_loop3A_452 : i32 to vector<16xi32>
      %parallel_loop3A_454 = arith.subi %parallel_loop3A_453, %parallel_loop3A_77 : vector<16xi32>
      %parallel_loop3A_455 = arith.constant 118 : i32
      %parallel_loop3A_456 = vector.broadcast %parallel_loop3A_455 : i32 to vector<16xi32>
      %parallel_loop3A_457 = arith.addi %parallel_loop3A_29, %parallel_loop3A_456 : vector<16xi32>
      %parallel_loop3A_458 = arith.addi %parallel_loop3A_457, %parallel_loop3A_454 : vector<16xi32>
      %parallel_loop3A_459 = tpu.vector_load_idx %arg4[%parallel_loop3A_458] : memref<33280xf32, #tpu.memory_space<vmem>>[vector<16xi32>], vector<16xf32>,
      tpu.vector_store_idx %arg5[%parallel_loop3A_457], %parallel_loop3A_459 : memref<33280xf32, #tpu.memory_space<vmem>>[vector<16xi32>], vector<16xf32>,
      %parallel_loop3A_460 = arith.constant 0 : i32
      %parallel_loop3A_461 = vector.broadcast %parallel_loop3A_460 : i32 to vector<16xi32>
      %parallel_loop3A_462 = arith.subi %parallel_loop3A_461, %parallel_loop3A_77 : vector<16xi32>
      %parallel_loop3A_463 = arith.constant 120 : i32
      %parallel_loop3A_464 = vector.broadcast %parallel_loop3A_463 : i32 to vector<16xi32>
      %parallel_loop3A_465 = arith.addi %parallel_loop3A_29, %parallel_loop3A_464 : vector<16xi32>
      %parallel_loop3A_466 = arith.addi %parallel_loop3A_465, %parallel_loop3A_462 : vector<16xi32>
      %parallel_loop3A_467 = tpu.vector_load_idx %arg4[%parallel_loop3A_466] : memref<33280xf32, #tpu.memory_space<vmem>>[vector<16xi32>], vector<16xf32>,
      tpu.vector_store_idx %arg5[%parallel_loop3A_465], %parallel_loop3A_467 : memref<33280xf32, #tpu.memory_space<vmem>>[vector<16xi32>], vector<16xf32>,
      %parallel_loop3A_468 = arith.constant 0 : i32
      %parallel_loop3A_469 = vector.broadcast %parallel_loop3A_468 : i32 to vector<16xi32>
      %parallel_loop3A_470 = arith.subi %parallel_loop3A_469, %parallel_loop3A_77 : vector<16xi32>
      %parallel_loop3A_471 = arith.constant 122 : i32
      %parallel_loop3A_472 = vector.broadcast %parallel_loop3A_471 : i32 to vector<16xi32>
      %parallel_loop3A_473 = arith.addi %parallel_loop3A_29, %parallel_loop3A_472 : vector<16xi32>
      %parallel_loop3A_474 = arith.addi %parallel_loop3A_473, %parallel_loop3A_470 : vector<16xi32>
      %parallel_loop3A_475 = tpu.vector_load_idx %arg4[%parallel_loop3A_474] : memref<33280xf32, #tpu.memory_space<vmem>>[vector<16xi32>], vector<16xf32>,
      tpu.vector_store_idx %arg5[%parallel_loop3A_473], %parallel_loop3A_475 : memref<33280xf32, #tpu.memory_space<vmem>>[vector<16xi32>], vector<16xf32>,
      %parallel_loop3A_476 = arith.constant 0 : i32
      %parallel_loop3A_477 = vector.broadcast %parallel_loop3A_476 : i32 to vector<16xi32>
      %parallel_loop3A_478 = arith.subi %parallel_loop3A_477, %parallel_loop3A_77 : vector<16xi32>
      %parallel_loop3A_479 = arith.constant 124 : i32
      %parallel_loop3A_480 = vector.broadcast %parallel_loop3A_479 : i32 to vector<16xi32>
      %parallel_loop3A_481 = arith.addi %parallel_loop3A_29, %parallel_loop3A_480 : vector<16xi32>
      %parallel_loop3A_482 = arith.addi %parallel_loop3A_481, %parallel_loop3A_478 : vector<16xi32>
      %parallel_loop3A_483 = tpu.vector_load_idx %arg4[%parallel_loop3A_482] : memref<33280xf32, #tpu.memory_space<vmem>>[vector<16xi32>], vector<16xf32>,
      tpu.vector_store_idx %arg5[%parallel_loop3A_481], %parallel_loop3A_483 : memref<33280xf32, #tpu.memory_space<vmem>>[vector<16xi32>], vector<16xf32>,
      %parallel_loop3A_484 = arith.constant 0 : i32
      %parallel_loop3A_485 = vector.broadcast %parallel_loop3A_484 : i32 to vector<16xi32>
      %parallel_loop3A_486 = arith.subi %parallel_loop3A_485, %parallel_loop3A_77 : vector<16xi32>
      %parallel_loop3A_487 = arith.constant 126 : i32
      %parallel_loop3A_488 = vector.broadcast %parallel_loop3A_487 : i32 to vector<16xi32>
      %parallel_loop3A_489 = arith.addi %parallel_loop3A_29, %parallel_loop3A_488 : vector<16xi32>
      %parallel_loop3A_490 = arith.addi %parallel_loop3A_489, %parallel_loop3A_486 : vector<16xi32>
      %parallel_loop3A_491 = tpu.vector_load_idx %arg4[%parallel_loop3A_490] : memref<33280xf32, #tpu.memory_space<vmem>>[vector<16xi32>], vector<16xf32>,
      tpu.vector_store_idx %arg5[%parallel_loop3A_489], %parallel_loop3A_491 : memref<33280xf32, #tpu.memory_space<vmem>>[vector<16xi32>], vector<16xf32>,
      %parallel_loop3A_492 = arith.constant 0 : i32
      %parallel_loop3A_493 = vector.broadcast %parallel_loop3A_492 : i32 to vector<16xi32>
      %parallel_loop3A_494 = arith.subi %parallel_loop3A_493, %parallel_loop3A_77 : vector<16xi32>
      %parallel_loop3A_495 = arith.constant 128 : i32
      %parallel_loop3A_496 = vector.broadcast %parallel_loop3A_495 : i32 to vector<16xi32>
      %parallel_loop3A_497 = arith.addi %parallel_loop3A_29, %parallel_loop3A_496 : vector<16xi32>
      %parallel_loop3A_498 = arith.addi %parallel_loop3A_497, %parallel_loop3A_494 : vector<16xi32>
      %parallel_loop3A_499 = tpu.vector_load_idx %arg4[%parallel_loop3A_498] : memref<33280xf32, #tpu.memory_space<vmem>>[vector<16xi32>], vector<16xf32>,
      tpu.vector_store_idx %arg5[%parallel_loop3A_497], %parallel_loop3A_499 : memref<33280xf32, #tpu.memory_space<vmem>>[vector<16xi32>], vector<16xf32>,
    } {sc.loop_unroll_factor = 2 : i64, sc.parallel_access}
    "tpu.region"() ({
      %run_scoped3A = tpu.sem_alloc : memref<!tpu.dma_semaphore, #tpu.memory_space<semaphore_mem>>
      %dma_start3A = tpu.memref_slice %arg3[%mul3A_2] : memref<1064960xf32, #tpu.memory_space<hbm>> -> memref<33280xf32, #tpu.memory_space<hbm>>
      %dma_start3A_21 = tpu.memref_slice %arg3[%mul3A_2] : memref<1064960xf32, #tpu.memory_space<hbm>> -> memref<33280xf32, #tpu.memory_space<hbm>>
      tpu.enqueue_dma source(%arg5 : memref<33280xf32, #tpu.memory_space<vmem>>) target(%dma_start3A_21 : memref<33280xf32, #tpu.memory_space<hbm>>) target_semaphore(%run_scoped3A : memref<!tpu.dma_semaphore, #tpu.memory_space<semaphore_mem>>)
      %dma_wait3A = tpu.memref_slice %arg3[%mul3A_2] : memref<1064960xf32, #tpu.memory_space<hbm>> -> memref<33280xf32, #tpu.memory_space<hbm>>
      %dma_wait3A_22 = tpu.memref_slice %arg3[%mul3A_2] : memref<1064960xf32, #tpu.memory_space<hbm>> -> memref<33280xf32, #tpu.memory_space<hbm>>
      tpu.wait_dma2 semaphore(%run_scoped3A : memref<!tpu.dma_semaphore, #tpu.memory_space<semaphore_mem>>) src(%arg5 : memref<33280xf32, #tpu.memory_space<vmem>>) dst(%dma_wait3A_22 : memref<33280xf32, #tpu.memory_space<hbm>>)
      tpu.yield
    }) : () -> ()
    return
  }
}

</mosaic_0001>

<sc_bundles>
// kernel: kernel.3.cloned.1.call-start
scs
__scs_entry_jumppad:
0x0: {  	(pc) =	sbr.rel $0x88, $3  }
0x1: {  	(tag) =	ssettag $0x0;
	lr =	simm.s32 $0x1  }
0x2: {  	[smem:$0x3FA0] =	sst lr;
	_ =	strace $0xD0000000  }
0x3: {  	_ = 	snop  }
0x4: {  	_ = 	snop  }
0x5: {  	_ = 	snop  }
0x6: {  	_ = 	snop  }
0x7: {  	_ = 	snop  }
__scs_overlays_trampoline_lowered:
0x8: {  	[smem:$0x3FAF] =	sst s0  }
0x9: {  	[smem:$0x3FB0] =	sst s1  }
0xa: {  	[smem:$0x3FB1] =	sst s2  }
0xb: {  	[smem:$0x3FB2] =	sst s3  }
0xc: {  	[smem:$0x3FB3] =	sst s4  }
0xd: {  	[smem:$0x3FB4] =	sst s5  }
0xe: {  	[smem:$0x3FB5] =	sst s6  }
0xf: {  	[smem:$0x3FB6] =	sst s7  }
0x10: {  	[smem:$0x3FB7] =	sst s8  }
0x11: {  	[smem:$0x3FB8] =	sst s9;
	s0 =	simm.s32 @!p0 $0x0  }
0x12: {  	s1 =	sld [smem:$0x3F9E];
	s0 =	simm.s32 @p0 $0x1  }
0x13: {  	[smem:$0x3FB9] =	sst s0;
	s0 =	simm.s32 @!p1 $0x0  }
0x14: {  	s2 =	sld [smem:$0x3F9D];
	s0 =	simm.s32 @p1 $0x1  }
0x15: {  	[smem:$0x3FBA] =	sst s0;
	s0 =	simm.s32 @!p2 $0x0  }
0x16: {  	s3 =	sld [smem:$0x3FDB];
	s0 =	simm.s32 @p2 $0x1  }
0x17: {  	s4 =	simm.s32 $0x1BF5;
	[smem:$0x3FBC] =	sst s0  }
0x18: {  	s0 =	sld [smem:$0x3F9F];
	_ =	swait.ge [sflag:s4], $0x0  }
0x19: {  	s7 =	sld [smem:$0x3FA0]  }
0x1a: {  	s8 =	sadd.s32 $0xFFFFE003, lr  }
0x1b: {  	s9 =	sadd.s32 $0xFFFFFEF7, lr;
	s5 =	simm.s32 $0xFFFFFFFF;
	p2 =	slt.u32 s8, $0xFFFFF086  }
0x1c: {  	p1 =	slt.u32 s9, $0xF7A;
	s5 =	simm.s32 @!p2 $0x0  }
0x1d: {  	s5 =	simm.s32 @p1 $0x1;
	p0 =	seq.s32 s7, s2  }
0x1e: {  	s7 =	smul.u32 @!p0 $0xF7A, s2;
	p2 =	seq.s32 @!p0 s5, $0x0  }
0x1f: {  	s9 =	smul.u32 $0xF7A, s1;
	s8 =	simm.s32 @!p0 $0x1BF5;
	p2 =	por !p2, p0  }
0x20: {  	[sflag:s8] =	ssyncset.s32 @!p0 $0xFFFFF086;
	s6 =	sadd.s32 @!p0 s3, s7;
	s7 =	simm.s32 @!p0 $0x108  }
0x21: {  	s3 =	sadd.s32 s3, s9;
	s6 =	sadd.s32 @!p0 $0x88, s6;
	s7 =	simm.s32 @p2 $0x1082  }
0x22: {  	[simem:s7], [sflag:s8] =	dma.local @!p0 [hbm:s6], $0xF7A  }
0x23: {  	s9 =	sor.u32 $0xD0000000, s2;
	s6 =	simm.s32 $0x108;
	_ =	swait.ge @!p0 [sflag:s8], $0x0  }
0x24: {  	s3 =	sadd.s32 $0x88, s3;
	s6 =	simm.s32 @!p1 $0x1082;
	[sflag:s4] =	ssyncset.s32 $0xFFFFF086  }
0x25: {  	[simem:s6], [sflag:s4] =	dma.local [hbm:s3], $0xF7A  }
0x26: {  	[smem:$0x3FA0] =	sst s1;
	(tag) =	ssettag s2;
	_ =	strace s9  }
0x27: {  	s1 =	sld [smem:$0x3FB0]  }
0x28: {  	s2 =	sld [smem:$0x3FB1]  }
0x29: {  	s4 =	sld [smem:$0x3FB3]  }
0x2a: {  	p0 =	seq.s32 s5, $0x0;
	s5 =	sld [smem:$0x3FB4]  }
0x2b: {  	s6 =	sld [smem:$0x3FB5]  }
0x2c: {  	s7 =	sld [smem:$0x3FB6]  }
0x2d: {  	s3 =	simm.s32 $0x108;
	s8 =	sld [smem:$0x3FB7]  }
0x2e: {  	s3 =	simm.s32 @!p0 $0x1082;
	s9 =	sld [smem:$0x3FB8]  }
0x2f: {  	lr =	sadd.s32 s0, s3;
	s0 =	sld [smem:$0x3FAF]  }
0x30: {  	s3 =	sld [smem:$0x3FB2]  }
0x31: {  	[smem:$0x3FBB] =	sst s10  }
0x32: {  	s10 =	sld [smem:$0x3FB9];
	_ =	sdelay $0x3  }
0x33: {  	p0 =	seq.s32 s10, $0x1;
	s10 =	sld [smem:$0x3FBB];
	_ =	sdelay $0x3  }
0x34: {  	[smem:$0x3FBB] =	sst s10  }
0x35: {  	s10 =	sld [smem:$0x3FBA];
	_ =	sdelay $0x3  }
0x36: {  	p1 =	seq.s32 s10, $0x1;
	s10 =	sld [smem:$0x3FBB];
	_ =	sdelay $0x3  }
0x37: {  	[smem:$0x3FBB] =	sst s10  }
0x38: {  	s10 =	sld [smem:$0x3FBC]  }
0x39: {  	_ = 	snop;
	(pc) =	sbr.ind lr, $3  }
0x3a: {  	_ = 	snop  }
0x3b: {  	_ = 	snop  }
0x3c: {  	p2 =	seq.s32 s10, $0x1;
	s10 =	sld [smem:$0x3FBB]  }
0x3d: {  	_ =	shalt  }
0x3e: {  	_ =	shalt  }
0x3f: {  	_ =	shalt  }
0x40: {  	_ =	shalt  }
0x41: {  	_ =	shalt  }
0x42: {  	_ =	shalt  }
0x43: {  	_ =	shalt  }
0x44: {  	_ =	shalt  }
0x45: {  	_ =	shalt  }
0x46: {  	_ =	shalt  }
0x47: {  	_ =	shalt  }
0x48: {  	_ =	shalt  }
0x49: {  	_ =	shalt  }
0x4a: {  	_ =	shalt  }
0x4b: {  	_ =	shalt  }
0x4c: {  	_ =	shalt  }
0x4d: {  	_ =	shalt  }
0x4e: {  	_ =	shalt  }
0x4f: {  	_ =	shalt  }
0x50: {  	_ =	shalt  }
0x51: {  	_ =	shalt  }
0x52: {  	_ =	shalt  }
0x53: {  	_ =	shalt  }
0x54: {  	_ =	shalt  }
0x55: {  	_ =	shalt  }
0x56: {  	_ =	shalt  }
0x57: {  	_ =	shalt  }
0x58: {  	_ =	shalt  }
0x59: {  	_ =	shalt  }
0x5a: {  	_ =	shalt  }
0x5b: {  	_ =	shalt  }
0x5c: {  	_ =	shalt  }
0x5d: {  	_ =	shalt  }
0x5e: {  	_ =	shalt  }
0x5f: {  	_ =	shalt  }
0x60: {  	_ =	shalt  }
0x61: {  	_ =	shalt  }
0x62: {  	_ =	shalt  }
0x63: {  	_ =	shalt  }
0x64: {  	_ =	shalt  }
0x65: {  	_ =	shalt  }
0x66: {  	_ =	shalt  }
0x67: {  	_ =	shalt  }
0x68: {  	_ =	shalt  }
0x69: {  	_ =	shalt  }
0x6a: {  	_ =	shalt  }
0x6b: {  	_ =	shalt  }
0x6c: {  	_ =	shalt  }
0x6d: {  	_ =	shalt  }
0x6e: {  	_ =	shalt  }
0x6f: {  	_ =	shalt  }
0x70: {  	_ =	shalt  }
0x71: {  	_ =	shalt  }
0x72: {  	_ =	shalt  }
0x73: {  	_ =	shalt  }
0x74: {  	_ =	shalt  }
0x75: {  	_ =	shalt  }
0x76: {  	_ =	shalt  }
0x77: {  	_ =	shalt  }
0x78: {  	_ =	shalt  }
0x79: {  	_ =	shalt  }
0x7a: {  	_ =	shalt  }
0x7b: {  	_ =	shalt  }
0x7c: {  	_ =	shalt  }
0x7d: {  	_ =	shalt  }
0x7e: {  	_ =	shalt  }
0x7f: {  	_ =	shalt  }
0x80: {  	_ =	shalt  }
0x81: {  	_ =	shalt  }
0x82: {  	_ =	shalt  }
0x83: {  	_ =	shalt  }
0x84: {  	_ =	shalt  }
0x85: {  	_ =	shalt  }
0x86: {  	_ =	shalt  }
0x87: {  	_ =	shalt  }
.Lfunc_end0:
.L_simem_size_0:
called_computation_lowered:
.L_overlay_start_0:
0x88: {  	s2 =	sld [smem:$0x3FD9]  }
0x89: {  	s3 =	sld [smem:$0x3FFE];
	_ =	sdelay $0x1  }
0x8a: {  	s1 =	srdreg.scid  }
0x8b: {  	s0 =	sand.u32 $0x1, s1  }
0x8c: {  	s17 =	sshll.u32 s0, $0xA;
	s2 =	sadd.s32 s3, s2  }
0x8d: {  	s2 =	sadd.s32 s2, s17  }
0x8e: {  	[smem:$0x3FC7] =	sst s2  }
0x8f: {  	_ = 	snop  }
0x90: {  	s2 =	sld [smem:$0x3FD0];
	(tm) =	ssettm $0x1  }
0x91: {  	s18 =	sld [smem:$0x3FFB];
	_ =	sdelay $0x3  }
0x92: {  	_ =	strace s18  }
0x93: {  	s3 =	sld [smem:$0x3FFC];
	_ =	sdelay $0x3  }
0x94: {  	_ =	strace s3  }
0x95: {  	s3 =	sld [smem:$0x3FFD];
	_ =	sdelay $0x3  }
0x96: {  	_ =	strace s3  }
0x97: {  	_ =	strace $0x8FFFFFFF  }
0x98: {  	s19 =	sld [smem:$0x3FDB];
	_ =	sdelay $0x1  }
0x99: {  	s4 =	simm.s32 $_scs_section_size  }
0x9a: {  	s5 =	simm.s32 $_size__tile_overlayer_lowered;
	s6 =	simm.s32 $_tile_overlayer_lowered  }
0x9b: {  	s22 =	simm.s32 $0x1BFF;
	s21 =	sshll.u32 s6, $0x1;
	s3 =	sadd.s32 s4, s19  }
0x9c: {  	s7 =	simm.s32 $0x0;
	s20 =	sshll.u32 s5, $0x1;
	s5 =	sadd.s32 s21, s3  }
0x9d: {  	[timem:s7], [sflag:s22] =	dma.local [hbm:s5], s20  }
0x9e: {  	_ =	swait.ge [sflag:s22], s20  }
0x9f: {  	s4 =	ssub.s32 $0x0, s20;
	[sflag:s22] =	ssyncset.done $0x0  }
0xa0: {  	[sflag:s22] =	ssyncadd.s32 s4;
	_ =	sdelay $0x1  }
0xa1: {  	s23 =	simm.s32 $0x1B8B  }
0xa2: {  	_ =	swait.ge [sflag:s23], $0x1  }
0xa3: {  	[sflag:s23] =	ssyncset.done $0x0  }
0xa4: {  	s25 =	simm.s32 $0x1B8E;
	s24 =	sld [smem:$0x3FFE];
	[sflag:s23] =	ssyncadd.s32 $0xFFFFFFFF  }
0xa5: {  	s26 =	simm.s32 $execute0_lowered;
	[smem:$0x3FD2] =	sst s25  }
0xa6: {  	s5 =	sshll.u32 s26, $0x1;
	_ =	strace $0x80000046;
	[dreg:$0x1] =	wrdreg $0xFFFFFFFF  }
0xa7: {  	s28 =	simm.s32 $_size_execute0_lowered;
	s3 =	sadd.s32 s3, s5;
	[dreg:$0x0] =	wrdreg $0x0  }
0xa8: {  	s5 =	sshll.u32 s28, $0x1;
	[dreg:$0x2] =	wrdreg s3  }
0xa9: {  	[dreg:$0x3] =	wrdreg s5  }
0xaa: {  	[dreg:$0x4] =	wrdreg $0xC0  }
0xab: {  	_ =	task [dreg:s7], $0x5FFFF  }
0xac: {  	[dreg:$0x1] =	wrdreg $0xFFFFFFFF  }
0xad: {  	[dreg:$0x0] =	wrdreg $0x60  }
0xae: {  	[dreg:$0x2] =	wrdreg s2  }
0xaf: {  	[dreg:$0x3] =	wrdreg s24  }
0xb0: {  	[dreg:$0x4] =	wrdreg $0x9  }
0xb1: {  	_ =	task.clear_ibuf [dreg:s7], $0x5FFFF;
	_ =	strace $0x90000046  }
0xb2: {  	s29 =	simm.s32 $0x9;
	_ =	strace $0x80000048  }
0xb3: {  	_ =	swait.ge [sflag:s29], $0x1  }
0xb4: {  	[sflag:s29] =	ssyncadd.s32 $0xFFFFFFFF  }
0xb5: {  	_ =	strace $0x90000048  }
0xb6: {  	_ =	sfence  }
0xb7: {  	s30 =	sld [smem:$0x0];
	_ =	sdelay $0x2  }
0xb8: {  	s31 =	sshll.u32 s1, $0xD;
	s1 =	sshrl.u32 s1, $0x2  }
0xb9: {  	s3 =	sand.u32 $0x4000, s31;
	s1 =	sadd.s32 s1, s30  }
0xba: {  	s0 =	sor.u32 s3, s0;
	s1 =	sshll.u32 s1, $0x11  }
0xbb: {  	s0 =	sor.u32 s1, s0  }
0xbc: {  	s0 =	sadd.s32 $0x8F2B, s0  }
0xbd: {  	[sflag:s0] =	ssyncadd.remote.s32 $0x1  }
0xbe: {  	_ =	sfence.sel $0xFFFF  }
0xbf: {  	[dreg:$0x0] =	wrdreg $0xFFFFFFFF;
	(pc) =	sbr.abs _section_cstart, $3  }
0xc0: {  	[dreg:$0x1] =	wrdreg $0xFFFFFFFF  }
0xc1: {  	_ =	task.clear_ibuf [dreg:s7], $0x2FFFF;
	_ =	strace $0x9FFFFFFF  }
0xc2: {  	(tm) =	ssettm $0x7FFFFFFF  }
0xc3: {  	_ =	shalt  }
tec
execute0_lowered:
.L_overlay_start_1:
0x0: {  	(tag) =	ssettag $0x1  }
0x1: {  	v0 =	vlaneseq.u32;
	v1 =	vimm.s32 $0x38F  }
0x2: {  	vm13 =	vcmask $0x300;
	vm14 =	vcmask $0x704;
	vm8 =	vcmask $0xB08  }
0x3: {  	v3 =	vimm.s32 $0x391;
	vm9 =	vcmask $0xF0C;
	vm10 =	vcmask $0x1310  }
0x4: {  	vm11 =	vcmask $0x1714;
	vm12 =	vcmask $0x1B18;
	v1 =	vsel vm13, $0x0, v1  }
0x5: {  	vm7 =	vcmask $0x1F1C;
	v3 =	vsel vm13, $0x2, v3;
	v1 =	vsel vm14, $0x82, v1  }
0x6: {  	vm6 =	vcmask $0x2320;
	v3 =	vsel vm14, $0x84, v3;
	v1 =	vsel vm8, $0x104, v1  }
0x7: {  	vm5 =	vcmask $0x2724;
	v3 =	vsel vm8, $0x106, v3;
	v1 =	vsel vm9, $0x186, v1  }
0x8: {  	vm4 =	vcmask $0x2B28;
	v3 =	vsel vm9, $0x188, v3;
	v1 =	vsel vm10, $0x208, v1  }
0x9: {  	vm3 =	vcmask $0x2F2C;
	v3 =	vsel vm10, $0x20A, v3;
	v1 =	vsel vm11, $0x28A, v1  }
0xa: {  	vm2 =	vcmask $0x3330;
	v3 =	vsel vm11, $0x28C, v3;
	v1 =	vsel vm12, $0x30C, v1  }
0xb: {  	vm0 =	vcmask $0x3734;
	v3 =	vsel vm12, $0x30E, v3;
	v1 =	vsel vm7, $0x38E, v1  }
0xc: {  	vm1 =	vcmask $0x3B38;
	v3 =	vsel vm7, $0x390, v3;
	v1 =	vsel vm6, $0x1, v1  }
0xd: {  	v2 =	vand.u32 $0x7, v0;
	v3 =	vsel vm6, $0x3, v3;
	v1 =	vsel vm5, $0x83, v1  }
0xe: {  	v0 =	vshrl.u32 v0, $0x3;
	v3 =	vsel vm5, $0x85, v3;
	v1 =	vsel vm4, $0x105, v1  }
0xf: {  	v0 =	vmul.u32 $0xFFFFFF82, v0;
	v3 =	vsel vm4, $0x107, v3;
	v1 =	vsel vm3, $0x187, v1  }
0x10: {  	v5 =	vmul.u32 $0x82, v2;
	v3 =	vsel vm3, $0x189, v3;
	v1 =	vsel vm2, $0x209, v1  }
0x11: {  	v0 =	vadd.s32 $0x3F, v0;
	v3 =	vsel vm2, $0x20B, v3;
	v1 =	vsel vm0, $0x28B, v1  }
0x12: {  	[tilespmem:$0x1FBC0] =	vst v0;
	v0 =	vimm.s32 $0x393;
	v53 =	vsel vm1, $0x30D, v1;
	v1 =	vsel vm0, $0x28D, v3  }
0x13: {  	v0 =	vsel vm13, $0x4, v0;
	v62 =	vsel vm1, $0x30F, v1;
	v1 =	vimm.s32 $0x395  }
0x14: {  	v2 =	vimm.s32 $0x397;
	v0 =	vsel vm14, $0x86, v0;
	v1 =	vsel vm13, $0x6, v1  }
0x15: {  	v2 =	vsel vm13, $0x8, v2;
	v0 =	vsel vm8, $0x108, v0;
	v1 =	vsel vm14, $0x88, v1  }
0x16: {  	v2 =	vsel vm14, $0x8A, v2;
	v0 =	vsel vm9, $0x18A, v0;
	v1 =	vsel vm8, $0x10A, v1  }
0x17: {  	v2 =	vsel vm8, $0x10C, v2;
	v0 =	vsel vm10, $0x20C, v0;
	v1 =	vsel vm9, $0x18C, v1  }
0x18: {  	v2 =	vsel vm9, $0x18E, v2;
	v0 =	vsel vm11, $0x28E, v0;
	v1 =	vsel vm10, $0x20E, v1  }
0x19: {  	v2 =	vsel vm10, $0x210, v2;
	v0 =	vsel vm12, $0x310, v0;
	v1 =	vsel vm11, $0x290, v1  }
0x1a: {  	v2 =	vsel vm11, $0x292, v2;
	v0 =	vsel vm7, $0x392, v0;
	v1 =	vsel vm12, $0x312, v1  }
0x1b: {  	v2 =	vsel vm12, $0x314, v2;
	v0 =	vsel vm6, $0x5, v0;
	v1 =	vsel vm7, $0x394, v1  }
0x1c: {  	v2 =	vsel vm7, $0x396, v2;
	v0 =	vsel vm5, $0x87, v0;
	v1 =	vsel vm6, $0x7, v1  }
0x1d: {  	v2 =	vsel vm6, $0x9, v2;
	v0 =	vsel vm4, $0x109, v0;
	v1 =	vsel vm5, $0x89, v1  }
0x1e: {  	v2 =	vsel vm5, $0x8B, v2;
	v0 =	vsel vm3, $0x18B, v0;
	v1 =	vsel vm4, $0x10B, v1  }
0x1f: {  	v2 =	vsel vm4, $0x10D, v2;
	v0 =	vsel vm2, $0x20D, v0;
	v1 =	vsel vm3, $0x18D, v1  }
0x20: {  	v2 =	vsel vm3, $0x18F, v2;
	v0 =	vsel vm0, $0x28F, v0;
	v1 =	vsel vm2, $0x20F, v1  }
0x21: {  	v2 =	vsel vm2, $0x211, v2;
	v18 =	vsel vm1, $0x311, v0;
	v0 =	vsel vm0, $0x291, v1  }
0x22: {  	v1 =	vsel vm0, $0x293, v2;
	v63 =	vsel vm1, $0x313, v0;
	v0 =	vimm.s32 $0x399  }
0x23: {  	v20 =	vsel vm1, $0x315, v1;
	v1 =	vimm.s32 $0x39B;
	v0 =	vsel vm13, $0xA, v0  }
0x24: {  	v2 =	vimm.s32 $0x39D;
	v1 =	vsel vm13, $0xC, v1;
	v0 =	vsel vm14, $0x8C, v0  }
0x25: {  	v2 =	vsel vm13, $0xE, v2;
	v1 =	vsel vm14, $0x8E, v1;
	v0 =	vsel vm8, $0x10E, v0  }
0x26: {  	v2 =	vsel vm14, $0x90, v2;
	v1 =	vsel vm8, $0x110, v1;
	v0 =	vsel vm9, $0x190, v0  }
0x27: {  	v2 =	vsel vm8, $0x112, v2;
	v1 =	vsel vm9, $0x192, v1;
	v0 =	vsel vm10, $0x212, v0  }
0x28: {  	v2 =	vsel vm9, $0x194, v2;
	v1 =	vsel vm10, $0x214, v1;
	v0 =	vsel vm11, $0x294, v0  }
0x29: {  	v2 =	vsel vm10, $0x216, v2;
	v1 =	vsel vm11, $0x296, v1;
	v0 =	vsel vm12, $0x316, v0  }
0x2a: {  	v2 =	vsel vm11, $0x298, v2;
	v1 =	vsel vm12, $0x318, v1;
	v0 =	vsel vm7, $0x398, v0  }
0x2b: {  	v2 =	vsel vm12, $0x31A, v2;
	v1 =	vsel vm7, $0x39A, v1;
	v0 =	vsel vm6, $0xB, v0  }
0x2c: {  	v2 =	vsel vm7, $0x39C, v2;
	v1 =	vsel vm6, $0xD, v1;
	v0 =	vsel vm5, $0x8D, v0  }
0x2d: {  	v2 =	vsel vm6, $0xF, v2;
	v1 =	vsel vm5, $0x8F, v1;
	v0 =	vsel vm4, $0x10F, v0  }
0x2e: {  	v2 =	vsel vm5, $0x91, v2;
	v1 =	vsel vm4, $0x111, v1;
	v0 =	vsel vm3, $0x191, v0  }
0x2f: {  	v2 =	vsel vm4, $0x113, v2;
	v1 =	vsel vm3, $0x193, v1;
	v0 =	vsel vm2, $0x213, v0  }
0x30: {  	v2 =	vsel vm3, $0x195, v2;
	v1 =	vsel vm2, $0x215, v1;
	v0 =	vsel vm0, $0x295, v0  }
0x31: {  	v2 =	vsel vm2, $0x217, v2;
	v24 =	vsel vm1, $0x317, v0;
	v0 =	vsel vm0, $0x297, v1  }
0x32: {  	v1 =	vsel vm0, $0x299, v2;
	v23 =	vsel vm1, $0x319, v0;
	v0 =	vimm.s32 $0x39F  }
0x33: {  	v19 =	vsel vm1, $0x31B, v1;
	v1 =	vimm.s32 $0x3A1;
	v0 =	vsel vm13, $0x10, v0  }
0x34: {  	v2 =	vimm.s32 $0x3A3;
	v1 =	vsel vm13, $0x12, v1;
	v0 =	vsel vm14, $0x92, v0  }
0x35: {  	v2 =	vsel vm13, $0x14, v2;
	v1 =	vsel vm14, $0x94, v1;
	v0 =	vsel vm8, $0x114, v0  }
0x36: {  	v2 =	vsel vm14, $0x96, v2;
	v1 =	vsel vm8, $0x116, v1;
	v0 =	vsel vm9, $0x196, v0  }
0x37: {  	v2 =	vsel vm8, $0x118, v2;
	v1 =	vsel vm9, $0x198, v1;
	v0 =	vsel vm10, $0x218, v0  }
0x38: {  	v2 =	vsel vm9, $0x19A, v2;
	v1 =	vsel vm10, $0x21A, v1;
	v0 =	vsel vm11, $0x29A, v0  }
0x39: {  	v2 =	vsel vm10, $0x21C, v2;
	v1 =	vsel vm11, $0x29C, v1;
	v0 =	vsel vm12, $0x31C, v0  }
0x3a: {  	v2 =	vsel vm11, $0x29E, v2;
	v1 =	vsel vm12, $0x31E, v1;
	v0 =	vsel vm7, $0x39E, v0  }
0x3b: {  	v2 =	vsel vm12, $0x320, v2;
	v1 =	vsel vm7, $0x3A0, v1;
	v0 =	vsel vm6, $0x11, v0  }
0x3c: {  	v2 =	vsel vm7, $0x3A2, v2;
	v1 =	vsel vm6, $0x13, v1;
	v0 =	vsel vm5, $0x93, v0  }
0x3d: {  	v2 =	vsel vm6, $0x15, v2;
	v1 =	vsel vm5, $0x95, v1;
	v0 =	vsel vm4, $0x115, v0  }
0x3e: {  	v2 =	vsel vm5, $0x97, v2;
	v1 =	vsel vm4, $0x117, v1;
	v0 =	vsel vm3, $0x197, v0  }
0x3f: {  	v2 =	vsel vm4, $0x119, v2;
	v1 =	vsel vm3, $0x199, v1;
	v0 =	vsel vm2, $0x219, v0  }
0x40: {  	v2 =	vsel vm3, $0x19B, v2;
	v1 =	vsel vm2, $0x21B, v1;
	v0 =	vsel vm0, $0x29B, v0  }
0x41: {  	v2 =	vsel vm2, $0x21D, v2;
	v28 =	vsel vm1, $0x31D, v0;
	v0 =	vsel vm0, $0x29D, v1  }
0x42: {  	v1 =	vsel vm0, $0x29F, v2;
	v29 =	vsel vm1, $0x31F, v0;
	v0 =	vimm.s32 $0x3A5  }
0x43: {  	v27 =	vsel vm1, $0x321, v1;
	v1 =	vimm.s32 $0x3A7;
	v0 =	vsel vm13, $0x16, v0  }
0x44: {  	v2 =	vimm.s32 $0x3A9;
	v1 =	vsel vm13, $0x18, v1;
	v0 =	vsel vm14, $0x98, v0  }
0x45: {  	v2 =	vsel vm13, $0x1A, v2;
	v1 =	vsel vm14, $0x9A, v1;
	v0 =	vsel vm8, $0x11A, v0  }
0x46: {  	v2 =	vsel vm14, $0x9C, v2;
	v1 =	vsel vm8, $0x11C, v1;
	v0 =	vsel vm9, $0x19C, v0  }
0x47: {  	v2 =	vsel vm8, $0x11E, v2;
	v1 =	vsel vm9, $0x19E, v1;
	v0 =	vsel vm10, $0x21E, v0  }
0x48: {  	v2 =	vsel vm9, $0x1A0, v2;
	v1 =	vsel vm10, $0x220, v1;
	v0 =	vsel vm11, $0x2A0, v0  }
0x49: {  	v2 =	vsel vm10, $0x222, v2;
	v1 =	vsel vm11, $0x2A2, v1;
	v0 =	vsel vm12, $0x322, v0  }
0x4a: {  	v2 =	vsel vm11, $0x2A4, v2;
	v1 =	vsel vm12, $0x324, v1;
	v0 =	vsel vm7, $0x3A4, v0  }
0x4b: {  	v2 =	vsel vm12, $0x326, v2;
	v1 =	vsel vm7, $0x3A6, v1;
	v0 =	vsel vm6, $0x17, v0  }
0x4c: {  	v2 =	vsel vm7, $0x3A8, v2;
	v1 =	vsel vm6, $0x19, v1;
	v0 =	vsel vm5, $0x99, v0  }
0x4d: {  	v2 =	vsel vm6, $0x1B, v2;
	v1 =	vsel vm5, $0x9B, v1;
	v0 =	vsel vm4, $0x11B, v0  }
0x4e: {  	v2 =	vsel vm5, $0x9D, v2;
	v1 =	vsel vm4, $0x11D, v1;
	v0 =	vsel vm3, $0x19D, v0  }
0x4f: {  	v2 =	vsel vm4, $0x11F, v2;
	v1 =	vsel vm3, $0x19F, v1;
	v0 =	vsel vm2, $0x21F, v0  }
0x50: {  	v2 =	vsel vm3, $0x1A1, v2;
	v1 =	vsel vm2, $0x221, v1;
	v0 =	vsel vm0, $0x2A1, v0  }
0x51: {  	v2 =	vsel vm2, $0x223, v2;
	v30 =	vsel vm1, $0x323, v0;
	v0 =	vsel vm0, $0x2A3, v1  }
0x52: {  	v1 =	vsel vm0, $0x2A5, v2;
	v4 =	vsel vm1, $0x325, v0;
	v0 =	vimm.s32 $0x3AB  }
0x53: {  	v22 =	vsel vm1, $0x327, v1;
	v1 =	vimm.s32 $0x3AD;
	v0 =	vsel vm13, $0x1C, v0  }
0x54: {  	v1 =	vsel vm13, $0x1E, v1;
	v0 =	vsel vm14, $0x9E, v0  }
0x55: {  	v2 =	vimm.s32 $0x3AF;
	v1 =	vsel vm14, $0xA0, v1;
	v0 =	vsel vm8, $0x120, v0  }
0x56: {  	v2 =	vsel vm13, $0x20, v2;
	v1 =	vsel vm8, $0x122, v1;
	v0 =	vsel vm9, $0x1A2, v0  }
0x57: {  	v2 =	vsel vm14, $0xA2, v2;
	v1 =	vsel vm9, $0x1A4, v1;
	v0 =	vsel vm10, $0x224, v0  }
0x58: {  	v2 =	vsel vm8, $0x124, v2;
	v1 =	vsel vm10, $0x226, v1;
	v0 =	vsel vm11, $0x2A6, v0  }
0x59: {  	v2 =	vsel vm9, $0x1A6, v2;
	v1 =	vsel vm11, $0x2A8, v1;
	v0 =	vsel vm12, $0x328, v0  }
0x5a: {  	v2 =	vsel vm10, $0x228, v2;
	v1 =	vsel vm12, $0x32A, v1;
	v0 =	vsel vm7, $0x3AA, v0  }
0x5b: {  	v2 =	vsel vm11, $0x2AA, v2;
	v1 =	vsel vm7, $0x3AC, v1;
	v0 =	vsel vm6, $0x1D, v0  }
0x5c: {  	v2 =	vsel vm12, $0x32C, v2;
	v1 =	vsel vm6, $0x1F, v1;
	v0 =	vsel vm5, $0x9F, v0  }
0x5d: {  	v2 =	vsel vm7, $0x3AE, v2;
	v1 =	vsel vm5, $0xA1, v1;
	v0 =	vsel vm4, $0x121, v0  }
0x5e: {  	v2 =	vsel vm6, $0x21, v2;
	v1 =	vsel vm4, $0x123, v1;
	v0 =	vsel vm3, $0x1A3, v0  }
0x5f: {  	v2 =	vsel vm5, $0xA3, v2;
	v1 =	vsel vm3, $0x1A5, v1;
	v0 =	vsel vm2, $0x225, v0  }
0x60: {  	v2 =	vsel vm4, $0x125, v2;
	v1 =	vsel vm2, $0x227, v1;
	v0 =	vsel vm0, $0x2A7, v0  }
0x61: {  	v2 =	vsel vm3, $0x1A7, v2;
	v25 =	vsel vm1, $0x329, v0;
	v0 =	vsel vm0, $0x2A9, v1  }
0x62: {  	v2 =	vsel vm2, $0x229, v2;
	v31 =	vsel vm1, $0x32B, v0;
	v0 =	vimm.s32 $0x3B1  }
0x63: {  	v1 =	vsel vm0, $0x2AB, v2;
	v0 =	vsel vm13, $0x22, v0  }
0x64: {  	v26 =	vsel vm1, $0x32D, v1;
	v1 =	vimm.s32 $0x3B3;
	v0 =	vsel vm14, $0xA4, v0  }
0x65: {  	v2 =	vimm.s32 $0x3B5;
	v1 =	vsel vm13, $0x24, v1;
	v0 =	vsel vm8, $0x126, v0  }
0x66: {  	v2 =	vsel vm13, $0x26, v2;
	v1 =	vsel vm14, $0xA6, v1;
	v0 =	vsel vm9, $0x1A8, v0  }
0x67: {  	v2 =	vsel vm14, $0xA8, v2;
	v1 =	vsel vm8, $0x128, v1;
	v0 =	vsel vm10, $0x22A, v0  }
0x68: {  	v2 =	vsel vm8, $0x12A, v2;
	v1 =	vsel vm9, $0x1AA, v1;
	v0 =	vsel vm11, $0x2AC, v0  }
0x69: {  	v2 =	vsel vm9, $0x1AC, v2;
	v1 =	vsel vm10, $0x22C, v1;
	v0 =	vsel vm12, $0x32E, v0  }
0x6a: {  	v2 =	vsel vm10, $0x22E, v2;
	v1 =	vsel vm11, $0x2AE, v1;
	v0 =	vsel vm7, $0x3B0, v0  }
0x6b: {  	v2 =	vsel vm11, $0x2B0, v2;
	v1 =	vsel vm12, $0x330, v1;
	v0 =	vsel vm6, $0x23, v0  }
0x6c: {  	v2 =	vsel vm12, $0x332, v2;
	v1 =	vsel vm7, $0x3B2, v1;
	v0 =	vsel vm5, $0xA5, v0  }
0x6d: {  	v2 =	vsel vm7, $0x3B4, v2;
	v1 =	vsel vm6, $0x25, v1;
	v0 =	vsel vm4, $0x127, v0  }
0x6e: {  	v2 =	vsel vm6, $0x27, v2;
	v1 =	vsel vm5, $0xA7, v1;
	v0 =	vsel vm3, $0x1A9, v0  }
0x6f: {  	v2 =	vsel vm5, $0xA9, v2;
	v1 =	vsel vm4, $0x129, v1;
	v0 =	vsel vm2, $0x22B, v0  }
0x70: {  	v2 =	vsel vm4, $0x12B, v2;
	v1 =	vsel vm3, $0x1AB, v1;
	v0 =	vsel vm0, $0x2AD, v0  }
0x71: {  	v2 =	vsel vm3, $0x1AD, v2;
	v1 =	vsel vm2, $0x22D, v1;
	v0 =	vsel vm1, $0x32F, v0  }
0x72: {  	v2 =	vsel vm2, $0x22F, v2;
	[tilespmem:$0x1FBD0] =	vst v0;
	v0 =	vsel vm0, $0x2AF, v1  }
0x73: {  	v1 =	vsel vm0, $0x2B1, v2;
	v0 =	vsel vm1, $0x331, v0  }
0x74: {  	[tilespmem:$0x1FBE0] =	vst v0;
	v0 =	vsel vm1, $0x333, v1  }
0x75: {  	[tilespmem:$0x1FBF0] =	vst v0;
	v0 =	vimm.s32 $0x3B7  }
0x76: {  	v0 =	vsel vm13, $0x28, v0  }
0x77: {  	v1 =	vimm.s32 $0x3B9;
	v0 =	vsel vm14, $0xAA, v0  }
0x78: {  	v2 =	vimm.s32 $0x3BB;
	v1 =	vsel vm13, $0x2A, v1;
	v0 =	vsel vm8, $0x12C, v0  }
0x79: {  	v2 =	vsel vm13, $0x2C, v2;
	v1 =	vsel vm14, $0xAC, v1;
	v0 =	vsel vm9, $0x1AE, v0  }
0x7a: {  	v2 =	vsel vm14, $0xAE, v2;
	v1 =	vsel vm8, $0x12E, v1;
	v0 =	vsel vm10, $0x230, v0  }
0x7b: {  	v2 =	vsel vm8, $0x130, v2;
	v1 =	vsel vm9, $0x1B0, v1;
	v0 =	vsel vm11, $0x2B2, v0  }
0x7c: {  	v2 =	vsel vm9, $0x1B2, v2;
	v1 =	vsel vm10, $0x232, v1;
	v0 =	vsel vm12, $0x334, v0  }
0x7d: {  	v2 =	vsel vm10, $0x234, v2;
	v1 =	vsel vm11, $0x2B4, v1;
	v0 =	vsel vm7, $0x3B6, v0  }
0x7e: {  	v2 =	vsel vm11, $0x2B6, v2;
	v1 =	vsel vm12, $0x336, v1;
	v0 =	vsel vm6, $0x29, v0  }
0x7f: {  	v2 =	vsel vm12, $0x338, v2;
	v1 =	vsel vm7, $0x3B8, v1;
	v0 =	vsel vm5, $0xAB, v0  }
0x80: {  	v2 =	vsel vm7, $0x3BA, v2;
	v1 =	vsel vm6, $0x2B, v1;
	v0 =	vsel vm4, $0x12D, v0  }
0x81: {  	v2 =	vsel vm6, $0x2D, v2;
	v1 =	vsel vm5, $0xAD, v1;
	v0 =	vsel vm3, $0x1AF, v0  }
0x82: {  	v2 =	vsel vm5, $0xAF, v2;
	v1 =	vsel vm4, $0x12F, v1;
	v0 =	vsel vm2, $0x231, v0  }
0x83: {  	v2 =	vsel vm4, $0x131, v2;
	v1 =	vsel vm3, $0x1B1, v1;
	v0 =	vsel vm0, $0x2B3, v0  }
0x84: {  	v2 =	vsel vm3, $0x1B3, v2;
	v1 =	vsel vm2, $0x233, v1;
	v0 =	vsel vm1, $0x335, v0  }
0x85: {  	v2 =	vsel vm2, $0x235, v2;
	[tilespmem:$0x1FC00] =	vst v0;
	v0 =	vsel vm0, $0x2B5, v1  }
0x86: {  	v1 =	vsel vm0, $0x2B7, v2;
	v0 =	vsel vm1, $0x337, v0  }
0x87: {  	[tilespmem:$0x1FC10] =	vst v0;
	v0 =	vsel vm1, $0x339, v1  }
0x88: {  	[tilespmem:$0x1FC20] =	vst v0;
	v0 =	vimm.s32 $0x3BD  }
0x89: {  	v0 =	vsel vm13, $0x2E, v0  }
0x8a: {  	v1 =	vimm.s32 $0x3BF;
	v0 =	vsel vm14, $0xB0, v0  }
0x8b: {  	v2 =	vimm.s32 $0x3C1;
	v1 =	vsel vm13, $0x30, v1;
	v0 =	vsel vm8, $0x132, v0  }
0x8c: {  	v2 =	vsel vm13, $0x32, v2;
	v1 =	vsel vm14, $0xB2, v1;
	v0 =	vsel vm9, $0x1B4, v0  }
0x8d: {  	v2 =	vsel vm14, $0xB4, v2;
	v1 =	vsel vm8, $0x134, v1;
	v0 =	vsel vm10, $0x236, v0  }
0x8e: {  	v2 =	vsel vm8, $0x136, v2;
	v1 =	vsel vm9, $0x1B6, v1;
	v0 =	vsel vm11, $0x2B8, v0  }
0x8f: {  	v2 =	vsel vm9, $0x1B8, v2;
	v1 =	vsel vm10, $0x238, v1;
	v0 =	vsel vm12, $0x33A, v0  }
0x90: {  	v2 =	vsel vm10, $0x23A, v2;
	v1 =	vsel vm11, $0x2BA, v1;
	v0 =	vsel vm7, $0x3BC, v0  }
0x91: {  	v2 =	vsel vm11, $0x2BC, v2;
	v1 =	vsel vm12, $0x33C, v1;
	v0 =	vsel vm6, $0x2F, v0  }
0x92: {  	v2 =	vsel vm12, $0x33E, v2;
	v1 =	vsel vm7, $0x3BE, v1;
	v0 =	vsel vm5, $0xB1, v0  }
0x93: {  	v2 =	vsel vm7, $0x3C0, v2;
	v1 =	vsel vm6, $0x31, v1;
	v0 =	vsel vm4, $0x133, v0  }
0x94: {  	v2 =	vsel vm6, $0x33, v2;
	v1 =	vsel vm5, $0xB3, v1;
	v0 =	vsel vm3, $0x1B5, v0  }
0x95: {  	v2 =	vsel vm5, $0xB5, v2;
	v1 =	vsel vm4, $0x135, v1;
	v0 =	vsel vm2, $0x237, v0  }
0x96: {  	v2 =	vsel vm4, $0x137, v2;
	v1 =	vsel vm3, $0x1B7, v1;
	v0 =	vsel vm0, $0x2B9, v0  }
0x97: {  	v2 =	vsel vm3, $0x1B9, v2;
	v1 =	vsel vm2, $0x239, v1;
	v0 =	vsel vm1, $0x33B, v0  }
0x98: {  	v2 =	vsel vm2, $0x23B, v2;
	[tilespmem:$0x1FC30] =	vst v0;
	v0 =	vsel vm0, $0x2BB, v1  }
0x99: {  	v1 =	vsel vm0, $0x2BD, v2;
	v0 =	vsel vm1, $0x33D, v0  }
0x9a: {  	[tilespmem:$0x1FC40] =	vst v0;
	v0 =	vsel vm1, $0x33F, v1  }
0x9b: {  	[tilespmem:$0x1FC50] =	vst v0;
	v0 =	vimm.s32 $0x3C3  }
0x9c: {  	v0 =	vsel vm13, $0x34, v0  }
0x9d: {  	v1 =	vimm.s32 $0x3C5;
	v0 =	vsel vm14, $0xB6, v0  }
0x9e: {  	v2 =	vimm.s32 $0x3C7;
	v1 =	vsel vm13, $0x36, v1;
	v0 =	vsel vm8, $0x138, v0  }
0x9f: {  	v2 =	vsel vm13, $0x38, v2;
	v1 =	vsel vm14, $0xB8, v1;
	v0 =	vsel vm9, $0x1BA, v0  }
0xa0: {  	v2 =	vsel vm14, $0xBA, v2;
	v1 =	vsel vm8, $0x13A, v1;
	v0 =	vsel vm10, $0x23C, v0  }
0xa1: {  	v2 =	vsel vm8, $0x13C, v2;
	v1 =	vsel vm9, $0x1BC, v1;
	v0 =	vsel vm11, $0x2BE, v0  }
0xa2: {  	v2 =	vsel vm9, $0x1BE, v2;
	v1 =	vsel vm10, $0x23E, v1;
	v0 =	vsel vm12, $0x340, v0  }
0xa3: {  	v2 =	vsel vm10, $0x240, v2;
	v1 =	vsel vm11, $0x2C0, v1;
	v0 =	vsel vm7, $0x3C2, v0  }
0xa4: {  	v2 =	vsel vm11, $0x2C2, v2;
	v1 =	vsel vm12, $0x342, v1;
	v0 =	vsel vm6, $0x35, v0  }
0xa5: {  	v2 =	vsel vm12, $0x344, v2;
	v1 =	vsel vm7, $0x3C4, v1;
	v0 =	vsel vm5, $0xB7, v0  }
0xa6: {  	v2 =	vsel vm7, $0x3C6, v2;
	v1 =	vsel vm6, $0x37, v1;
	v0 =	vsel vm4, $0x139, v0  }
0xa7: {  	v2 =	vsel vm6, $0x39, v2;
	v1 =	vsel vm5, $0xB9, v1;
	v0 =	vsel vm3, $0x1BB, v0  }
0xa8: {  	v2 =	vsel vm5, $0xBB, v2;
	v1 =	vsel vm4, $0x13B, v1;
	v0 =	vsel vm2, $0x23D, v0  }
0xa9: {  	v2 =	vsel vm4, $0x13D, v2;
	v1 =	vsel vm3, $0x1BD, v1;
	v0 =	vsel vm0, $0x2BF, v0  }
0xaa: {  	v2 =	vsel vm3, $0x1BF, v2;
	v1 =	vsel vm2, $0x23F, v1;
	v0 =	vsel vm1, $0x341, v0  }
0xab: {  	v2 =	vsel vm2, $0x241, v2;
	[tilespmem:$0x1FC60] =	vst v0;
	v0 =	vsel vm0, $0x2C1, v1  }
0xac: {  	v1 =	vsel vm0, $0x2C3, v2;
	v0 =	vsel vm1, $0x343, v0  }
0xad: {  	[tilespmem:$0x1FC70] =	vst v0;
	v0 =	vsel vm1, $0x345, v1  }
0xae: {  	[tilespmem:$0x1FC80] =	vst v0;
	v0 =	vimm.s32 $0x3C9  }
0xaf: {  	v0 =	vsel vm13, $0x3A, v0  }
0xb0: {  	v1 =	vimm.s32 $0x3CB;
	v0 =	vsel vm14, $0xBC, v0  }
0xb1: {  	v2 =	vimm.s32 $0x3CD;
	v1 =	vsel vm13, $0x3C, v1;
	v0 =	vsel vm8, $0x13E, v0  }
0xb2: {  	v2 =	vsel vm13, $0x3E, v2;
	v1 =	vsel vm14, $0xBE, v1;
	v0 =	vsel vm9, $0x1C0, v0  }
0xb3: {  	v2 =	vsel vm14, $0xC0, v2;
	v1 =	vsel vm8, $0x140, v1;
	v0 =	vsel vm10, $0x242, v0  }
0xb4: {  	v2 =	vsel vm8, $0x142, v2;
	v1 =	vsel vm9, $0x1C2, v1;
	v0 =	vsel vm11, $0x2C4, v0  }
0xb5: {  	v2 =	vsel vm9, $0x1C4, v2;
	v1 =	vsel vm10, $0x244, v1;
	v0 =	vsel vm12, $0x346, v0  }
0xb6: {  	v2 =	vsel vm10, $0x246, v2;
	v1 =	vsel vm11, $0x2C6, v1;
	v0 =	vsel vm7, $0x3C8, v0  }
0xb7: {  	v2 =	vsel vm11, $0x2C8, v2;
	v1 =	vsel vm12, $0x348, v1;
	v0 =	vsel vm6, $0x3B, v0  }
0xb8: {  	v2 =	vsel vm12, $0x34A, v2;
	v1 =	vsel vm7, $0x3CA, v1;
	v0 =	vsel vm5, $0xBD, v0  }
0xb9: {  	v2 =	vsel vm7, $0x3CC, v2;
	v1 =	vsel vm6, $0x3D, v1;
	v0 =	vsel vm4, $0x13F, v0  }
0xba: {  	v2 =	vsel vm6, $0x3F, v2;
	v1 =	vsel vm5, $0xBF, v1;
	v0 =	vsel vm3, $0x1C1, v0  }
0xbb: {  	v2 =	vsel vm5, $0xC1, v2;
	v1 =	vsel vm4, $0x141, v1;
	v0 =	vsel vm2, $0x243, v0  }
0xbc: {  	v2 =	vsel vm4, $0x143, v2;
	v1 =	vsel vm3, $0x1C3, v1;
	v0 =	vsel vm0, $0x2C5, v0  }
0xbd: {  	v2 =	vsel vm3, $0x1C5, v2;
	v1 =	vsel vm2, $0x245, v1;
	v0 =	vsel vm1, $0x347, v0  }
0xbe: {  	v2 =	vsel vm2, $0x247, v2;
	[tilespmem:$0x1FC90] =	vst v0;
	v0 =	vsel vm0, $0x2C7, v1  }
0xbf: {  	v1 =	vsel vm0, $0x2C9, v2;
	v0 =	vsel vm1, $0x349, v0  }
0xc0: {  	[tilespmem:$0x1FCA0] =	vst v0;
	v0 =	vsel vm1, $0x34B, v1  }
0xc1: {  	[tilespmem:$0x1FCB0] =	vst v0;
	v0 =	vimm.s32 $0x3CF  }
0xc2: {  	v0 =	vsel vm13, $0x40, v0  }
0xc3: {  	v1 =	vimm.s32 $0x3D1;
	v0 =	vsel vm14, $0xC2, v0  }
0xc4: {  	v2 =	vimm.s32 $0x3D3;
	v1 =	vsel vm13, $0x42, v1;
	v0 =	vsel vm8, $0x144, v0  }
0xc5: {  	v2 =	vsel vm13, $0x44, v2;
	v1 =	vsel vm14, $0xC4, v1;
	v0 =	vsel vm9, $0x1C6, v0  }
0xc6: {  	v2 =	vsel vm14, $0xC6, v2;
	v1 =	vsel vm8, $0x146, v1;
	v0 =	vsel vm10, $0x248, v0  }
0xc7: {  	v2 =	vsel vm8, $0x148, v2;
	v1 =	vsel vm9, $0x1C8, v1;
	v0 =	vsel vm11, $0x2CA, v0  }
0xc8: {  	v2 =	vsel vm9, $0x1CA, v2;
	v1 =	vsel vm10, $0x24A, v1;
	v0 =	vsel vm12, $0x34C, v0  }
0xc9: {  	v2 =	vsel vm10, $0x24C, v2;
	v1 =	vsel vm11, $0x2CC, v1;
	v0 =	vsel vm7, $0x3CE, v0  }
0xca: {  	v2 =	vsel vm11, $0x2CE, v2;
	v1 =	vsel vm12, $0x34E, v1;
	v0 =	vsel vm6, $0x41, v0  }
0xcb: {  	v2 =	vsel vm12, $0x350, v2;
	v1 =	vsel vm7, $0x3D0, v1;
	v0 =	vsel vm5, $0xC3, v0  }
0xcc: {  	v2 =	vsel vm7, $0x3D2, v2;
	v1 =	vsel vm6, $0x43, v1;
	v0 =	vsel vm4, $0x145, v0  }
0xcd: {  	v2 =	vsel vm6, $0x45, v2;
	v1 =	vsel vm5, $0xC5, v1;
	v0 =	vsel vm3, $0x1C7, v0  }
0xce: {  	v2 =	vsel vm5, $0xC7, v2;
	v1 =	vsel vm4, $0x147, v1;
	v0 =	vsel vm2, $0x249, v0  }
0xcf: {  	v2 =	vsel vm4, $0x149, v2;
	v1 =	vsel vm3, $0x1C9, v1;
	v0 =	vsel vm0, $0x2CB, v0  }
0xd0: {  	v2 =	vsel vm3, $0x1CB, v2;
	v1 =	vsel vm2, $0x24B, v1;
	v0 =	vsel vm1, $0x34D, v0  }
0xd1: {  	v2 =	vsel vm2, $0x24D, v2;
	[tilespmem:$0x1FCC0] =	vst v0;
	v0 =	vsel vm0, $0x2CD, v1  }
0xd2: {  	v1 =	vsel vm0, $0x2CF, v2;
	v0 =	vsel vm1, $0x34F, v0  }
0xd3: {  	[tilespmem:$0x1FCD0] =	vst v0;
	v0 =	vsel vm1, $0x351, v1  }
0xd4: {  	[tilespmem:$0x1FCE0] =	vst v0;
	v0 =	vimm.s32 $0x3D5  }
0xd5: {  	v0 =	vsel vm13, $0x46, v0  }
0xd6: {  	v1 =	vimm.s32 $0x3D7;
	v0 =	vsel vm14, $0xC8, v0  }
0xd7: {  	v2 =	vimm.s32 $0x3D9;
	v1 =	vsel vm13, $0x48, v1;
	v0 =	vsel vm8, $0x14A, v0  }
0xd8: {  	v2 =	vsel vm13, $0x4A, v2;
	v1 =	vsel vm14, $0xCA, v1;
	v0 =	vsel vm9, $0x1CC, v0  }
0xd9: {  	v2 =	vsel vm14, $0xCC, v2;
	v1 =	vsel vm8, $0x14C, v1;
	v0 =	vsel vm10, $0x24E, v0  }
0xda: {  	v2 =	vsel vm8, $0x14E, v2;
	v1 =	vsel vm9, $0x1CE, v1;
	v0 =	vsel vm11, $0x2D0, v0  }
0xdb: {  	v2 =	vsel vm9, $0x1D0, v2;
	v1 =	vsel vm10, $0x250, v1;
	v0 =	vsel vm12, $0x352, v0  }
0xdc: {  	v2 =	vsel vm10, $0x252, v2;
	v1 =	vsel vm11, $0x2D2, v1;
	v0 =	vsel vm7, $0x3D4, v0  }
0xdd: {  	v2 =	vsel vm11, $0x2D4, v2;
	v1 =	vsel vm12, $0x354, v1;
	v0 =	vsel vm6, $0x47, v0  }
0xde: {  	v2 =	vsel vm12, $0x356, v2;
	v1 =	vsel vm7, $0x3D6, v1;
	v0 =	vsel vm5, $0xC9, v0  }
0xdf: {  	v2 =	vsel vm7, $0x3D8, v2;
	v1 =	vsel vm6, $0x49, v1;
	v0 =	vsel vm4, $0x14B, v0  }
0xe0: {  	v2 =	vsel vm6, $0x4B, v2;
	v1 =	vsel vm5, $0xCB, v1;
	v0 =	vsel vm3, $0x1CD, v0  }
0xe1: {  	v2 =	vsel vm5, $0xCD, v2;
	v1 =	vsel vm4, $0x14D, v1;
	v0 =	vsel vm2, $0x24F, v0  }
0xe2: {  	v2 =	vsel vm4, $0x14F, v2;
	v1 =	vsel vm3, $0x1CF, v1;
	v0 =	vsel vm0, $0x2D1, v0  }
0xe3: {  	v2 =	vsel vm3, $0x1D1, v2;
	v1 =	vsel vm2, $0x251, v1;
	v0 =	vsel vm1, $0x353, v0  }
0xe4: {  	v2 =	vsel vm2, $0x253, v2;
	[tilespmem:$0x1FCF0] =	vst v0;
	v0 =	vsel vm0, $0x2D3, v1  }
0xe5: {  	v1 =	vsel vm0, $0x2D5, v2;
	v0 =	vsel vm1, $0x355, v0  }
0xe6: {  	[tilespmem:$0x1FD00] =	vst v0;
	v0 =	vsel vm1, $0x357, v1  }
0xe7: {  	[tilespmem:$0x1FD10] =	vst v0;
	v0 =	vimm.s32 $0x3DB  }
0xe8: {  	v0 =	vsel vm13, $0x4C, v0  }
0xe9: {  	v1 =	vimm.s32 $0x3DD;
	v0 =	vsel vm14, $0xCE, v0  }
0xea: {  	v2 =	vimm.s32 $0x3DF;
	v1 =	vsel vm13, $0x4E, v1;
	v0 =	vsel vm8, $0x150, v0  }
0xeb: {  	v2 =	vsel vm13, $0x50, v2;
	v1 =	vsel vm14, $0xD0, v1;
	v0 =	vsel vm9, $0x1D2, v0  }
0xec: {  	v2 =	vsel vm14, $0xD2, v2;
	v1 =	vsel vm8, $0x152, v1;
	v0 =	vsel vm10, $0x254, v0  }
0xed: {  	v2 =	vsel vm8, $0x154, v2;
	v1 =	vsel vm9, $0x1D4, v1;
	v0 =	vsel vm11, $0x2D6, v0  }
0xee: {  	v2 =	vsel vm9, $0x1D6, v2;
	v1 =	vsel vm10, $0x256, v1;
	v0 =	vsel vm12, $0x358, v0  }
0xef: {  	v2 =	vsel vm10, $0x258, v2;
	v1 =	vsel vm11, $0x2D8, v1;
	v0 =	vsel vm7, $0x3DA, v0  }
0xf0: {  	v2 =	vsel vm11, $0x2DA, v2;
	v1 =	vsel vm12, $0x35A, v1;
	v0 =	vsel vm6, $0x4D, v0  }
0xf1: {  	v2 =	vsel vm12, $0x35C, v2;
	v1 =	vsel vm7, $0x3DC, v1;
	v0 =	vsel vm5, $0xCF, v0  }
0xf2: {  	v2 =	vsel vm7, $0x3DE, v2;
	v1 =	vsel vm6, $0x4F, v1;
	v0 =	vsel vm4, $0x151, v0  }
0xf3: {  	v2 =	vsel vm6, $0x51, v2;
	v1 =	vsel vm5, $0xD1, v1;
	v0 =	vsel vm3, $0x1D3, v0  }
0xf4: {  	v2 =	vsel vm5, $0xD3, v2;
	v1 =	vsel vm4, $0x153, v1;
	v0 =	vsel vm2, $0x255, v0  }
0xf5: {  	v2 =	vsel vm4, $0x155, v2;
	v1 =	vsel vm3, $0x1D5, v1;
	v0 =	vsel vm0, $0x2D7, v0  }
0xf6: {  	v2 =	vsel vm3, $0x1D7, v2;
	v1 =	vsel vm2, $0x257, v1;
	v0 =	vsel vm1, $0x359, v0  }
0xf7: {  	v2 =	vsel vm2, $0x259, v2;
	[tilespmem:$0x1FD20] =	vst v0;
	v0 =	vsel vm0, $0x2D9, v1  }
0xf8: {  	v1 =	vsel vm0, $0x2DB, v2;
	v0 =	vsel vm1, $0x35B, v0  }
0xf9: {  	[tilespmem:$0x1FD30] =	vst v0;
	v0 =	vsel vm1, $0x35D, v1  }
0xfa: {  	[tilespmem:$0x1FD40] =	vst v0;
	v0 =	vimm.s32 $0x3E1  }
0xfb: {  	v0 =	vsel vm13, $0x52, v0  }
0xfc: {  	v1 =	vimm.s32 $0x3E3;
	v0 =	vsel vm14, $0xD4, v0  }
0xfd: {  	v2 =	vimm.s32 $0x3E5;
	v1 =	vsel vm13, $0x54, v1;
	v0 =	vsel vm8, $0x156, v0  }
0xfe: {  	v2 =	vsel vm13, $0x56, v2;
	v1 =	vsel vm14, $0xD6, v1;
	v0 =	vsel vm9, $0x1D8, v0  }
0xff: {  	v2 =	vsel vm14, $0xD8, v2;
	v1 =	vsel vm8, $0x158, v1;
	v0 =	vsel vm10, $0x25A, v0  }
0x100: {  	v2 =	vsel vm8, $0x15A, v2;
	v1 =	vsel vm9, $0x1DA, v1;
	v0 =	vsel vm11, $0x2DC, v0  }
0x101: {  	v2 =	vsel vm9, $0x1DC, v2;
	v1 =	vsel vm10, $0x25C, v1;
	v0 =	vsel vm12, $0x35E, v0  }
0x102: {  	v2 =	vsel vm10, $0x25E, v2;
	v1 =	vsel vm11, $0x2DE, v1;
	v0 =	vsel vm7, $0x3E0, v0  }
0x103: {  	v2 =	vsel vm11, $0x2E0, v2;
	v1 =	vsel vm12, $0x360, v1;
	v0 =	vsel vm6, $0x53, v0  }
0x104: {  	v2 =	vsel vm12, $0x362, v2;
	v1 =	vsel vm7, $0x3E2, v1;
	v0 =	vsel vm5, $0xD5, v0  }
0x105: {  	v2 =	vsel vm7, $0x3E4, v2;
	v1 =	vsel vm6, $0x55, v1;
	v0 =	vsel vm4, $0x157, v0  }
0x106: {  	v2 =	vsel vm6, $0x57, v2;
	v1 =	vsel vm5, $0xD7, v1;
	v0 =	vsel vm3, $0x1D9, v0  }
0x107: {  	v2 =	vsel vm5, $0xD9, v2;
	v1 =	vsel vm4, $0x159, v1;
	v0 =	vsel vm2, $0x25B, v0  }
0x108: {  	v2 =	vsel vm4, $0x15B, v2;
	v1 =	vsel vm3, $0x1DB, v1;
	v0 =	vsel vm0, $0x2DD, v0  }
0x109: {  	v2 =	vsel vm3, $0x1DD, v2;
	v1 =	vsel vm2, $0x25D, v1;
	v0 =	vsel vm1, $0x35F, v0  }
0x10a: {  	v2 =	vsel vm2, $0x25F, v2;
	[tilespmem:$0x1FD50] =	vst v0;
	v0 =	vsel vm0, $0x2DF, v1  }
0x10b: {  	v1 =	vsel vm0, $0x2E1, v2;
	v0 =	vsel vm1, $0x361, v0  }
0x10c: {  	[tilespmem:$0x1FD60] =	vst v0;
	v0 =	vsel vm1, $0x363, v1  }
0x10d: {  	[tilespmem:$0x1FD70] =	vst v0;
	v0 =	vimm.s32 $0x3E7  }
0x10e: {  	v0 =	vsel vm13, $0x58, v0  }
0x10f: {  	v1 =	vimm.s32 $0x3E9;
	v0 =	vsel vm14, $0xDA, v0  }
0x110: {  	v2 =	vimm.s32 $0x3EB;
	v1 =	vsel vm13, $0x5A, v1;
	v0 =	vsel vm8, $0x15C, v0  }
0x111: {  	v2 =	vsel vm13, $0x5C, v2;
	v1 =	vsel vm14, $0xDC, v1;
	v0 =	vsel vm9, $0x1DE, v0  }
0x112: {  	v2 =	vsel vm14, $0xDE, v2;
	v1 =	vsel vm8, $0x15E, v1;
	v0 =	vsel vm10, $0x260, v0  }
0x113: {  	v2 =	vsel vm8, $0x160, v2;
	v1 =	vsel vm9, $0x1E0, v1;
	v0 =	vsel vm11, $0x2E2, v0  }
0x114: {  	v2 =	vsel vm9, $0x1E2, v2;
	v1 =	vsel vm10, $0x262, v1;
	v0 =	vsel vm12, $0x364, v0  }
0x115: {  	v2 =	vsel vm10, $0x264, v2;
	v1 =	vsel vm11, $0x2E4, v1;
	v0 =	vsel vm7, $0x3E6, v0  }
0x116: {  	v2 =	vsel vm11, $0x2E6, v2;
	v1 =	vsel vm12, $0x366, v1;
	v0 =	vsel vm6, $0x59, v0  }
0x117: {  	v2 =	vsel vm12, $0x368, v2;
	v1 =	vsel vm7, $0x3E8, v1;
	v0 =	vsel vm5, $0xDB, v0  }
0x118: {  	v2 =	vsel vm7, $0x3EA, v2;
	v1 =	vsel vm6, $0x5B, v1;
	v0 =	vsel vm4, $0x15D, v0  }
0x119: {  	v2 =	vsel vm6, $0x5D, v2;
	v1 =	vsel vm5, $0xDD, v1;
	v0 =	vsel vm3, $0x1DF, v0  }
0x11a: {  	v2 =	vsel vm5, $0xDF, v2;
	v1 =	vsel vm4, $0x15F, v1;
	v0 =	vsel vm2, $0x261, v0  }
0x11b: {  	v2 =	vsel vm4, $0x161, v2;
	v1 =	vsel vm3, $0x1E1, v1;
	v0 =	vsel vm0, $0x2E3, v0  }
0x11c: {  	v2 =	vsel vm3, $0x1E3, v2;
	v1 =	vsel vm2, $0x263, v1;
	v0 =	vsel vm1, $0x365, v0  }
0x11d: {  	v2 =	vsel vm2, $0x265, v2;
	[tilespmem:$0x1FD80] =	vst v0;
	v0 =	vsel vm0, $0x2E5, v1  }
0x11e: {  	v1 =	vsel vm0, $0x2E7, v2;
	v0 =	vsel vm1, $0x367, v0  }
0x11f: {  	[tilespmem:$0x1FD90] =	vst v0;
	v0 =	vsel vm1, $0x369, v1  }
0x120: {  	[tilespmem:$0x1FDA0] =	vst v0;
	v0 =	vimm.s32 $0x3ED  }
0x121: {  	v0 =	vsel vm13, $0x5E, v0  }
0x122: {  	v1 =	vimm.s32 $0x3EF;
	v0 =	vsel vm14, $0xE0, v0  }
0x123: {  	v2 =	vimm.s32 $0x3F1;
	v1 =	vsel vm13, $0x60, v1;
	v0 =	vsel vm8, $0x162, v0  }
0x124: {  	v2 =	vsel vm13, $0x62, v2;
	v1 =	vsel vm14, $0xE2, v1;
	v0 =	vsel vm9, $0x1E4, v0  }
0x125: {  	v2 =	vsel vm14, $0xE4, v2;
	v1 =	vsel vm8, $0x164, v1;
	v0 =	vsel vm10, $0x266, v0  }
0x126: {  	v2 =	vsel vm8, $0x166, v2;
	v1 =	vsel vm9, $0x1E6, v1;
	v0 =	vsel vm11, $0x2E8, v0  }
0x127: {  	v2 =	vsel vm9, $0x1E8, v2;
	v1 =	vsel vm10, $0x268, v1;
	v0 =	vsel vm12, $0x36A, v0  }
0x128: {  	v2 =	vsel vm10, $0x26A, v2;
	v1 =	vsel vm11, $0x2EA, v1;
	v0 =	vsel vm7, $0x3EC, v0  }
0x129: {  	v2 =	vsel vm11, $0x2EC, v2;
	v1 =	vsel vm12, $0x36C, v1;
	v0 =	vsel vm6, $0x5F, v0  }
0x12a: {  	v2 =	vsel vm12, $0x36E, v2;
	v1 =	vsel vm7, $0x3EE, v1;
	v0 =	vsel vm5, $0xE1, v0  }
0x12b: {  	v2 =	vsel vm7, $0x3F0, v2;
	v1 =	vsel vm6, $0x61, v1;
	v0 =	vsel vm4, $0x163, v0  }
0x12c: {  	v2 =	vsel vm6, $0x63, v2;
	v1 =	vsel vm5, $0xE3, v1;
	v0 =	vsel vm3, $0x1E5, v0  }
0x12d: {  	v2 =	vsel vm5, $0xE5, v2;
	v1 =	vsel vm4, $0x165, v1;
	v0 =	vsel vm2, $0x267, v0  }
0x12e: {  	v2 =	vsel vm4, $0x167, v2;
	v1 =	vsel vm3, $0x1E7, v1;
	v0 =	vsel vm0, $0x2E9, v0  }
0x12f: {  	v2 =	vsel vm3, $0x1E9, v2;
	v1 =	vsel vm2, $0x269, v1;
	v0 =	vsel vm1, $0x36B, v0  }
0x130: {  	v2 =	vsel vm2, $0x26B, v2;
	[tilespmem:$0x1FDB0] =	vst v0;
	v0 =	vsel vm0, $0x2EB, v1  }
0x131: {  	v1 =	vsel vm0, $0x2ED, v2;
	v0 =	vsel vm1, $0x36D, v0  }
0x132: {  	[tilespmem:$0x1FDC0] =	vst v0;
	v0 =	vsel vm1, $0x36F, v1  }
0x133: {  	[tilespmem:$0x1FDD0] =	vst v0;
	v0 =	vimm.s32 $0x3F3  }
0x134: {  	v0 =	vsel vm13, $0x64, v0  }
0x135: {  	v1 =	vimm.s32 $0x3F5;
	v0 =	vsel vm14, $0xE6, v0  }
0x136: {  	v2 =	vimm.s32 $0x3F7;
	v1 =	vsel vm13, $0x66, v1;
	v0 =	vsel vm8, $0x168, v0  }
0x137: {  	v2 =	vsel vm13, $0x68, v2;
	v1 =	vsel vm14, $0xE8, v1;
	v0 =	vsel vm9, $0x1EA, v0  }
0x138: {  	v2 =	vsel vm14, $0xEA, v2;
	v1 =	vsel vm8, $0x16A, v1;
	v0 =	vsel vm10, $0x26C, v0  }
0x139: {  	v2 =	vsel vm8, $0x16C, v2;
	v1 =	vsel vm9, $0x1EC, v1;
	v0 =	vsel vm11, $0x2EE, v0  }
0x13a: {  	v2 =	vsel vm9, $0x1EE, v2;
	v1 =	vsel vm10, $0x26E, v1;
	v0 =	vsel vm12, $0x370, v0  }
0x13b: {  	v2 =	vsel vm10, $0x270, v2;
	v1 =	vsel vm11, $0x2F0, v1;
	v0 =	vsel vm7, $0x3F2, v0  }
0x13c: {  	v2 =	vsel vm11, $0x2F2, v2;
	v1 =	vsel vm12, $0x372, v1;
	v0 =	vsel vm6, $0x65, v0  }
0x13d: {  	v2 =	vsel vm12, $0x374, v2;
	v1 =	vsel vm7, $0x3F4, v1;
	v0 =	vsel vm5, $0xE7, v0  }
0x13e: {  	v2 =	vsel vm7, $0x3F6, v2;
	v1 =	vsel vm6, $0x67, v1;
	v0 =	vsel vm4, $0x169, v0  }
0x13f: {  	v2 =	vsel vm6, $0x69, v2;
	v1 =	vsel vm5, $0xE9, v1;
	v0 =	vsel vm3, $0x1EB, v0  }
0x140: {  	v2 =	vsel vm5, $0xEB, v2;
	v1 =	vsel vm4, $0x16B, v1;
	v0 =	vsel vm2, $0x26D, v0  }
0x141: {  	v2 =	vsel vm4, $0x16D, v2;
	v1 =	vsel vm3, $0x1ED, v1;
	v0 =	vsel vm0, $0x2EF, v0  }
0x142: {  	v2 =	vsel vm3, $0x1EF, v2;
	v1 =	vsel vm2, $0x26F, v1;
	v0 =	vsel vm1, $0x371, v0  }
0x143: {  	v2 =	vsel vm2, $0x271, v2;
	[tilespmem:$0x1FDE0] =	vst v0;
	v0 =	vsel vm0, $0x2F1, v1  }
0x144: {  	v1 =	vsel vm0, $0x2F3, v2;
	v0 =	vsel vm1, $0x373, v0  }
0x145: {  	[tilespmem:$0x1FDF0] =	vst v0;
	v0 =	vsel vm1, $0x375, v1  }
0x146: {  	[tilespmem:$0x1FE00] =	vst v0;
	v0 =	vimm.s32 $0x3F9  }
0x147: {  	v0 =	vsel vm13, $0x6A, v0  }
0x148: {  	v1 =	vimm.s32 $0x3FB;
	v0 =	vsel vm14, $0xEC, v0  }
0x149: {  	v2 =	vimm.s32 $0x3FD;
	v1 =	vsel vm13, $0x6C, v1;
	v0 =	vsel vm8, $0x16E, v0  }
0x14a: {  	v2 =	vsel vm13, $0x6E, v2;
	v1 =	vsel vm14, $0xEE, v1;
	v0 =	vsel vm9, $0x1F0, v0  }
0x14b: {  	v2 =	vsel vm14, $0xF0, v2;
	v1 =	vsel vm8, $0x170, v1;
	v0 =	vsel vm10, $0x272, v0  }
0x14c: {  	v2 =	vsel vm8, $0x172, v2;
	v1 =	vsel vm9, $0x1F2, v1;
	v0 =	vsel vm11, $0x2F4, v0  }
0x14d: {  	v2 =	vsel vm9, $0x1F4, v2;
	v1 =	vsel vm10, $0x274, v1;
	v0 =	vsel vm12, $0x376, v0  }
0x14e: {  	v2 =	vsel vm10, $0x276, v2;
	v1 =	vsel vm11, $0x2F6, v1;
	v0 =	vsel vm7, $0x3F8, v0  }
0x14f: {  	v2 =	vsel vm11, $0x2F8, v2;
	v1 =	vsel vm12, $0x378, v1;
	v0 =	vsel vm6, $0x6B, v0  }
0x150: {  	v2 =	vsel vm12, $0x37A, v2;
	v1 =	vsel vm7, $0x3FA, v1;
	v0 =	vsel vm5, $0xED, v0  }
0x151: {  	v2 =	vsel vm7, $0x3FC, v2;
	v1 =	vsel vm6, $0x6D, v1;
	v0 =	vsel vm4, $0x16F, v0  }
0x152: {  	v2 =	vsel vm6, $0x6F, v2;
	v1 =	vsel vm5, $0xEF, v1;
	v0 =	vsel vm3, $0x1F1, v0  }
0x153: {  	v2 =	vsel vm5, $0xF1, v2;
	v1 =	vsel vm4, $0x171, v1;
	v0 =	vsel vm2, $0x273, v0  }
0x154: {  	v2 =	vsel vm4, $0x173, v2;
	v1 =	vsel vm3, $0x1F3, v1;
	v0 =	vsel vm0, $0x2F5, v0  }
0x155: {  	v2 =	vsel vm3, $0x1F5, v2;
	v1 =	vsel vm2, $0x275, v1;
	v0 =	vsel vm1, $0x377, v0  }
0x156: {  	v2 =	vsel vm2, $0x277, v2;
	[tilespmem:$0x1FE10] =	vst v0;
	v0 =	vsel vm0, $0x2F7, v1  }
0x157: {  	v1 =	vsel vm0, $0x2F9, v2;
	v0 =	vsel vm1, $0x379, v0  }
0x158: {  	[tilespmem:$0x1FE20] =	vst v0;
	v0 =	vsel vm1, $0x37B, v1  }
0x159: {  	[tilespmem:$0x1FE30] =	vst v0;
	v0 =	vimm.s32 $0x3FF  }
0x15a: {  	v0 =	vsel vm13, $0x70, v0  }
0x15b: {  	v1 =	vimm.s32 $0x401;
	v0 =	vsel vm14, $0xF2, v0  }
0x15c: {  	v2 =	vimm.s32 $0x403;
	v1 =	vsel vm13, $0x72, v1;
	v0 =	vsel vm8, $0x174, v0  }
0x15d: {  	v2 =	vsel vm13, $0x74, v2;
	v1 =	vsel vm14, $0xF4, v1;
	v0 =	vsel vm9, $0x1F6, v0  }
0x15e: {  	v2 =	vsel vm14, $0xF6, v2;
	v1 =	vsel vm8, $0x176, v1;
	v0 =	vsel vm10, $0x278, v0  }
0x15f: {  	v2 =	vsel vm8, $0x178, v2;
	v1 =	vsel vm9, $0x1F8, v1;
	v0 =	vsel vm11, $0x2FA, v0  }
0x160: {  	v2 =	vsel vm9, $0x1FA, v2;
	v1 =	vsel vm10, $0x27A, v1;
	v0 =	vsel vm12, $0x37C, v0  }
0x161: {  	v2 =	vsel vm10, $0x27C, v2;
	v1 =	vsel vm11, $0x2FC, v1;
	v0 =	vsel vm7, $0x3FE, v0  }
0x162: {  	v2 =	vsel vm11, $0x2FE, v2;
	v1 =	vsel vm12, $0x37E, v1;
	v0 =	vsel vm6, $0x71, v0  }
0x163: {  	v2 =	vsel vm12, $0x380, v2;
	v1 =	vsel vm7, $0x400, v1;
	v0 =	vsel vm5, $0xF3, v0  }
0x164: {  	v2 =	vsel vm7, $0x402, v2;
	v1 =	vsel vm6, $0x73, v1;
	v0 =	vsel vm4, $0x175, v0  }
0x165: {  	v2 =	vsel vm6, $0x75, v2;
	v1 =	vsel vm5, $0xF5, v1;
	v0 =	vsel vm3, $0x1F7, v0  }
0x166: {  	v2 =	vsel vm5, $0xF7, v2;
	v1 =	vsel vm4, $0x177, v1;
	v0 =	vsel vm2, $0x279, v0  }
0x167: {  	v2 =	vsel vm4, $0x179, v2;
	v1 =	vsel vm3, $0x1F9, v1;
	v0 =	vsel vm0, $0x2FB, v0  }
0x168: {  	v2 =	vsel vm3, $0x1FB, v2;
	v1 =	vsel vm2, $0x27B, v1;
	v0 =	vsel vm1, $0x37D, v0  }
0x169: {  	v2 =	vsel vm2, $0x27D, v2;
	[tilespmem:$0x1FE40] =	vst v0;
	v0 =	vsel vm0, $0x2FD, v1  }
0x16a: {  	v1 =	vsel vm0, $0x2FF, v2;
	v0 =	vsel vm1, $0x37F, v0  }
0x16b: {  	[tilespmem:$0x1FE50] =	vst v0;
	v0 =	vsel vm1, $0x381, v1  }
0x16c: {  	[tilespmem:$0x1FE60] =	vst v0;
	v0 =	vimm.s32 $0x405  }
0x16d: {  	v0 =	vsel vm13, $0x76, v0  }
0x16e: {  	v1 =	vimm.s32 $0x407;
	v0 =	vsel vm14, $0xF8, v0  }
0x16f: {  	v2 =	vimm.s32 $0x409;
	v1 =	vsel vm13, $0x78, v1;
	v0 =	vsel vm8, $0x17A, v0  }
0x170: {  	v2 =	vsel vm13, $0x7A, v2;
	v1 =	vsel vm14, $0xFA, v1;
	v0 =	vsel vm9, $0x1FC, v0  }
0x171: {  	v2 =	vsel vm14, $0xFC, v2;
	v1 =	vsel vm8, $0x17C, v1;
	v0 =	vsel vm10, $0x27E, v0  }
0x172: {  	v2 =	vsel vm8, $0x17E, v2;
	v1 =	vsel vm9, $0x1FE, v1;
	v0 =	vsel vm11, $0x300, v0  }
0x173: {  	v2 =	vsel vm9, $0x200, v2;
	v1 =	vsel vm10, $0x280, v1;
	v0 =	vsel vm12, $0x382, v0  }
0x174: {  	v2 =	vsel vm10, $0x282, v2;
	v1 =	vsel vm11, $0x302, v1;
	v0 =	vsel vm7, $0x404, v0  }
0x175: {  	v2 =	vsel vm11, $0x304, v2;
	v1 =	vsel vm12, $0x384, v1;
	v0 =	vsel vm6, $0x77, v0  }
0x176: {  	v2 =	vsel vm12, $0x386, v2;
	v1 =	vsel vm7, $0x406, v1;
	v0 =	vsel vm5, $0xF9, v0  }
0x177: {  	v2 =	vsel vm7, $0x408, v2;
	v1 =	vsel vm6, $0x79, v1;
	v0 =	vsel vm4, $0x17B, v0  }
0x178: {  	v2 =	vsel vm6, $0x7B, v2;
	v1 =	vsel vm5, $0xFB, v1;
	v0 =	vsel vm3, $0x1FD, v0  }
0x179: {  	v2 =	vsel vm5, $0xFD, v2;
	v1 =	vsel vm4, $0x17D, v1;
	v0 =	vsel vm2, $0x27F, v0  }
0x17a: {  	v2 =	vsel vm4, $0x17F, v2;
	v1 =	vsel vm3, $0x1FF, v1;
	v0 =	vsel vm0, $0x301, v0  }
0x17b: {  	v2 =	vsel vm3, $0x201, v2;
	v1 =	vsel vm2, $0x281, v1;
	v0 =	vsel vm1, $0x383, v0  }
0x17c: {  	s1 =	srdreg.scid;
	s0 =	stileid.u32;
	v2 =	vsel vm2, $0x283, v2;
	[tilespmem:$0x1FE70] =	vst v0;
	v0 =	vsel vm0, $0x303, v1  }
0x17d: {  	s3 =	rddreg [dreg:$0x0];
	s5 =	sand.u32 $0x1, s1;
	s2 =	sshll.u32 s0, $0x1;
	v1 =	vsel vm0, $0x305, v2;
	v0 =	vsel vm1, $0x385, v0  }
0x17e: {  	s4 =	rddreg [dreg:$0x1];
	s6 =	sor.u32 s5, s2;
	s2 =	simm.s32 $0x0;
	[tilespmem:$0x1FE80] =	vst v0;
	v0 =	vsel vm1, $0x387, v1  }
0x17f: {  	[smem:$0x7FF] =	sst s2;
	[tilespmem:$0x1FE90] =	vst v0  }
0x180: {  	s1 =	rddreg [dreg:$0x2];
	_ =	strace $0x80000047;
	[tilespmem:$0x1FEA0] =	vst v31  }
0x181: {  	[tilespmem:$0x1FEC0] =	vst v22  }
0x182: {  	[tilespmem:$0x1FED0] =	vst v25  }
0x183: {  	v36 =	vor.u32 $0x1, v5;
	v45 =	vadd.s32 $0x2, v5;
	v2 =	vimm.s32 $0x40F;
	[tilespmem:$0x1FEE0] =	vst v26  }
0x184: {  	v40 =	vadd.s32 $0x3, v5;
	v2 =	vsel vm13, $0x80, v2;
	v1 =	vimm.s32 $0x40D;
	[tilespmem:$0x1FF10] =	vst v4  }
0x185: {  	v2 =	vsel vm14, $0x102, v2;
	v0 =	vimm.s32 $0x40B;
	v1 =	vsel vm13, $0x7E, v1;
	[tilespmem:$0x1FF20] =	vst v36  }
0x186: {  	v2 =	vsel vm8, $0x184, v2;
	v0 =	vsel vm13, $0x7C, v0;
	v1 =	vsel vm14, $0x100, v1;
	[tilespmem:$0x1FF30] =	vst v40  }
0x187: {  	v2 =	vsel vm9, $0x206, v2;
	[tilespmem:$0x1FF40] =	vst v45;
	v0 =	vsel vm14, $0xFE, v0;
	v1 =	vsel vm8, $0x182, v1  }
0x188: {  	[tilespmem:$0x1FF50] =	vst v18;
	v2 =	vsel vm10, $0x288, v2;
	v0 =	vsel vm8, $0x180, v0;
	v1 =	vsel vm9, $0x204, v1  }
0x189: {  	[tilespmem:$0x1FF60] =	vst v20;
	v2 =	vsel vm11, $0x30A, v2;
	v0 =	vsel vm9, $0x202, v0;
	v1 =	vsel vm10, $0x286, v1  }
0x18a: {  	[tilespmem:$0x1FF70] =	vst v24;
	v2 =	vsel vm12, $0x38C, v2;
	v0 =	vsel vm10, $0x284, v0;
	v1 =	vsel vm11, $0x308, v1  }
0x18b: {  	[tilespmem:$0x1FF80] =	vst v29;
	v2 =	vsel vm7, $0x40E, v2;
	v0 =	vsel vm11, $0x306, v0;
	v1 =	vsel vm12, $0x38A, v1  }
0x18c: {  	[tilespmem:$0x1FF90] =	vst v23;
	v2 =	vsel vm6, $0x81, v2;
	v0 =	vsel vm12, $0x388, v0;
	v1 =	vsel vm7, $0x40C, v1  }
0x18d: {  	[tilespmem:$0x1FFA0] =	vst v28;
	v2 =	vsel vm5, $0x103, v2;
	v0 =	vsel vm7, $0x40A, v0;
	v1 =	vsel vm6, $0x7F, v1  }
0x18e: {  	[tilespmem:$0x1FFB0] =	vst v27;
	v2 =	vsel vm4, $0x185, v2;
	v0 =	vsel vm6, $0x7D, v0;
	v1 =	vsel vm5, $0x101, v1  }
0x18f: {  	[tilespmem:$0x1FFC0] =	vst v19;
	v2 =	vsel vm3, $0x207, v2;
	v0 =	vsel vm5, $0xFF, v0;
	v1 =	vsel vm4, $0x183, v1  }
0x190: {  	[tilespmem:$0x1FFD0] =	vst v30;
	v2 =	vsel vm2, $0x289, v2;
	v0 =	vsel vm4, $0x181, v0;
	v1 =	vsel vm3, $0x205, v1  }
0x191: {  	s5 =	ssub.s32 $0x2, s5;
	[tilespmem:$0x1FFE0] =	vst v5;
	v2 =	vsel vm0, $0x30B, v2;
	v0 =	vsel vm3, $0x203, v0;
	v1 =	vsel vm2, $0x287, v1  }
0x192: {  	s6 =	smul.u32 $0x1040, s6;
	s7 =	sshrl.u32 s5, $0x1;
	[tilespmem:$0x1FFF0] =	vst v53;
	v2 =	vsel vm1, $0x38D, v2;
	v0 =	vsel vm2, $0x285, v0;
	v1 =	vsel vm0, $0x309, v1  }
0x193: {  	s8 =	simm.s32 $0x0;
	s5 =	ssub.s32 s5, s7;
	[tilespmem:$0x1FEB0] =	vst v2;
	v0 =	vsel vm0, $0x307, v0;
	v3 =	vsel vm1, $0x38B, v1  }
0x194: {  	s7 =	simm.s32 $0x8200;
	s4 =	sadd.s32 s6, s4;
	s3 =	sadd.s32 s3, s6;
	v0 =	vsel vm1, $0x389, v0;
	[tilespmem:$0x1FF00] =	vst v3  }
0x195: {  	s5 =	smax.u32 s5, $0x1;
	s6 =	simm.s32 $0x1;
	s4 =	sadd.s32 $0x400, s4;
	v1 =	vimm.s32 $0x0;
	[tilespmem:$0x1FEF0] =	vst v0  }
.LBB2_1:
0x196: {  	s9 =	simm.s32 $0x0  }
0x197: {  	v7 =	vmov s9  }
0x198: {  	v7 =	vmul.u32 $0x82, v7;
	_ =	sdelay $0x1  }
0x199: {  	s26 =	simm.s32 $0x8;
	v7 =	vbroadcast v7, $0x0  }
0x19a: {  	v8 =	vmov s26  }
0x19b: {  	v8 =	vmul.u32 $0x82, v8;
	v9 =	vadd.s32 v40, v7  }
0x19c: {  	[tilespmem:s2], [sflag:$0x1] =	stream.linear.gather [hbm4b:s3+s2], $0x8200, $0x38;
	v10 =	vadd.s32 v36, v7;
	[tilespmem:$0x10400] =	vst v63  }
0x19d: {  	_ =	swait.ge [sflag:s6], $0x8200;
	v8 =	vbroadcast v8, $0x0;
	v11 =	vadd.s32 v5, v7  }
0x19e: {  	[sflag:s6] =	ssyncset.done $0x0;
	v12 =	vadd.s32 v45, v7  }
0x19f: {  	[sflag:s6] =	ssyncadd.s32 $0xFFFF7E00;
	v13 =	vadd.s32 v36, v8  }
0x1a0: {  	v14 =	vadd.s32 v40, v8;
	v9 =	vld.idx.msk [tilespmem:v9+s2+$0x0], $0xffff  }
0x1a1: {  	v15 =	vadd.s32 v5, v8;
	v10 =	vld.idx.msk [tilespmem:v10+s2+$0x0], $0xffff  }
0x1a2: {  	v11 =	vld.idx.msk [tilespmem:v11+s2+$0x0], $0xffff  }
0x1a3: {  	v12 =	vld.idx.msk [tilespmem:v12+s2+$0x0], $0xffff  }
0x1a4: {  	v13 =	vld.idx.msk [tilespmem:v13+s2+$0x0], $0xffff  }
0x1a5: {  	v16 =	vadd.s32 v45, v8;
	v14 =	vld.idx.msk [tilespmem:v14+s2+$0x0], $0xffff  }
0x1a6: {  	v15 =	vld.idx.msk [tilespmem:v15+s2+$0x0], $0xffff;
	_ =	sdelay $0x1  }
0x1a7: {  	v17 =	vadd.s32 v53, v7;
	vm0 =	vgt.f32 v10, v9  }
0x1a8: {  	vm1 =	vgt.f32 v9, v10;
	vm2 =	vne.f32 v11, $0.0e+00;
	vm3 =	vne.f32 v11, $1.000000000e+00  }
0x1a9: {  	v9 =	vld.idx.msk [tilespmem:v16+s2+$0x0], $0xffff;
	vm4 =	vne.f32 v11, v12;
	vm9 =	vgt.f32 v12, v11;
	vm10 =	vgt.f32 v13, v14  }
0x1aa: {  	vm11 =	vgt.f32 v14, v13;
	vm12 =	vne.f32 v15, $0.0e+00;
	vm0 =	vmneg vm0  }
0x1ab: {  	vm5 =	vne.f32 v15, $1.000000000e+00;
	vm1 =	vmneg vm1;
	vm0 =	vmor vm2, vm0  }
0x1ac: {  	vm1 =	vmor vm3, vm1;
	vm2 =	vmneg vm9;
	vm3 =	vmneg vm11  }
0x1ad: {  	vm0 =	vmand vm0, vm1;
	vm1 =	vmneg vm10;
	vm3 =	vmor vm5, vm3  }
0x1ae: {  	vm0 =	vmor vm4, vm0;
	vm4 =	vmor vm12, vm1;
	vm6 =	vne.f32 v15, v9  }
0x1af: {  	vm1 =	vmand vm2, vm0;
	vm13 =	vgt.f32 v9, v15;
	vm14 =	vmand vm4, vm3  }
0x1b0: {  	v9 =	vsel vm1, $0x2, v1;
	vm0 =	vmneg vm13;
	vm2 =	vmor vm6, vm14  }
0x1b1: {  	v9 =	vadd.s32 v17, v9;
	vm0 =	vmand vm0, vm2  }
0x1b2: {  	v10 =	vadd.s32 v53, v8;
	v11 =	vsel vm0, $0x2, v1  }
0x1b3: {  	v11 =	vadd.s32 v10, v11;
	_ =	sdelay $0x2  }
0x1b4: {  	v13 =	vadd.s32 v62, v7;
	v12 =	vsel vm1, $0xFFFFFFFE, v1;
	v9 =	vld.idx.msk [tilespmem:v9+s2+$0x0], $0xffff  }
0x1b5: {  	v12 =	vadd.s32 v13, v12  }
0x1b6: {  	v15 =	vadd.s32 v62, v8;
	v14 =	vsel vm0, $0xFFFFFFFE, v1;
	v11 =	vld.idx.msk [tilespmem:v11+s2+$0x0], $0xffff  }
0x1b7: {  	v14 =	vadd.s32 v15, v14;
	_ =	sdelay $0x1  }
0x1b8: {  	[tilespmem:v17+s7+$0x0] =	vst.idx.msk $0xffff, v9  }
0x1b9: {  	v9 =	vadd.s32 v18, v7;
	v16 =	vld.idx.msk [tilespmem:v12+s2+$0x0], $0xffff;
	v12 =	vsel vm1, $0x3F, v1  }
0x1ba: {  	[tilespmem:v10+s7+$0x0] =	vst.idx.msk $0xffff, v11;
	v10 =	vadd.s32 v9, v12  }
0x1bb: {  	v17 =	vadd.s32 v18, v8;
	v11 =	vsel vm0, $0x3F, v1;
	v14 =	vld.idx.msk [tilespmem:v14+s2+$0x0], $0xffff  }
0x1bc: {  	v48 =	vmov v18;
	v18 =	vadd.s32 v17, v11;
	_ =	sdelay $0x1  }
0x1bd: {  	[tilespmem:v13+s7+$0x0] =	vst.idx.msk $0xffff, v16  }
0x1be: {  	v13 =	vadd.s32 v63, v7;
	v10 =	vld.idx.msk [tilespmem:v10+s2+$0x0], $0xffff  }
0x1bf: {  	[tilespmem:v15+s7+$0x0] =	vst.idx.msk $0xffff, v14;
	v14 =	vadd.s32 v13, v12  }
0x1c0: {  	v16 =	vadd.s32 v63, v8;
	v15 =	vld.idx.msk [tilespmem:v18+s2+$0x0], $0xffff  }
0x1c1: {  	v18 =	vadd.s32 v16, v11;
	_ =	sdelay $0x1  }
0x1c2: {  	[tilespmem:v9+s7+$0x0] =	vst.idx.msk $0xffff, v10  }
0x1c3: {  	v10 =	vadd.s32 v20, v7;
	v9 =	vld.idx.msk [tilespmem:v14+s2+$0x0], $0xffff  }
0x1c4: {  	v14 =	vadd.s32 v10, v12;
	[tilespmem:v17+s7+$0x0] =	vst.idx.msk $0xffff, v15  }
0x1c5: {  	v17 =	vadd.s32 v20, v8;
	v15 =	vld.idx.msk [tilespmem:v18+s2+$0x0], $0xffff  }
0x1c6: {  	v18 =	vadd.s32 v17, v11;
	_ =	sdelay $0x1  }
0x1c7: {  	[tilespmem:v13+s7+$0x0] =	vst.idx.msk $0xffff, v9  }
0x1c8: {  	v13 =	vadd.s32 v24, v7;
	v9 =	vld.idx.msk [tilespmem:v14+s2+$0x0], $0xffff  }
0x1c9: {  	v14 =	vadd.s32 v13, v12;
	[tilespmem:v16+s7+$0x0] =	vst.idx.msk $0xffff, v15  }
0x1ca: {  	v16 =	vadd.s32 v24, v8;
	v15 =	vld.idx.msk [tilespmem:v18+s2+$0x0], $0xffff  }
0x1cb: {  	v18 =	vadd.s32 v16, v11;
	_ =	sdelay $0x1  }
0x1cc: {  	[tilespmem:v10+s7+$0x0] =	vst.idx.msk $0xffff, v9  }
0x1cd: {  	v10 =	vadd.s32 v23, v7;
	v9 =	vld.idx.msk [tilespmem:v14+s2+$0x0], $0xffff  }
0x1ce: {  	v14 =	vadd.s32 v10, v12;
	[tilespmem:v17+s7+$0x0] =	vst.idx.msk $0xffff, v15  }
0x1cf: {  	v17 =	vadd.s32 v23, v8;
	v15 =	vld.idx.msk [tilespmem:v18+s2+$0x0], $0xffff  }
0x1d0: {  	v18 =	vadd.s32 v17, v11;
	_ =	sdelay $0x1  }
0x1d1: {  	[tilespmem:v13+s7+$0x0] =	vst.idx.msk $0xffff, v9  }
0x1d2: {  	v13 =	vadd.s32 v19, v7;
	v9 =	vld.idx.msk [tilespmem:v14+s2+$0x0], $0xffff  }
0x1d3: {  	v14 =	vadd.s32 v13, v12;
	[tilespmem:v16+s7+$0x0] =	vst.idx.msk $0xffff, v15  }
0x1d4: {  	v16 =	vadd.s32 v19, v8;
	v15 =	vld.idx.msk [tilespmem:v18+s2+$0x0], $0xffff  }
0x1d5: {  	v18 =	vadd.s32 v16, v11;
	_ =	sdelay $0x1  }
0x1d6: {  	[tilespmem:v10+s7+$0x0] =	vst.idx.msk $0xffff, v9  }
0x1d7: {  	v10 =	vadd.s32 v28, v7;
	v9 =	vld.idx.msk [tilespmem:v14+s2+$0x0], $0xffff  }
0x1d8: {  	v14 =	vadd.s32 v10, v12;
	[tilespmem:v17+s7+$0x0] =	vst.idx.msk $0xffff, v15  }
0x1d9: {  	v17 =	vadd.s32 v28, v8;
	v15 =	vld.idx.msk [tilespmem:v18+s2+$0x0], $0xffff  }
0x1da: {  	v18 =	vadd.s32 v17, v11;
	_ =	sdelay $0x1  }
0x1db: {  	[tilespmem:v13+s7+$0x0] =	vst.idx.msk $0xffff, v9  }
0x1dc: {  	v13 =	vadd.s32 v29, v7;
	v9 =	vld.idx.msk [tilespmem:v14+s2+$0x0], $0xffff  }
0x1dd: {  	v14 =	vadd.s32 v13, v12;
	[tilespmem:v16+s7+$0x0] =	vst.idx.msk $0xffff, v15  }
0x1de: {  	v16 =	vadd.s32 v29, v8;
	v15 =	vld.idx.msk [tilespmem:v18+s2+$0x0], $0xffff  }
0x1df: {  	v18 =	vadd.s32 v16, v11;
	_ =	sdelay $0x1  }
0x1e0: {  	[tilespmem:v10+s7+$0x0] =	vst.idx.msk $0xffff, v9  }
0x1e1: {  	v10 =	vadd.s32 v27, v7;
	v9 =	vld.idx.msk [tilespmem:v14+s2+$0x0], $0xffff  }
0x1e2: {  	v14 =	vadd.s32 v10, v12;
	[tilespmem:v17+s7+$0x0] =	vst.idx.msk $0xffff, v15  }
0x1e3: {  	v17 =	vadd.s32 v27, v8;
	v15 =	vld.idx.msk [tilespmem:v18+s2+$0x0], $0xffff  }
0x1e4: {  	v18 =	vadd.s32 v17, v11;
	_ =	sdelay $0x1  }
0x1e5: {  	[tilespmem:v13+s7+$0x0] =	vst.idx.msk $0xffff, v9  }
0x1e6: {  	v13 =	vadd.s32 v30, v7;
	v9 =	vld.idx.msk [tilespmem:v14+s2+$0x0], $0xffff  }
0x1e7: {  	v14 =	vadd.s32 v13, v12;
	[tilespmem:v16+s7+$0x0] =	vst.idx.msk $0xffff, v15  }
0x1e8: {  	v16 =	vadd.s32 v30, v8;
	v15 =	vld.idx.msk [tilespmem:v18+s2+$0x0], $0xffff  }
0x1e9: {  	v18 =	vadd.s32 v16, v11;
	_ =	sdelay $0x1  }
0x1ea: {  	[tilespmem:v10+s7+$0x0] =	vst.idx.msk $0xffff, v9  }
0x1eb: {  	v10 =	vadd.s32 v4, v7;
	v9 =	vld.idx.msk [tilespmem:v14+s2+$0x0], $0xffff  }
0x1ec: {  	v14 =	vadd.s32 v10, v12;
	[tilespmem:v17+s7+$0x0] =	vst.idx.msk $0xffff, v15  }
0x1ed: {  	v17 =	vadd.s32 v4, v8;
	v15 =	vld.idx.msk [tilespmem:v18+s2+$0x0], $0xffff  }
0x1ee: {  	v18 =	vadd.s32 v17, v11;
	_ =	sdelay $0x1  }
0x1ef: {  	[tilespmem:v13+s7+$0x0] =	vst.idx.msk $0xffff, v9  }
0x1f0: {  	v13 =	vadd.s32 v22, v7;
	v9 =	vld.idx.msk [tilespmem:v14+s2+$0x0], $0xffff  }
0x1f1: {  	v14 =	vadd.s32 v13, v12;
	[tilespmem:v16+s7+$0x0] =	vst.idx.msk $0xffff, v15  }
0x1f2: {  	v16 =	vadd.s32 v22, v8;
	v15 =	vld.idx.msk [tilespmem:v18+s2+$0x0], $0xffff  }
0x1f3: {  	v18 =	vadd.s32 v16, v11;
	_ =	sdelay $0x1  }
0x1f4: {  	[tilespmem:v10+s7+$0x0] =	vst.idx.msk $0xffff, v9  }
0x1f5: {  	v10 =	vadd.s32 v25, v7;
	v9 =	vld.idx.msk [tilespmem:v14+s2+$0x0], $0xffff  }
0x1f6: {  	v14 =	vadd.s32 v10, v12;
	[tilespmem:v17+s7+$0x0] =	vst.idx.msk $0xffff, v15  }
0x1f7: {  	v17 =	vadd.s32 v25, v8;
	v15 =	vld.idx.msk [tilespmem:v18+s2+$0x0], $0xffff  }
0x1f8: {  	v18 =	vadd.s32 v17, v11;
	_ =	sdelay $0x1  }
0x1f9: {  	[tilespmem:v13+s7+$0x0] =	vst.idx.msk $0xffff, v9  }
0x1fa: {  	v13 =	vadd.s32 v31, v7;
	v9 =	vld.idx.msk [tilespmem:v14+s2+$0x0], $0xffff  }
0x1fb: {  	v14 =	vadd.s32 v13, v12;
	[tilespmem:v16+s7+$0x0] =	vst.idx.msk $0xffff, v15  }
0x1fc: {  	v16 =	vadd.s32 v31, v8;
	v15 =	vld.idx.msk [tilespmem:v18+s2+$0x0], $0xffff  }
0x1fd: {  	v18 =	vadd.s32 v16, v11;
	_ =	sdelay $0x1  }
0x1fe: {  	[tilespmem:v10+s7+$0x0] =	vst.idx.msk $0xffff, v9  }
0x1ff: {  	v10 =	vld.idx.msk [tilespmem:v14+s2+$0x0], $0xffff;
	v14 =	vadd.s32 v26, v7  }
0x200: {  	[tilespmem:v17+s7+$0x0] =	vst.idx.msk $0xffff, v15;
	v15 =	vadd.s32 v14, v12  }
0x201: {  	s28 =	simm.s32 $0x10;
	v17 =	vld.idx.msk [tilespmem:v18+s2+$0x0], $0xffff;
	v18 =	vadd.s32 v26, v8  }
0x202: {  	v0 =	vmov v19;
	v9 =	vmov s28;
	v19 =	vadd.s32 v18, v11  }
0x203: {  	v9 =	vmul.u32 $0x82, v9  }
0x204: {  	[tilespmem:v13+s7+$0x0] =	vst.idx.msk $0xffff, v10  }
0x205: {  	v9 =	vbroadcast v9, $0x0;
	v15 =	vld.idx.msk [tilespmem:v15+s2+$0x0], $0xffff  }
0x206: {  	s29 =	simm.s32 $0x18;
	v1 =	vld [tilespmem:$0x1FBD0];
	[tilespmem:v16+s7+$0x0] =	vst.idx.msk $0xffff, v17  }
0x207: {  	v39 =	vmovc v20;
	v35 =	vmov v23;
	v20 =	vmov s29;
	v23 =	vadd.s32 v45, v9;
	v19 =	vld.idx.msk [tilespmem:v19+s2+$0x0], $0xffff  }
0x208: {  	v10 =	vmul.u32 $0x82, v20  }
0x209: {  	v13 =	vadd.s32 v40, v9  }
0x20a: {  	v20 =	vadd.s32 v36, v9;
	v10 =	vbroadcast v10, $0x0  }
0x20b: {  	v46 =	vmov v22;
	v16 =	vadd.s32 v5, v9;
	[tilespmem:v14+s7+$0x0] =	vst.idx.msk $0xffff, v15  }
0x20c: {  	v22 =	vadd.s32 v36, v10;
	v23 =	vld.idx.msk [tilespmem:v23+s2+$0x0], $0xffff;
	v21 =	vadd.s32 v1, v7;
	[tilespmem:v18+s7+$0x0] =	vst.idx.msk $0xffff, v19  }
0x20d: {  	v17 =	vadd.s32 v21, v12;
	v47 =	vld [tilespmem:$0x1FBE0]  }
0x20e: {  	v13 =	vld.idx.msk [tilespmem:v13+s2+$0x0], $0xffff  }
0x20f: {  	v44 =	vmov v24;
	v24 =	vadd.s32 v40, v10;
	v20 =	vld.idx.msk [tilespmem:v20+s2+$0x0], $0xffff  }
0x210: {  	v16 =	vld.idx.msk [tilespmem:v16+s2+$0x0], $0xffff  }
0x211: {  	v14 =	vadd.s32 v1, v8;
	v15 =	vadd.s32 v5, v10;
	v19 =	vld.idx.msk [tilespmem:v22+s2+$0x0], $0xffff  }
0x212: {  	v41 =	vmov v25;
	v25 =	vadd.s32 v14, v11;
	v17 =	vld.idx.msk [tilespmem:v17+s2+$0x0], $0xffff;
	v18 =	vadd.s32 v47, v7  }
0x213: {  	v34 =	vmov v26;
	v49 =	vld [tilespmem:$0x1FBF0];
	v26 =	vadd.s32 v18, v12  }
0x214: {  	v22 =	vadd.s32 v45, v10;
	v24 =	vld.idx.msk [tilespmem:v24+s2+$0x0], $0xffff  }
0x215: {  	v57 =	vld [tilespmem:$0x1FC00]  }
0x216: {  	v37 =	vmov v27;
	vm15 =	vgt.f32 v20, v13;
	v15 =	vld.idx.msk [tilespmem:v15+s2+$0x0], $0xffff  }
0x217: {  	vm8 =	vgt.f32 v13, v20;
	v13 =	vld.idx.msk [tilespmem:v25+s2+$0x0], $0xffff;
	v27 =	vadd.s32 v47, v8;
	[tilespmem:v21+s7+$0x0] =	vst.idx.msk $0xffff, v17  }
0x218: {  	v3 =	vimm.s32 $0x0;
	v38 =	vmovc v28;
	v43 =	vmovc v29;
	v28 =	vadd.s32 v49, v7;
	v29 =	vadd.s32 v27, v11;
	v21 =	vld.idx.msk [tilespmem:v26+s2+$0x0], $0xffff  }
0x219: {  	vm2 =	vmneg vm15;
	vm3 =	vmneg vm8;
	v20 =	vld.idx.msk [tilespmem:v22+s2+$0x0], $0xffff;
	v31 =	vadd.s32 v28, v12  }
0x21a: {  	vm9 =	vne.f32 v16, $0.0e+00;
	vm10 =	vne.f32 v16, $1.000000000e+00;
	vm11 =	vne.f32 v16, v23  }
0x21b: {  	v2 =	vmovc v30;
	vm12 =	vgt.f32 v23, v16;
	vm2 =	vmor vm9, vm2;
	vm3 =	vmor vm10, vm3  }
0x21c: {  	vm5 =	vmneg vm12;
	v30 =	vadd.s32 v49, v8;
	vm13 =	vgt.f32 v19, v24;
	[tilespmem:v14+s7+$0x0] =	vst.idx.msk $0xffff, v13  }
0x21d: {  	vm2 =	vmand vm2, vm3;
	vm14 =	vgt.f32 v24, v19;
	vm15 =	vne.f32 v15, $0.0e+00;
	v13 =	vld.idx.msk [tilespmem:v29+s2+$0x0], $0xffff;
	[tilespmem:v18+s7+$0x0] =	vst.idx.msk $0xffff, v21  }
0x21e: {  	vm8 =	vne.f32 v15, $1.000000000e+00;
	vm7 =	vne.f32 v15, v20;
	vm9 =	vgt.f32 v20, v15;
	v15 =	vld.idx.msk [tilespmem:v31+s2+$0x0], $0xffff  }
0x21f: {  	v33 =	vadd.s32 v30, v11;
	vm3 =	vmneg vm13;
	vm2 =	vmor vm11, vm2  }
0x220: {  	vm6 =	vmneg vm14;
	vm4 =	vmor vm15, vm3;
	vm3 =	vmand vm5, vm2  }
0x221: {  	v17 =	vadd.s32 v53, v9;
	vm6 =	vmor vm8, vm6;
	v14 =	vsel vm3, $0x2, v3  }
0x222: {  	v32 =	vadd.s32 v57, v7;
	vm4 =	vmand vm4, vm6;
	v14 =	vadd.s32 v17, v14;
	[tilespmem:v27+s7+$0x0] =	vst.idx.msk $0xffff, v13  }
0x223: {  	v16 =	vadd.s32 v32, v12;
	vm2 =	vmneg vm9;
	vm4 =	vmor vm7, vm4;
	[tilespmem:v28+s7+$0x0] =	vst.idx.msk $0xffff, v15  }
0x224: {  	v42 =	vmov v5;
	vm2 =	vmand vm2, vm4;
	v5 =	vld [tilespmem:$0x1FC10]  }
0x225: {  	v19 =	vsel vm2, $0x2, v3;
	v18 =	vadd.s32 v53, v10  }
0x226: {  	v13 =	vadd.s32 v18, v19;
	v19 =	vadd.s32 v57, v8;
	v20 =	vld.idx.msk [tilespmem:v33+s2+$0x0], $0xffff  }
0x227: {  	v22 =	vadd.s32 v62, v9;
	v14 =	vld.idx.msk [tilespmem:v14+s2+$0x0], $0xffff;
	v21 =	vadd.s32 v19, v11;
	v15 =	vsel vm3, $0xFFFFFFFE, v3  }
0x228: {  	v16 =	vld.idx.msk [tilespmem:v16+s2+$0x0], $0xffff;
	v15 =	vadd.s32 v22, v15  }
0x229: {  	v24 =	vadd.s32 v5, v7  }
0x22a: {  	v25 =	vadd.s32 v24, v12  }
0x22b: {  	v13 =	vld.idx.msk [tilespmem:v13+s2+$0x0], $0xffff;
	[tilespmem:v30+s7+$0x0] =	vst.idx.msk $0xffff, v20  }
0x22c: {  	[tilespmem:v17+s7+$0x0] =	vst.idx.msk $0xffff, v14;
	v21 =	vld.idx.msk [tilespmem:v21+s2+$0x0], $0xffff  }
0x22d: {  	v15 =	vld.idx.msk [tilespmem:v15+s2+$0x0], $0xffff;
	[tilespmem:v32+s7+$0x0] =	vst.idx.msk $0xffff, v16  }
0x22e: {  	v56 =	vld [tilespmem:$0x1FC20]  }
0x22f: {  	v16 =	vld.idx.msk [tilespmem:v25+s2+$0x0], $0xffff  }
0x230: {  	v26 =	vadd.s32 v62, v10;
	v23 =	vsel vm2, $0xFFFFFFFE, v3  }
0x231: {  	v20 =	vadd.s32 v26, v23;
	v29 =	vadd.s32 v5, v8;
	[tilespmem:v18+s7+$0x0] =	vst.idx.msk $0xffff, v13  }
0x232: {  	v28 =	vadd.s32 v48, v9;
	v23 =	vsel vm3, $0x3F, v3;
	v14 =	vadd.s32 v29, v11;
	[tilespmem:v19+s7+$0x0] =	vst.idx.msk $0xffff, v21  }
0x233: {  	[tilespmem:v22+s7+$0x0] =	vst.idx.msk $0xffff, v15;
	v17 =	vadd.s32 v56, v7;
	v25 =	vadd.s32 v28, v23  }
0x234: {  	v13 =	vadd.s32 v17, v12;
	[tilespmem:v24+s7+$0x0] =	vst.idx.msk $0xffff, v16  }
0x235: {  	v6 =	vld [tilespmem:$0x1FC30]  }
0x236: {  	v27 =	vsel vm2, $0x3F, v3;
	v18 =	vld.idx.msk [tilespmem:v20+s2+$0x0], $0xffff;
	v20 =	vadd.s32 v48, v10  }
0x237: {  	v19 =	vadd.s32 v20, v27;
	v14 =	vld.idx.msk [tilespmem:v14+s2+$0x0], $0xffff;
	v21 =	vadd.s32 v56, v8  }
0x238: {  	v22 =	vadd.s32 v63, v9;
	v15 =	vadd.s32 v21, v11;
	v25 =	vld.idx.msk [tilespmem:v25+s2+$0x0], $0xffff  }
0x239: {  	v16 =	vadd.s32 v22, v23;
	v13 =	vld.idx.msk [tilespmem:v13+s2+$0x0], $0xffff  }
0x23a: {  	v24 =	vadd.s32 v6, v7  }
0x23b: {  	[tilespmem:v26+s7+$0x0] =	vst.idx.msk $0xffff, v18;
	v18 =	vadd.s32 v24, v12  }
0x23c: {  	[tilespmem:v29+s7+$0x0] =	vst.idx.msk $0xffff, v14;
	v19 =	vld.idx.msk [tilespmem:v19+s2+$0x0], $0xffff  }
0x23d: {  	v15 =	vld.idx.msk [tilespmem:v15+s2+$0x0], $0xffff;
	[tilespmem:v28+s7+$0x0] =	vst.idx.msk $0xffff, v25  }
0x23e: {  	v16 =	vld.idx.msk [tilespmem:v16+s2+$0x0], $0xffff;
	[tilespmem:v17+s7+$0x0] =	vst.idx.msk $0xffff, v13  }
0x23f: {  	v54 =	vld [tilespmem:$0x1FC40]  }
0x240: {  	v17 =	vld.idx.msk [tilespmem:v18+s2+$0x0], $0xffff  }
0x241: {  	v26 =	vadd.s32 v63, v10  }
0x242: {  	v14 =	vadd.s32 v26, v27;
	v29 =	vadd.s32 v6, v8;
	[tilespmem:v20+s7+$0x0] =	vst.idx.msk $0xffff, v19  }
0x243: {  	v13 =	vadd.s32 v39, v9;
	v25 =	vadd.s32 v29, v11;
	[tilespmem:v21+s7+$0x0] =	vst.idx.msk $0xffff, v15  }
0x244: {  	[tilespmem:v22+s7+$0x0] =	vst.idx.msk $0xffff, v16;
	v18 =	vadd.s32 v13, v23;
	v28 =	vadd.s32 v54, v7  }
0x245: {  	v19 =	vadd.s32 v28, v12;
	[tilespmem:v24+s7+$0x0] =	vst.idx.msk $0xffff, v17  }
0x246: {  	v55 =	vld [tilespmem:$0x1FC50]  }
0x247: {  	v20 =	vadd.s32 v39, v10;
	v14 =	vld.idx.msk [tilespmem:v14+s2+$0x0], $0xffff  }
0x248: {  	v15 =	vadd.s32 v20, v27;
	v21 =	vld.idx.msk [tilespmem:v25+s2+$0x0], $0xffff;
	v25 =	vadd.s32 v54, v8  }
0x249: {  	v16 =	vadd.s32 v25, v11;
	v18 =	vld.idx.msk [tilespmem:v18+s2+$0x0], $0xffff;
	v17 =	vadd.s32 v44, v9  }
0x24a: {  	v19 =	vld.idx.msk [tilespmem:v19+s2+$0x0], $0xffff;
	v22 =	vadd.s32 v17, v23  }
0x24b: {  	v24 =	vadd.s32 v55, v7  }
0x24c: {  	[tilespmem:v26+s7+$0x0] =	vst.idx.msk $0xffff, v14;
	v14 =	vadd.s32 v24, v12  }
0x24d: {  	[tilespmem:v29+s7+$0x0] =	vst.idx.msk $0xffff, v21;
	v15 =	vld.idx.msk [tilespmem:v15+s2+$0x0], $0xffff  }
0x24e: {  	v16 =	vld.idx.msk [tilespmem:v16+s2+$0x0], $0xffff;
	[tilespmem:v13+s7+$0x0] =	vst.idx.msk $0xffff, v18  }
0x24f: {  	v18 =	vld.idx.msk [tilespmem:v22+s2+$0x0], $0xffff;
	[tilespmem:v28+s7+$0x0] =	vst.idx.msk $0xffff, v19  }
0x250: {  	v58 =	vld [tilespmem:$0x1FC60]  }
0x251: {  	v14 =	vld.idx.msk [tilespmem:v14+s2+$0x0], $0xffff  }
0x252: {  	v26 =	vadd.s32 v44, v10  }
0x253: {  	v21 =	vadd.s32 v26, v27;
	v29 =	vadd.s32 v55, v8;
	[tilespmem:v20+s7+$0x0] =	vst.idx.msk $0xffff, v15  }
0x254: {  	v19 =	vadd.s32 v35, v9;
	v13 =	vadd.s32 v29, v11;
	[tilespmem:v25+s7+$0x0] =	vst.idx.msk $0xffff, v16  }
0x255: {  	v22 =	vadd.s32 v19, v23;
	[tilespmem:v17+s7+$0x0] =	vst.idx.msk $0xffff, v18;
	v28 =	vadd.s32 v58, v7  }
0x256: {  	v15 =	vadd.s32 v28, v12;
	[tilespmem:v24+s7+$0x0] =	vst.idx.msk $0xffff, v14  }
0x257: {  	v59 =	vld [tilespmem:$0x1FC70]  }
0x258: {  	v20 =	vld.idx.msk [tilespmem:v21+s2+$0x0], $0xffff;
	v21 =	vadd.s32 v35, v10  }
0x259: {  	v16 =	vadd.s32 v21, v27;
	v13 =	vld.idx.msk [tilespmem:v13+s2+$0x0], $0xffff;
	v25 =	vadd.s32 v58, v8  }
0x25a: {  	v18 =	vld.idx.msk [tilespmem:v22+s2+$0x0], $0xffff;
	v17 =	vadd.s32 v25, v11;
	v14 =	vadd.s32 v0, v9  }
0x25b: {  	v15 =	vld.idx.msk [tilespmem:v15+s2+$0x0], $0xffff;
	v22 =	vadd.s32 v14, v23  }
0x25c: {  	v24 =	vadd.s32 v59, v7  }
0x25d: {  	[tilespmem:v26+s7+$0x0] =	vst.idx.msk $0xffff, v20;
	v20 =	vadd.s32 v24, v12  }
0x25e: {  	[tilespmem:v29+s7+$0x0] =	vst.idx.msk $0xffff, v13;
	v16 =	vld.idx.msk [tilespmem:v16+s2+$0x0], $0xffff  }
0x25f: {  	[tilespmem:v19+s7+$0x0] =	vst.idx.msk $0xffff, v18;
	v17 =	vld.idx.msk [tilespmem:v17+s2+$0x0], $0xffff  }
0x260: {  	v19 =	vld.idx.msk [tilespmem:v22+s2+$0x0], $0xffff;
	[tilespmem:v28+s7+$0x0] =	vst.idx.msk $0xffff, v15  }
0x261: {  	v60 =	vld [tilespmem:$0x1FC80]  }
0x262: {  	v20 =	vld.idx.msk [tilespmem:v20+s2+$0x0], $0xffff  }
0x263: {  	v26 =	vadd.s32 v0, v10  }
0x264: {  	v13 =	vadd.s32 v26, v27;
	v29 =	vadd.s32 v59, v8;
	[tilespmem:v21+s7+$0x0] =	vst.idx.msk $0xffff, v16  }
0x265: {  	v15 =	vadd.s32 v38, v9;
	v18 =	vadd.s32 v29, v11;
	[tilespmem:v25+s7+$0x0] =	vst.idx.msk $0xffff, v17  }
0x266: {  	v22 =	vadd.s32 v15, v23;
	[tilespmem:v14+s7+$0x0] =	vst.idx.msk $0xffff, v19;
	v28 =	vadd.s32 v60, v7  }
0x267: {  	v16 =	vadd.s32 v28, v12;
	[tilespmem:v24+s7+$0x0] =	vst.idx.msk $0xffff, v20  }
0x268: {  	v39 =	vld [tilespmem:$0x1FC90]  }
0x269: {  	v21 =	vadd.s32 v38, v10;
	v13 =	vld.idx.msk [tilespmem:v13+s2+$0x0], $0xffff  }
0x26a: {  	v17 =	vadd.s32 v21, v27;
	v18 =	vld.idx.msk [tilespmem:v18+s2+$0x0], $0xffff;
	v25 =	vadd.s32 v60, v8  }
0x26b: {  	v19 =	vld.idx.msk [tilespmem:v22+s2+$0x0], $0xffff;
	v14 =	vadd.s32 v25, v11;
	v20 =	vadd.s32 v43, v9  }
0x26c: {  	v16 =	vld.idx.msk [tilespmem:v16+s2+$0x0], $0xffff;
	v22 =	vadd.s32 v20, v23  }
0x26d: {  	v24 =	vadd.s32 v39, v7  }
0x26e: {  	[tilespmem:v26+s7+$0x0] =	vst.idx.msk $0xffff, v13;
	v13 =	vadd.s32 v24, v12  }
0x26f: {  	[tilespmem:v29+s7+$0x0] =	vst.idx.msk $0xffff, v18;
	v17 =	vld.idx.msk [tilespmem:v17+s2+$0x0], $0xffff  }
0x270: {  	[tilespmem:v15+s7+$0x0] =	vst.idx.msk $0xffff, v19;
	v14 =	vld.idx.msk [tilespmem:v14+s2+$0x0], $0xffff  }
0x271: {  	v19 =	vld.idx.msk [tilespmem:v22+s2+$0x0], $0xffff;
	[tilespmem:v28+s7+$0x0] =	vst.idx.msk $0xffff, v16  }
0x272: {  	v26 =	vadd.s32 v43, v10;
	v43 =	vld [tilespmem:$0x1FCA0]  }
0x273: {  	v13 =	vld.idx.msk [tilespmem:v13+s2+$0x0], $0xffff;
	_ =	sdelay $0x1  }
0x274: {  	v18 =	vadd.s32 v26, v27;
	v29 =	vadd.s32 v39, v8;
	[tilespmem:v21+s7+$0x0] =	vst.idx.msk $0xffff, v17  }
0x275: {  	v16 =	vadd.s32 v37, v9;
	v15 =	vadd.s32 v29, v11;
	[tilespmem:v25+s7+$0x0] =	vst.idx.msk $0xffff, v14  }
0x276: {  	v22 =	vadd.s32 v16, v23;
	[tilespmem:v20+s7+$0x0] =	vst.idx.msk $0xffff, v19;
	v28 =	vadd.s32 v43, v7  }
0x277: {  	v17 =	vadd.s32 v28, v12;
	[tilespmem:v24+s7+$0x0] =	vst.idx.msk $0xffff, v13  }
0x278: {  	v44 =	vld [tilespmem:$0x1FCB0]  }
0x279: {  	v21 =	vadd.s32 v37, v10;
	v18 =	vld.idx.msk [tilespmem:v18+s2+$0x0], $0xffff  }
0x27a: {  	v14 =	vadd.s32 v21, v27;
	v15 =	vld.idx.msk [tilespmem:v15+s2+$0x0], $0xffff;
	v25 =	vadd.s32 v43, v8  }
0x27b: {  	v20 =	vld.idx.msk [tilespmem:v22+s2+$0x0], $0xffff;
	v19 =	vadd.s32 v25, v11;
	v13 =	vadd.s32 v2, v9  }
0x27c: {  	v17 =	vld.idx.msk [tilespmem:v17+s2+$0x0], $0xffff;
	v22 =	vadd.s32 v13, v23  }
0x27d: {  	v24 =	vadd.s32 v44, v7  }
0x27e: {  	[tilespmem:v26+s7+$0x0] =	vst.idx.msk $0xffff, v18;
	v18 =	vadd.s32 v24, v12  }
0x27f: {  	[tilespmem:v29+s7+$0x0] =	vst.idx.msk $0xffff, v15;
	v14 =	vld.idx.msk [tilespmem:v14+s2+$0x0], $0xffff  }
0x280: {  	[tilespmem:v16+s7+$0x0] =	vst.idx.msk $0xffff, v20;
	v19 =	vld.idx.msk [tilespmem:v19+s2+$0x0], $0xffff  }
0x281: {  	v20 =	vld.idx.msk [tilespmem:v22+s2+$0x0], $0xffff;
	[tilespmem:v28+s7+$0x0] =	vst.idx.msk $0xffff, v17  }
0x282: {  	v26 =	vadd.s32 v2, v10;
	v48 =	vld [tilespmem:$0x1FCC0]  }
0x283: {  	v15 =	vadd.s32 v26, v27;
	v18 =	vld.idx.msk [tilespmem:v18+s2+$0x0], $0xffff;
	_ =	sdelay $0x1  }
0x284: {  	v29 =	vadd.s32 v44, v8;
	[tilespmem:v21+s7+$0x0] =	vst.idx.msk $0xffff, v14  }
0x285: {  	v17 =	vadd.s32 v4, v9;
	v16 =	vadd.s32 v29, v11;
	[tilespmem:v25+s7+$0x0] =	vst.idx.msk $0xffff, v19  }
0x286: {  	v22 =	vadd.s32 v17, v23;
	[tilespmem:v13+s7+$0x0] =	vst.idx.msk $0xffff, v20;
	v28 =	vadd.s32 v48, v7  }
0x287: {  	v14 =	vld.idx.msk [tilespmem:v15+s2+$0x0], $0xffff;
	v12 =	vadd.s32 v28, v12;
	[tilespmem:v24+s7+$0x0] =	vst.idx.msk $0xffff, v18  }
0x288: {  	v61 =	vld [tilespmem:$0x1FBC0]  }
0x289: {  	v50 =	vld [tilespmem:$0x1FCD0]  }
0x28a: {  	v15 =	vadd.s32 v4, v10;
	v16 =	vld.idx.msk [tilespmem:v16+s2+$0x0], $0xffff  }
0x28b: {  	v19 =	vadd.s32 v15, v27;
	v21 =	vadd.s32 v48, v8;
	v13 =	vld.idx.msk [tilespmem:v22+s2+$0x0], $0xffff  }
0x28c: {  	v11 =	vadd.s32 v21, v11;
	v12 =	vld.idx.msk [tilespmem:v12+s2+$0x0], $0xffff  }
0x28d: {  	v18 =	vadd.s32 v46, v9  }
0x28e: {  	v22 =	vadd.s32 v18, v23;
	[tilespmem:v26+s7+$0x0] =	vst.idx.msk $0xffff, v14;
	v20 =	vnsel vm1, $0x0, v61;
	v24 =	vadd.s32 v50, v7  }
0x28f: {  	[tilespmem:v29+s7+$0x0] =	vst.idx.msk $0xffff, v16;
	v14 =	vadd.s32 v24, v20  }
0x290: {  	[tilespmem:v17+s7+$0x0] =	vst.idx.msk $0xffff, v13;
	v19 =	vld.idx.msk [tilespmem:v19+s2+$0x0], $0xffff  }
0x291: {  	v11 =	vld.idx.msk [tilespmem:v11+s2+$0x0], $0xffff;
	[tilespmem:v28+s7+$0x0] =	vst.idx.msk $0xffff, v12  }
0x292: {  	v20 =	vadd.s32 v46, v10;
	v51 =	vld [tilespmem:$0x1FCE0]  }
0x293: {  	v25 =	vnsel vm0, $0x0, v61;
	v26 =	vadd.s32 v50, v8;
	v17 =	vld.idx.msk [tilespmem:v22+s2+$0x0], $0xffff;
	v16 =	vadd.s32 v20, v27  }
0x294: {  	v13 =	vadd.s32 v26, v25;
	v14 =	vld.idx.msk [tilespmem:v14+s2+$0x0], $0xffff;
	_ =	sdelay $0x1  }
0x295: {  	v22 =	vadd.s32 v41, v9;
	[tilespmem:v15+s7+$0x0] =	vst.idx.msk $0xffff, v19  }
0x296: {  	v12 =	vsel vm1, $0xFFFFFFC1, v3;
	v25 =	vadd.s32 v22, v23;
	[tilespmem:v21+s7+$0x0] =	vst.idx.msk $0xffff, v11;
	v28 =	vadd.s32 v51, v7  }
0x297: {  	[tilespmem:v18+s7+$0x0] =	vst.idx.msk $0xffff, v17;
	v52 =	vadd.s32 v28, v12;
	v16 =	vld.idx.msk [tilespmem:v16+s2+$0x0], $0xffff  }
0x298: {  	v13 =	vld.idx.msk [tilespmem:v13+s2+$0x0], $0xffff;
	[tilespmem:v24+s7+$0x0] =	vst.idx.msk $0xffff, v14  }
0x299: {  	v32 =	vld [tilespmem:$0x1FEA0]  }
0x29a: {  	v11 =	vld [tilespmem:$0x1FCF0]  }
0x29b: {  	v19 =	vadd.s32 v41, v10;
	v15 =	vsel vm0, $0xFFFFFFC1, v3;
	v18 =	vld.idx.msk [tilespmem:v25+s2+$0x0], $0xffff  }
0x29c: {  	v21 =	vadd.s32 v19, v27;
	v29 =	vadd.s32 v51, v8;
	v2 =	vld.idx.msk [tilespmem:v52+s2+$0x0], $0xffff;
	[tilespmem:v20+s7+$0x0] =	vst.idx.msk $0xffff, v16  }
0x29d: {  	v17 =	vadd.s32 v29, v15;
	v33 =	vld [tilespmem:$0x1FEA0]  }
0x29e: {  	v14 =	vadd.s32 v32, v9  }
0x29f: {  	v25 =	vadd.s32 v11, v7;
	v24 =	vadd.s32 v14, v23  }
0x2a0: {  	[tilespmem:v26+s7+$0x0] =	vst.idx.msk $0xffff, v13;
	v16 =	vadd.s32 v25, v12  }
0x2a1: {  	v20 =	vld.idx.msk [tilespmem:v21+s2+$0x0], $0xffff;
	[tilespmem:v22+s7+$0x0] =	vst.idx.msk $0xffff, v18  }
0x2a2: {  	v17 =	vld.idx.msk [tilespmem:v17+s2+$0x0], $0xffff;
	[tilespmem:v28+s7+$0x0] =	vst.idx.msk $0xffff, v2;
	v21 =	vadd.s32 v33, v10  }
0x2a3: {  	v35 =	vld [tilespmem:$0x1FD00];
	v13 =	vadd.s32 v21, v27  }
0x2a4: {  	v22 =	vld.idx.msk [tilespmem:v24+s2+$0x0], $0xffff  }
0x2a5: {  	v16 =	vld.idx.msk [tilespmem:v16+s2+$0x0], $0xffff;
	_ =	sdelay $0x1  }
0x2a6: {  	s30 =	simm.s32 $0x20;
	[tilespmem:v19+s7+$0x0] =	vst.idx.msk $0xffff, v20  }
0x2a7: {  	v26 =	vadd.s32 v11, v8;
	[tilespmem:v29+s7+$0x0] =	vst.idx.msk $0xffff, v17;
	v30 =	vld.idx.msk [tilespmem:v13+s2+$0x0], $0xffff;
	v13 =	vmov s30  }
0x2a8: {  	v11 =	vadd.s32 v34, v9;
	v18 =	vadd.s32 v26, v15;
	v13 =	vmul.u32 $0x82, v13;
	[tilespmem:v14+s7+$0x0] =	vst.idx.msk $0xffff, v22  }
0x2a9: {  	v24 =	vadd.s32 v11, v23;
	v28 =	vadd.s32 v35, v7;
	[tilespmem:v25+s7+$0x0] =	vst.idx.msk $0xffff, v16  }
0x2aa: {  	v20 =	vadd.s32 v28, v12;
	v13 =	vbroadcast v13, $0x0;
	v19 =	vld [tilespmem:$0x1FE30];
	_ =	sdelay $0x1  }
0x2ab: {  	v43 =	vadd.s32 v40, v13  }
0x2ac: {  	v17 =	vadd.s32 v34, v10;
	v29 =	vmov v4;
	v18 =	vld.idx.msk [tilespmem:v18+s2+$0x0], $0xffff;
	v4 =	vadd.s32 v45, v13  }
0x2ad: {  	v44 =	vnsel vm3, $0x0, v61;
	v37 =	vadd.s32 v17, v27;
	v24 =	vld.idx.msk [tilespmem:v24+s2+$0x0], $0xffff  }
0x2ae: {  	s31 =	simm.s32 $0x28;
	v31 =	vadd.s32 v35, v8;
	v20 =	vld.idx.msk [tilespmem:v20+s2+$0x0], $0xffff;
	[tilespmem:$0x1FB80] =	vst v44;
	v39 =	vadd.s32 v19, v8  }
0x2af: {  	v38 =	vadd.s32 v31, v15;
	v14 =	vmov s31;
	v25 =	vadd.s32 v1, v9;
	[tilespmem:$0x1FB20] =	vst v39  }
0x2b0: {  	v14 =	vmul.u32 $0x82, v14;
	v41 =	vadd.s32 v25, v23;
	v35 =	vld.idx.msk [tilespmem:v43+s2+$0x0], $0xffff  }
0x2b1: {  	[tilespmem:v21+s7+$0x0] =	vst.idx.msk $0xffff, v30;
	v0 =	vld.idx.msk [tilespmem:v4+s2+$0x0], $0xffff  }
0x2b2: {  	v14 =	vbroadcast v14, $0x0;
	v46 =	vld [tilespmem:$0x1FD10]  }
0x2b3: {  	v21 =	vadd.s32 v36, v13;
	v32 =	vld.idx.msk [tilespmem:v37+s2+$0x0], $0xffff;
	[tilespmem:v26+s7+$0x0] =	vst.idx.msk $0xffff, v18  }
0x2b4: {  	v48 =	vadd.s32 v36, v14;
	[tilespmem:v11+s7+$0x0] =	vst.idx.msk $0xffff, v24;
	v33 =	vld.idx.msk [tilespmem:v38+s2+$0x0], $0xffff  }
0x2b5: {  	v52 =	vadd.s32 v40, v14;
	[tilespmem:v28+s7+$0x0] =	vst.idx.msk $0xffff, v20;
	v24 =	vld.idx.msk [tilespmem:v41+s2+$0x0], $0xffff  }
0x2b6: {  	v18 =	vadd.s32 v42, v13;
	v20 =	vadd.s32 v1, v10;
	v16 =	vld [tilespmem:$0x1FD30]  }
0x2b7: {  	v50 =	vld [tilespmem:$0x1FD20];
	v51 =	vadd.s32 v20, v27;
	v30 =	vadd.s32 v46, v7  }
0x2b8: {  	v45 =	vadd.s32 v45, v14;
	v22 =	vadd.s32 v39, v15;
	v21 =	vld.idx.msk [tilespmem:v21+s2+$0x0], $0xffff;
	v26 =	vadd.s32 v30, v12  }
0x2b9: {  	v42 =	vadd.s32 v42, v14;
	v36 =	vld.idx.msk [tilespmem:v48+s2+$0x0], $0xffff;
	v48 =	vadd.s32 v49, v9;
	v49 =	vadd.s32 v49, v10  }
0x2ba: {  	v40 =	vld.idx.msk [tilespmem:v52+s2+$0x0], $0xffff;
	v52 =	vadd.s32 v49, v27;
	v38 =	vadd.s32 v46, v8;
	[tilespmem:v17+s7+$0x0] =	vst.idx.msk $0xffff, v32  }
0x2bb: {  	v18 =	vld.idx.msk [tilespmem:v18+s2+$0x0], $0xffff;
	v32 =	vadd.s32 v47, v9;
	v47 =	vadd.s32 v47, v10;
	v41 =	vadd.s32 v38, v15  }
0x2bc: {  	v34 =	vadd.s32 v50, v8;
	v39 =	vadd.s32 v50, v7;
	v1 =	vadd.s32 v32, v23;
	v37 =	vld.idx.msk [tilespmem:v51+s2+$0x0], $0xffff  }
0x2bd: {  	v50 =	vadd.s32 v47, v27;
	vm10 =	vgt.f32 v21, v35;
	vm11 =	vgt.f32 v35, v21;
	v21 =	vld.idx.msk [tilespmem:v26+s2+$0x0], $0xffff  }
0x2be: {  	v42 =	vld.idx.msk [tilespmem:v42+s2+$0x0], $0xffff;
	v28 =	vadd.s32 v16, v7;
	[tilespmem:v31+s7+$0x0] =	vst.idx.msk $0xffff, v33;
	v17 =	vadd.s32 v39, v12  }
0x2bf: {  	v51 =	vadd.s32 v48, v23;
	[tilespmem:v25+s7+$0x0] =	vst.idx.msk $0xffff, v24;
	v24 =	vadd.s32 v53, v13;
	v25 =	vld.idx.msk [tilespmem:v45+s2+$0x0], $0xffff  }
0x2c0: {  	vm9 =	vgt.f32 v36, v40;
	v44 =	vadd.s32 v34, v15;
	vm12 =	vne.f32 v18, $0.0e+00;
	v26 =	vld.idx.msk [tilespmem:v41+s2+$0x0], $0xffff  }
0x2c1: {  	vm0 =	vmneg vm10;
	vm13 =	vne.f32 v18, $1.000000000e+00;
	vm1 =	vmneg vm11;
	v46 =	vld.idx.msk [tilespmem:v1+s2+$0x0], $0xffff;
	[tilespmem:v20+s7+$0x0] =	vst.idx.msk $0xffff, v37  }
0x2c2: {  	v43 =	vadd.s32 v28, v12;
	vm0 =	vmor vm12, vm0;
	vm1 =	vmor vm13, vm1;
	v20 =	vld.idx.msk [tilespmem:v50+s2+$0x0], $0xffff;
	[tilespmem:v30+s7+$0x0] =	vst.idx.msk $0xffff, v21  }
0x2c3: {  	vm14 =	vne.f32 v18, v0;
	vm15 =	vgt.f32 v0, v18;
	vm0 =	vmand vm0, vm1;
	v17 =	vld.idx.msk [tilespmem:v17+s2+$0x0], $0xffff  }
0x2c4: {  	vm10 =	vgt.f32 v40, v36;
	vm5 =	vmneg vm15;
	vm0 =	vmor vm14, vm0  }
0x2c5: {  	vm11 =	vne.f32 v42, $0.0e+00;
	vm13 =	vne.f32 v42, v25;
	vm14 =	vmand vm5, vm0;
	[tilespmem:v38+s7+$0x0] =	vst.idx.msk $0xffff, v26  }
0x2c6: {  	vm6 =	vmneg vm10;
	vm15 =	vgt.f32 v25, v42;
	v18 =	vsel vm14, $0x2, v3;
	[tilespmem:v32+s7+$0x0] =	vst.idx.msk $0xffff, v46;
	v21 =	vld.idx.msk [tilespmem:v44+s2+$0x0], $0xffff  }
0x2c7: {  	vm12 =	vne.f32 v42, $1.000000000e+00;
	vm1 =	vmneg vm9;
	v25 =	vadd.s32 v24, v18;
	v30 =	vld.idx.msk [tilespmem:v51+s2+$0x0], $0xffff;
	[tilespmem:v47+s7+$0x0] =	vst.idx.msk $0xffff, v20  }
0x2c8: {  	v2 =	vadd.s32 v19, v10;
	vm6 =	vmor vm12, vm6;
	vm4 =	vmor vm11, vm1;
	v35 =	vld.idx.msk [tilespmem:v52+s2+$0x0], $0xffff;
	[tilespmem:v39+s7+$0x0] =	vst.idx.msk $0xffff, v17  }
0x2c9: {  	v4 =	vsel vm2, $0xFFFFFFC1, v3;
	v33 =	vadd.s32 v16, v8;
	vm4 =	vmand vm4, vm6;
	v38 =	vld.idx.msk [tilespmem:v43+s2+$0x0], $0xffff  }
0x2ca: {  	v26 =	vadd.s32 v57, v9;
	v32 =	vadd.s32 v53, v14;
	v53 =	vadd.s32 v2, v4;
	[tilespmem:$0x1FB30] =	vst v2;
	v50 =	vld [tilespmem:$0x1FD40]  }
0x2cb: {  	vm0 =	vmneg vm15;
	vm4 =	vmor vm13, vm4;
	v31 =	vadd.s32 v26, v23;
	[tilespmem:$0x1FB40] =	vst v53  }
0x2cc: {  	v36 =	vadd.s32 v33, v15;
	vm0 =	vmand vm0, vm4;
	v25 =	vld.idx.msk [tilespmem:v25+s2+$0x0], $0xffff  }
0x2cd: {  	v51 =	vsel vm0, $0x2, v3;
	[tilespmem:v48+s7+$0x0] =	vst.idx.msk $0xffff, v30  }
0x2ce: {  	v37 =	vadd.s32 v57, v10;
	v17 =	vadd.s32 v32, v51;
	[tilespmem:v34+s7+$0x0] =	vst.idx.msk $0xffff, v21  }
0x2cf: {  	v57 =	vadd.s32 v37, v27;
	v11 =	vld [tilespmem:$0x1FF50];
	[tilespmem:v49+s7+$0x0] =	vst.idx.msk $0xffff, v35;
	v40 =	vadd.s32 v50, v7  }
0x2d0: {  	v31 =	vld.idx.msk [tilespmem:v31+s2+$0x0], $0xffff;
	[tilespmem:v28+s7+$0x0] =	vst.idx.msk $0xffff, v38;
	v30 =	vadd.s32 v40, v12  }
0x2d1: {  	v42 =	vadd.s32 v62, v13;
	v51 =	vsel vm14, $0xFFFFFFFE, v3;
	v36 =	vld.idx.msk [tilespmem:v36+s2+$0x0], $0xffff;
	[tilespmem:v24+s7+$0x0] =	vst.idx.msk $0xffff, v25  }
0x2d2: {  	v41 =	vadd.s32 v42, v51;
	v34 =	vadd.s32 v5, v9;
	v0 =	vld [tilespmem:$0x1FD50]  }
0x2d3: {  	v44 =	vadd.s32 v62, v14;
	v21 =	vsel vm0, $0xFFFFFFFE, v3;
	v52 =	vadd.s32 v34, v23;
	v17 =	vld.idx.msk [tilespmem:v17+s2+$0x0], $0xffff  }
0x2d4: {  	v53 =	vadd.s32 v44, v21;
	v39 =	vld.idx.msk [tilespmem:v57+s2+$0x0], $0xffff;
	v28 =	vadd.s32 v5, v10  }
0x2d5: {  	v46 =	vadd.s32 v50, v8;
	v38 =	vadd.s32 v28, v27;
	v30 =	vld.idx.msk [tilespmem:v30+s2+$0x0], $0xffff  }
0x2d6: {  	v47 =	vadd.s32 v46, v15;
	[tilespmem:v26+s7+$0x0] =	vst.idx.msk $0xffff, v31  }
0x2d7: {  	v25 =	vsel vm14, $0x3F, v3;
	v41 =	vld.idx.msk [tilespmem:v41+s2+$0x0], $0xffff;
	[tilespmem:v33+s7+$0x0] =	vst.idx.msk $0xffff, v36;
	v24 =	vadd.s32 v0, v7  }
0x2d8: {  	v45 =	vadd.s32 v11, v13;
	[tilespmem:v32+s7+$0x0] =	vst.idx.msk $0xffff, v17;
	v32 =	vld.idx.msk [tilespmem:v52+s2+$0x0], $0xffff;
	v57 =	vadd.s32 v24, v12  }
0x2d9: {  	[tilespmem:v37+s7+$0x0] =	vst.idx.msk $0xffff, v39;
	v52 =	vadd.s32 v45, v25;
	v35 =	vld.idx.msk [tilespmem:v53+s2+$0x0], $0xffff  }
0x2da: {  	v43 =	vadd.s32 v56, v9;
	v26 =	vsel vm0, $0x3F, v3;
	v33 =	vld.idx.msk [tilespmem:v38+s2+$0x0], $0xffff;
	[tilespmem:v40+s7+$0x0] =	vst.idx.msk $0xffff, v30  }
0x2db: {  	v37 =	vadd.s32 v11, v14;
	v53 =	vadd.s32 v43, v23;
	v40 =	vadd.s32 v0, v8;
	v0 =	vld [tilespmem:$0x1FD60]  }
0x2dc: {  	v36 =	vadd.s32 v37, v26;
	v38 =	vadd.s32 v56, v10;
	v30 =	vld.idx.msk [tilespmem:v47+s2+$0x0], $0xffff  }
0x2dd: {  	v39 =	vadd.s32 v38, v27;
	[tilespmem:v42+s7+$0x0] =	vst.idx.msk $0xffff, v41;
	v48 =	vld.idx.msk [tilespmem:v57+s2+$0x0], $0xffff  }
0x2de: {  	[tilespmem:v34+s7+$0x0] =	vst.idx.msk $0xffff, v32;
	v57 =	vadd.s32 v40, v15;
	v49 =	vld.idx.msk [tilespmem:v52+s2+$0x0], $0xffff  }
0x2df: {  	v42 =	vadd.s32 v63, v13;
	[tilespmem:v44+s7+$0x0] =	vst.idx.msk $0xffff, v35  }
0x2e0: {  	[tilespmem:v28+s7+$0x0] =	vst.idx.msk $0xffff, v33;
	v34 =	vld.idx.msk [tilespmem:v53+s2+$0x0], $0xffff;
	v53 =	vadd.s32 v42, v25;
	v47 =	vadd.s32 v0, v7  }
0x2e1: {  	v36 =	vld.idx.msk [tilespmem:v36+s2+$0x0], $0xffff;
	[tilespmem:v46+s7+$0x0] =	vst.idx.msk $0xffff, v30;
	v52 =	vadd.s32 v47, v12  }
0x2e2: {  	v44 =	vadd.s32 v6, v9;
	v39 =	vld.idx.msk [tilespmem:v39+s2+$0x0], $0xffff;
	[tilespmem:v24+s7+$0x0] =	vst.idx.msk $0xffff, v48  }
0x2e3: {  	v56 =	vadd.s32 v44, v23;
	v24 =	vld.idx.msk [tilespmem:v57+s2+$0x0], $0xffff;
	[tilespmem:v45+s7+$0x0] =	vst.idx.msk $0xffff, v49  }
0x2e4: {  	v48 =	vadd.s32 v0, v8;
	v0 =	vld [tilespmem:$0x1FD70]  }
0x2e5: {  	v35 =	vld.idx.msk [tilespmem:v53+s2+$0x0], $0xffff  }
0x2e6: {  	[tilespmem:v43+s7+$0x0] =	vst.idx.msk $0xffff, v34;
	v32 =	vld.idx.msk [tilespmem:v52+s2+$0x0], $0xffff  }
0x2e7: {  	v28 =	vadd.s32 v63, v14;
	v5 =	vld [tilespmem:$0x1FF60];
	[tilespmem:v37+s7+$0x0] =	vst.idx.msk $0xffff, v36  }
0x2e8: {  	v30 =	vadd.s32 v28, v26;
	v33 =	vld.idx.msk [tilespmem:v56+s2+$0x0], $0xffff;
	[tilespmem:v38+s7+$0x0] =	vst.idx.msk $0xffff, v39  }
0x2e9: {  	v46 =	vadd.s32 v6, v10;
	[tilespmem:v40+s7+$0x0] =	vst.idx.msk $0xffff, v24  }
0x2ea: {  	v57 =	vadd.s32 v46, v27;
	[tilespmem:v42+s7+$0x0] =	vst.idx.msk $0xffff, v35  }
0x2eb: {  	v52 =	vadd.s32 v48, v15;
	v45 =	vadd.s32 v0, v7;
	[tilespmem:v47+s7+$0x0] =	vst.idx.msk $0xffff, v32  }
0x2ec: {  	v49 =	vadd.s32 v0, v8;
	v53 =	vadd.s32 v45, v12;
	v43 =	vadd.s32 v5, v13;
	v0 =	vld [tilespmem:$0x1FD80]  }
0x2ed: {  	v37 =	vadd.s32 v54, v9;
	v30 =	vld.idx.msk [tilespmem:v30+s2+$0x0], $0xffff;
	v36 =	vadd.s32 v43, v25;
	[tilespmem:v44+s7+$0x0] =	vst.idx.msk $0xffff, v33  }
0x2ee: {  	v56 =	vadd.s32 v37, v23;
	v38 =	vadd.s32 v5, v14;
	v5 =	vld [tilespmem:$0x1FF70]  }
0x2ef: {  	v41 =	vld.idx.msk [tilespmem:v57+s2+$0x0], $0xffff;
	v40 =	vadd.s32 v54, v10;
	v24 =	vadd.s32 v38, v26  }
0x2f0: {  	v57 =	vld.idx.msk [tilespmem:v52+s2+$0x0], $0xffff;
	v52 =	vadd.s32 v40, v27  }
0x2f1: {  	v34 =	vld.idx.msk [tilespmem:v53+s2+$0x0], $0xffff;
	v53 =	vadd.s32 v49, v15;
	v35 =	vadd.s32 v0, v7  }
0x2f2: {  	v36 =	vld.idx.msk [tilespmem:v36+s2+$0x0], $0xffff;
	v54 =	vadd.s32 v35, v12  }
0x2f3: {  	[tilespmem:v28+s7+$0x0] =	vst.idx.msk $0xffff, v30;
	v28 =	vld.idx.msk [tilespmem:v56+s2+$0x0], $0xffff;
	v44 =	vadd.s32 v5, v13  }
0x2f4: {  	[tilespmem:v46+s7+$0x0] =	vst.idx.msk $0xffff, v41;
	v24 =	vld.idx.msk [tilespmem:v24+s2+$0x0], $0xffff;
	v30 =	vadd.s32 v44, v25  }
0x2f5: {  	v39 =	vadd.s32 v55, v9;
	v47 =	vld.idx.msk [tilespmem:v52+s2+$0x0], $0xffff;
	[tilespmem:v48+s7+$0x0] =	vst.idx.msk $0xffff, v57  }
0x2f6: {  	v56 =	vadd.s32 v39, v23;
	[tilespmem:v45+s7+$0x0] =	vst.idx.msk $0xffff, v34;
	v52 =	vld.idx.msk [tilespmem:v53+s2+$0x0], $0xffff  }
0x2f7: {  	[tilespmem:v43+s7+$0x0] =	vst.idx.msk $0xffff, v36;
	v33 =	vld.idx.msk [tilespmem:v54+s2+$0x0], $0xffff  }
0x2f8: {  	v54 =	vld [tilespmem:$0x1FD90]  }
0x2f9: {  	[tilespmem:v37+s7+$0x0] =	vst.idx.msk $0xffff, v28;
	v30 =	vld.idx.msk [tilespmem:v30+s2+$0x0], $0xffff  }
0x2fa: {  	v48 =	vadd.s32 v55, v10;
	v41 =	vadd.s32 v5, v14;
	v5 =	vld [tilespmem:$0x1FF90];
	[tilespmem:v38+s7+$0x0] =	vst.idx.msk $0xffff, v24  }
0x2fb: {  	v53 =	vadd.s32 v48, v27;
	v24 =	vld.idx.msk [tilespmem:v56+s2+$0x0], $0xffff;
	[tilespmem:v40+s7+$0x0] =	vst.idx.msk $0xffff, v47  }
0x2fc: {  	[tilespmem:v49+s7+$0x0] =	vst.idx.msk $0xffff, v52  }
0x2fd: {  	v45 =	vadd.s32 v0, v8;
	v57 =	vadd.s32 v41, v26;
	[tilespmem:v35+s7+$0x0] =	vst.idx.msk $0xffff, v33  }
0x2fe: {  	v55 =	vadd.s32 v45, v15;
	v36 =	vadd.s32 v54, v7;
	[tilespmem:v44+s7+$0x0] =	vst.idx.msk $0xffff, v30  }
0x2ff: {  	v43 =	vadd.s32 v54, v8;
	v28 =	vadd.s32 v36, v12;
	v37 =	vadd.s32 v5, v13;
	v54 =	vld [tilespmem:$0x1FDA0]  }
0x300: {  	v49 =	vadd.s32 v58, v10;
	v42 =	vld.idx.msk [tilespmem:v53+s2+$0x0], $0xffff;
	v56 =	vadd.s32 v37, v25;
	[tilespmem:v39+s7+$0x0] =	vst.idx.msk $0xffff, v24  }
0x301: {  	v46 =	vadd.s32 v58, v9;
	v53 =	vadd.s32 v49, v27;
	v40 =	vadd.s32 v5, v14;
	v5 =	vld [tilespmem:$0x1FFC0]  }
0x302: {  	v32 =	vld.idx.msk [tilespmem:v57+s2+$0x0], $0xffff;
	v57 =	vadd.s32 v46, v23  }
0x303: {  	v52 =	vld.idx.msk [tilespmem:v55+s2+$0x0], $0xffff;
	v34 =	vadd.s32 v40, v26  }
0x304: {  	v55 =	vadd.s32 v43, v15;
	v28 =	vld.idx.msk [tilespmem:v28+s2+$0x0], $0xffff;
	v30 =	vadd.s32 v54, v7  }
0x305: {  	[tilespmem:v48+s7+$0x0] =	vst.idx.msk $0xffff, v42;
	v38 =	vld.idx.msk [tilespmem:v56+s2+$0x0], $0xffff;
	v24 =	vadd.s32 v30, v12  }
0x306: {  	v35 =	vld.idx.msk [tilespmem:v53+s2+$0x0], $0xffff;
	v39 =	vadd.s32 v5, v13  }
0x307: {  	[tilespmem:v41+s7+$0x0] =	vst.idx.msk $0xffff, v32;
	v56 =	vld.idx.msk [tilespmem:v57+s2+$0x0], $0xffff;
	v57 =	vadd.s32 v39, v25  }
0x308: {  	v47 =	vadd.s32 v59, v9;
	[tilespmem:v45+s7+$0x0] =	vst.idx.msk $0xffff, v52;
	v34 =	vld.idx.msk [tilespmem:v34+s2+$0x0], $0xffff  }
0x309: {  	v58 =	vadd.s32 v47, v23;
	[tilespmem:v36+s7+$0x0] =	vst.idx.msk $0xffff, v28;
	v28 =	vld.idx.msk [tilespmem:v55+s2+$0x0], $0xffff  }
0x30a: {  	v42 =	vadd.s32 v5, v14;
	[tilespmem:v37+s7+$0x0] =	vst.idx.msk $0xffff, v38;
	v24 =	vld.idx.msk [tilespmem:v24+s2+$0x0], $0xffff  }
0x30b: {  	v44 =	vadd.s32 v54, v8;
	v52 =	vadd.s32 v42, v26;
	v54 =	vld [tilespmem:$0x1FDB0]  }
0x30c: {  	[tilespmem:v46+s7+$0x0] =	vst.idx.msk $0xffff, v56;
	v41 =	vld.idx.msk [tilespmem:v57+s2+$0x0], $0xffff  }
0x30d: {  	v45 =	vadd.s32 v59, v10;
	v5 =	vld [tilespmem:$0x1FFA0];
	[tilespmem:v40+s7+$0x0] =	vst.idx.msk $0xffff, v34  }
0x30e: {  	v53 =	vadd.s32 v45, v27;
	v57 =	vld.idx.msk [tilespmem:v58+s2+$0x0], $0xffff;
	[tilespmem:v49+s7+$0x0] =	vst.idx.msk $0xffff, v35  }
0x30f: {  	[tilespmem:v43+s7+$0x0] =	vst.idx.msk $0xffff, v28  }
0x310: {  	v55 =	vadd.s32 v44, v15;
	v33 =	vld.idx.msk [tilespmem:v52+s2+$0x0], $0xffff;
	[tilespmem:v30+s7+$0x0] =	vst.idx.msk $0xffff, v24  }
0x311: {  	v37 =	vadd.s32 v54, v7;
	[tilespmem:v39+s7+$0x0] =	vst.idx.msk $0xffff, v41  }
0x312: {  	v56 =	vadd.s32 v37, v12;
	v46 =	vadd.s32 v5, v13;
	v52 =	vld [tilespmem:$0x1FDC0]  }
0x313: {  	v48 =	vadd.s32 v60, v9;
	v36 =	vld.idx.msk [tilespmem:v53+s2+$0x0], $0xffff;
	v58 =	vadd.s32 v46, v25;
	[tilespmem:v47+s7+$0x0] =	vst.idx.msk $0xffff, v57  }
0x314: {  	v59 =	vadd.s32 v48, v23;
	v43 =	vadd.s32 v60, v10;
	v6 =	vld [tilespmem:$0x1FF80]  }
0x315: {  	v24 =	vld.idx.msk [tilespmem:v55+s2+$0x0], $0xffff;
	v30 =	vadd.s32 v43, v27;
	v35 =	vadd.s32 v5, v14;
	[tilespmem:v42+s7+$0x0] =	vst.idx.msk $0xffff, v33  }
0x316: {  	v38 =	vadd.s32 v54, v8;
	v28 =	vadd.s32 v35, v26;
	v5 =	vld [tilespmem:$0x1FC90]  }
0x317: {  	v53 =	vadd.s32 v38, v15;
	v32 =	vld.idx.msk [tilespmem:v56+s2+$0x0], $0xffff;
	v39 =	vadd.s32 v52, v7  }
0x318: {  	v40 =	vld.idx.msk [tilespmem:v58+s2+$0x0], $0xffff;
	v54 =	vadd.s32 v39, v12  }
0x319: {  	v55 =	vld.idx.msk [tilespmem:v59+s2+$0x0], $0xffff;
	[tilespmem:v45+s7+$0x0] =	vst.idx.msk $0xffff, v36;
	v47 =	vadd.s32 v6, v13  }
0x31a: {  	v30 =	vld.idx.msk [tilespmem:v30+s2+$0x0], $0xffff;
	v56 =	vadd.s32 v47, v25  }
0x31b: {  	[tilespmem:v44+s7+$0x0] =	vst.idx.msk $0xffff, v24;
	v28 =	vld.idx.msk [tilespmem:v28+s2+$0x0], $0xffff;
	v49 =	vadd.s32 v5, v9  }
0x31c: {  	v58 =	vld.idx.msk [tilespmem:v53+s2+$0x0], $0xffff;
	v57 =	vadd.s32 v49, v23;
	[tilespmem:v37+s7+$0x0] =	vst.idx.msk $0xffff, v32  }
0x31d: {  	v36 =	vadd.s32 v6, v14;
	[tilespmem:v46+s7+$0x0] =	vst.idx.msk $0xffff, v40;
	v34 =	vld.idx.msk [tilespmem:v54+s2+$0x0], $0xffff  }
0x31e: {  	v24 =	vadd.s32 v36, v26;
	v60 =	vld [tilespmem:$0x1FDD0]  }
0x31f: {  	v44 =	vadd.s32 v5, v10;
	[tilespmem:v48+s7+$0x0] =	vst.idx.msk $0xffff, v55;
	v42 =	vld.idx.msk [tilespmem:v56+s2+$0x0], $0xffff  }
0x320: {  	v41 =	vadd.s32 v52, v8;
	v59 =	vadd.s32 v44, v27;
	v6 =	vld [tilespmem:$0x1FFB0]  }
0x321: {  	v52 =	vadd.s32 v41, v15;
	[tilespmem:v35+s7+$0x0] =	vst.idx.msk $0xffff, v28;
	v28 =	vld.idx.msk [tilespmem:v57+s2+$0x0], $0xffff  }
0x322: {  	v5 =	vld [tilespmem:$0x1FCA0]  }
0x323: {  	v24 =	vld.idx.msk [tilespmem:v24+s2+$0x0], $0xffff;
	[tilespmem:v43+s7+$0x0] =	vst.idx.msk $0xffff, v30  }
0x324: {  	[tilespmem:v38+s7+$0x0] =	vst.idx.msk $0xffff, v58;
	v40 =	vadd.s32 v60, v7  }
0x325: {  	v37 =	vld.idx.msk [tilespmem:v59+s2+$0x0], $0xffff;
	[tilespmem:v39+s7+$0x0] =	vst.idx.msk $0xffff, v34;
	v53 =	vadd.s32 v40, v12;
	v48 =	vadd.s32 v6, v13  }
0x326: {  	v57 =	vld.idx.msk [tilespmem:v52+s2+$0x0], $0xffff;
	v30 =	vadd.s32 v6, v14;
	[tilespmem:v47+s7+$0x0] =	vst.idx.msk $0xffff, v42;
	v54 =	vadd.s32 v48, v25  }
0x327: {  	v45 =	vadd.s32 v5, v9;
	v56 =	vadd.s32 v30, v26;
	v59 =	vld [tilespmem:$0x1FDE0];
	[tilespmem:v49+s7+$0x0] =	vst.idx.msk $0xffff, v28  }
0x328: {  	v38 =	vadd.s32 v5, v10;
	v55 =	vadd.s32 v45, v23;
	v6 =	vld [tilespmem:$0x1FFD0];
	[tilespmem:v36+s7+$0x0] =	vst.idx.msk $0xffff, v24  }
0x329: {  	v58 =	vadd.s32 v38, v27;
	v5 =	vld [tilespmem:$0x1FCB0]  }
0x32a: {  	v33 =	vld.idx.msk [tilespmem:v53+s2+$0x0], $0xffff  }
0x32b: {  	v46 =	vadd.s32 v60, v8;
	v35 =	vld.idx.msk [tilespmem:v54+s2+$0x0], $0xffff  }
0x32c: {  	v60 =	vadd.s32 v46, v15;
	[tilespmem:v44+s7+$0x0] =	vst.idx.msk $0xffff, v37;
	v42 =	vadd.s32 v59, v7;
	v32 =	vld.idx.msk [tilespmem:v56+s2+$0x0], $0xffff  }
0x32d: {  	v1 =	vsel vm0, $0xFFFFFFC1, v3;
	[tilespmem:v41+s7+$0x0] =	vst.idx.msk $0xffff, v57;
	v28 =	vadd.s32 v42, v12;
	v52 =	vld.idx.msk [tilespmem:v55+s2+$0x0], $0xffff  }
0x32e: {  	v2 =	vadd.s32 v19, v14;
	v49 =	vadd.s32 v6, v13;
	v39 =	vld.idx.msk [tilespmem:v58+s2+$0x0], $0xffff;
	[tilespmem:$0x1FB50] =	vst v1  }
0x32f: {  	[tilespmem:$0x1FB60] =	vst v2;
	v1 =	vadd.s32 v2, v1;
	v53 =	vadd.s32 v49, v25;
	v50 =	vadd.s32 v5, v9  }
0x330: {  	v37 =	vadd.s32 v6, v14;
	[tilespmem:$0x1FB70] =	vst v1;
	v54 =	vadd.s32 v50, v23  }
0x331: {  	v55 =	vadd.s32 v37, v26;
	[tilespmem:v40+s7+$0x0] =	vst.idx.msk $0xffff, v33;
	v33 =	vld.idx.msk [tilespmem:v60+s2+$0x0], $0xffff  }
0x332: {  	[tilespmem:v48+s7+$0x0] =	vst.idx.msk $0xffff, v35;
	v28 =	vld.idx.msk [tilespmem:v28+s2+$0x0], $0xffff  }
0x333: {  	v41 =	vadd.s32 v5, v10;
	v60 =	vld [tilespmem:$0x1FDF0]  }
0x334: {  	v47 =	vadd.s32 v59, v8;
	v56 =	vadd.s32 v41, v27;
	[tilespmem:v45+s7+$0x0] =	vst.idx.msk $0xffff, v52;
	v43 =	vld.idx.msk [tilespmem:v53+s2+$0x0], $0xffff  }
0x335: {  	v57 =	vadd.s32 v47, v15;
	[tilespmem:v30+s7+$0x0] =	vst.idx.msk $0xffff, v32;
	v30 =	vld.idx.msk [tilespmem:v54+s2+$0x0], $0xffff  }
0x336: {  	v36 =	vadd.s32 v29, v13;
	v54 =	vld.idx.msk [tilespmem:v55+s2+$0x0], $0xffff  }
0x337: {  	v59 =	vadd.s32 v36, v25;
	v55 =	vld [tilespmem:$0x1FCC0];
	[tilespmem:v38+s7+$0x0] =	vst.idx.msk $0xffff, v39  }
0x338: {  	[tilespmem:v46+s7+$0x0] =	vst.idx.msk $0xffff, v33  }
0x339: {  	v39 =	vld.idx.msk [tilespmem:v56+s2+$0x0], $0xffff;
	[tilespmem:v42+s7+$0x0] =	vst.idx.msk $0xffff, v28  }
0x33a: {  	v56 =	vld.idx.msk [tilespmem:v57+s2+$0x0], $0xffff;
	[tilespmem:v49+s7+$0x0] =	vst.idx.msk $0xffff, v43  }
0x33b: {  	v35 =	vadd.s32 v60, v7;
	v0 =	vld [tilespmem:$0x1FE00]  }
0x33c: {  	v38 =	vadd.s32 v29, v14;
	v58 =	vadd.s32 v35, v12;
	[tilespmem:v50+s7+$0x0] =	vst.idx.msk $0xffff, v30;
	v32 =	vld.idx.msk [tilespmem:v59+s2+$0x0], $0xffff  }
0x33d: {  	v40 =	vadd.s32 v38, v26;
	v51 =	vadd.s32 v55, v9;
	v2 =	vld [tilespmem:$0x1FE50]  }
0x33e: {  	v23 =	vadd.s32 v51, v23;
	v5 =	vld [tilespmem:$0x1FEC0];
	[tilespmem:v37+s7+$0x0] =	vst.idx.msk $0xffff, v54  }
0x33f: {  	v33 =	vadd.s32 v55, v10;
	v57 =	vld [tilespmem:$0x1FE70]  }
0x340: {  	v46 =	vadd.s32 v60, v8;
	v27 =	vadd.s32 v33, v27;
	v59 =	vld [tilespmem:$0x1FCD0]  }
0x341: {  	v48 =	vadd.s32 v46, v15;
	v45 =	vld.idx.msk [tilespmem:v58+s2+$0x0], $0xffff  }
0x342: {  	v40 =	vld.idx.msk [tilespmem:v40+s2+$0x0], $0xffff;
	v43 =	vadd.s32 v0, v7  }
0x343: {  	[tilespmem:v41+s7+$0x0] =	vst.idx.msk $0xffff, v39;
	v60 =	vadd.s32 v43, v12;
	v50 =	vadd.s32 v5, v13;
	v37 =	vld.idx.msk [tilespmem:v23+s2+$0x0], $0xffff  }
0x344: {  	v39 =	vadd.s32 v5, v14;
	v5 =	vld [tilespmem:$0x1FB80];
	[tilespmem:v47+s7+$0x0] =	vst.idx.msk $0xffff, v56;
	v58 =	vadd.s32 v50, v25  }
0x345: {  	v53 =	vld.idx.msk [tilespmem:v27+s2+$0x0], $0xffff;
	[tilespmem:v36+s7+$0x0] =	vst.idx.msk $0xffff, v32  }
0x346: {  	[tilespmem:v35+s7+$0x0] =	vst.idx.msk $0xffff, v45;
	v35 =	vld.idx.msk [tilespmem:v48+s2+$0x0], $0xffff  }
0x347: {  	v56 =	vsel vm14, $0xFFFFFFC1, v3;
	v1 =	vld [tilespmem:$0x1FE10]  }
0x348: {  	v31 =	vnsel vm2, $0x0, v61;
	v54 =	vadd.s32 v59, v10;
	v60 =	vld.idx.msk [tilespmem:v60+s2+$0x0], $0xffff;
	[tilespmem:$0x1FB90] =	vst v56  }
0x349: {  	v31 =	vadd.s32 v54, v31;
	[tilespmem:v51+s7+$0x0] =	vst.idx.msk $0xffff, v37;
	v44 =	vld.idx.msk [tilespmem:v58+s2+$0x0], $0xffff  }
0x34a: {  	v28 =	vadd.s32 v57, v7;
	v52 =	vadd.s32 v59, v9;
	v57 =	vld [tilespmem:$0x1FE90]  }
0x34b: {  	v41 =	vadd.s32 v52, v5;
	v58 =	vld [tilespmem:$0x1FED0];
	[tilespmem:v38+s7+$0x0] =	vst.idx.msk $0xffff, v40  }
0x34c: {  	v42 =	vadd.s32 v39, v26;
	v45 =	vadd.s32 v0, v8;
	v59 =	vld [tilespmem:$0x1FE80]  }
0x34d: {  	v55 =	vadd.s32 v45, v15;
	v5 =	vld [tilespmem:$0x1FCE0];
	[tilespmem:v33+s7+$0x0] =	vst.idx.msk $0xffff, v53  }
0x34e: {  	[tilespmem:v46+s7+$0x0] =	vst.idx.msk $0xffff, v35;
	v36 =	vadd.s32 v1, v7;
	v35 =	vld.idx.msk [tilespmem:v31+s2+$0x0], $0xffff  }
0x34f: {  	v0 =	vld [tilespmem:$0x1FEA0];
	v37 =	vadd.s32 v36, v12  }
0x350: {  	v38 =	vld.idx.msk [tilespmem:v41+s2+$0x0], $0xffff  }
0x351: {  	v18 =	vsel vm3, $0xFFFFFFC1, v3;
	v41 =	vld.idx.msk [tilespmem:v42+s2+$0x0], $0xffff;
	[tilespmem:v43+s7+$0x0] =	vst.idx.msk $0xffff, v60;
	v49 =	vadd.s32 v58, v13  }
0x352: {  	v43 =	vld.idx.msk [tilespmem:v55+s2+$0x0], $0xffff;
	[tilespmem:v50+s7+$0x0] =	vst.idx.msk $0xffff, v44;
	v40 =	vadd.s32 v49, v25;
	v51 =	vadd.s32 v5, v9  }
0x353: {  	v42 =	vnsel vm0, $0x0, v61;
	v32 =	vld [tilespmem:$0x1FE20];
	v48 =	vadd.s32 v51, v18  }
0x354: {  	v27 =	vadd.s32 v57, v7;
	v29 =	vadd.s32 v59, v7;
	v57 =	vld.idx.msk [tilespmem:v37+s2+$0x0], $0xffff;
	[tilespmem:$0x1FBA0] =	vst v42  }
0x355: {  	v47 =	vadd.s32 v29, v12;
	[tilespmem:v52+s7+$0x0] =	vst.idx.msk $0xffff, v38  }
0x356: {  	v58 =	vadd.s32 v58, v14;
	[tilespmem:$0x1FBB0] =	vst v47  }
0x357: {  	v46 =	vadd.s32 v58, v26;
	v5 =	vadd.s32 v5, v10;
	v40 =	vld.idx.msk [tilespmem:v40+s2+$0x0], $0xffff  }
0x358: {  	v6 =	vadd.s32 v1, v8;
	v60 =	vadd.s32 v5, v4;
	[tilespmem:v39+s7+$0x0] =	vst.idx.msk $0xffff, v41;
	v59 =	vld.idx.msk [tilespmem:v48+s2+$0x0], $0xffff  }
0x359: {  	v33 =	vadd.s32 v6, v15;
	v16 =	vadd.s32 v32, v7;
	v48 =	vld [tilespmem:$0x1FCF0]  }
0x35a: {  	v38 =	vadd.s32 v16, v12  }
0x35b: {  	[tilespmem:v54+s7+$0x0] =	vst.idx.msk $0xffff, v35  }
0x35c: {  	v46 =	vld.idx.msk [tilespmem:v46+s2+$0x0], $0xffff;
	[tilespmem:v45+s7+$0x0] =	vst.idx.msk $0xffff, v43  }
0x35d: {  	v60 =	vld.idx.msk [tilespmem:v60+s2+$0x0], $0xffff;
	[tilespmem:v36+s7+$0x0] =	vst.idx.msk $0xffff, v57  }
0x35e: {  	v3 =	vld.idx.msk [tilespmem:v33+s2+$0x0], $0xffff;
	[tilespmem:v49+s7+$0x0] =	vst.idx.msk $0xffff, v40;
	v41 =	vadd.s32 v48, v9;
	v48 =	vadd.s32 v48, v10  }
0x35f: {  	v34 =	vnsel vm14, $0x0, v61;
	v53 =	vld.idx.msk [tilespmem:v38+s2+$0x0], $0xffff;
	[tilespmem:v51+s7+$0x0] =	vst.idx.msk $0xffff, v59;
	v61 =	vadd.s32 v48, v4  }
0x360: {  	v47 =	vadd.s32 v0, v13;
	v44 =	vadd.s32 v32, v8;
	v32 =	vld [tilespmem:$0x1FE40]  }
0x361: {  	v56 =	vadd.s32 v0, v14;
	v50 =	vadd.s32 v47, v25;
	v33 =	vld [tilespmem:$0x1FEE0];
	[tilespmem:v58+s7+$0x0] =	vst.idx.msk $0xffff, v46  }
0x362: {  	v55 =	vadd.s32 v56, v26;
	v43 =	vadd.s32 v19, v7;
	v46 =	vld [tilespmem:$0x1FD00];
	[tilespmem:v5+s7+$0x0] =	vst.idx.msk $0xffff, v60  }
0x363: {  	v45 =	vadd.s32 v43, v12;
	[tilespmem:v6+s7+$0x0] =	vst.idx.msk $0xffff, v3  }
0x364: {  	v52 =	vadd.s32 v41, v18;
	[tilespmem:v16+s7+$0x0] =	vst.idx.msk $0xffff, v53;
	v51 =	vld.idx.msk [tilespmem:v61+s2+$0x0], $0xffff  }
0x365: {  	v24 =	vmov v4;
	v30 =	vadd.s32 v2, v8;
	v39 =	vadd.s32 v44, v15;
	v61 =	vld [tilespmem:$0x1FE60]  }
0x366: {  	v11 =	vadd.s32 v27, v12;
	v37 =	vadd.s32 v2, v7;
	v35 =	vadd.s32 v30, v15;
	v54 =	vld.idx.msk [tilespmem:v50+s2+$0x0], $0xffff  }
0x367: {  	v36 =	vadd.s32 v28, v12;
	v58 =	vld.idx.msk [tilespmem:v55+s2+$0x0], $0xffff;
	v38 =	vadd.s32 v32, v8;
	v57 =	vadd.s32 v33, v13  }
0x368: {  	v45 =	vld.idx.msk [tilespmem:v45+s2+$0x0], $0xffff;
	v55 =	vadd.s32 v33, v14;
	v42 =	vadd.s32 v32, v7;
	v59 =	vadd.s32 v57, v25  }
0x369: {  	v40 =	vld.idx.msk [tilespmem:v52+s2+$0x0], $0xffff;
	v49 =	vadd.s32 v46, v9;
	v60 =	vadd.s32 v55, v26;
	v50 =	vadd.s32 v46, v10  }
0x36a: {  	s10 =	simm.s32 $0x38;
	s9 =	simm.s32 $0x4;
	v46 =	vld.idx.msk [tilespmem:v39+s2+$0x0], $0xffff;
	v52 =	vadd.s32 v49, v18;
	v53 =	vadd.s32 v50, v4;
	v39 =	vadd.s32 v61, v7  }
.LBB2_2:
0x36b: {  	v3 =	vld [tilespmem:$0x1FD10]  }
0x36c: {  	v2 =	vld [tilespmem:$0x1FBD0]  }
0x36d: {  	v5 =	vld [tilespmem:$0x1FF20]  }
0x36e: {  	v20 =	vld [tilespmem:$0x1FFE0]  }
0x36f: {  	v17 =	vld [tilespmem:$0x1FF40]  }
0x370: {  	[tilespmem:$0x1FB00] =	vst v35;
	v16 =	vld [tilespmem:$0x1FF30]  }
0x371: {  	[tilespmem:v47+s7+$0x0] =	vst.idx.msk $0xffff, v54;
	v4 =	vmov v34;
	v6 =	vld [tilespmem:$0x1FD30]  }
0x372: {  	v61 =	vmov s10;
	v59 =	vld.idx.msk [tilespmem:v59+s2+$0x0], $0xffff;
	[tilespmem:$0x1FB10] =	vst v4  }
0x373: {  	v21 =	vmov v62;
	v61 =	vmul.u32 $0x82, v61;
	v4 =	vld [tilespmem:$0x1FE30];
	[tilespmem:v56+s7+$0x0] =	vst.idx.msk $0xffff, v58  }
0x374: {  	s11 =	sadd.s32 $0xFFFFFFF8, s10;
	v62 =	vadd.s32 v42, v12;
	v54 =	vadd.s32 v39, v12;
	[tilespmem:v41+s7+$0x0] =	vst.idx.msk $0xffff, v40;
	v58 =	vld.idx.msk [tilespmem:v60+s2+$0x0], $0xffff  }
0x375: {  	v47 =	vmovc v7;
	v35 =	vmov v63;
	v33 =	vmov s11;
	v40 =	vbroadcast v61, $0x0;
	[tilespmem:v48+s7+$0x0] =	vst.idx.msk $0xffff, v51;
	v52 =	vld.idx.msk [tilespmem:v52+s2+$0x0], $0xffff  }
0x376: {  	v7 =	vmovc v9;
	v31 =	vmovc v11;
	v11 =	vmov v30;
	v30 =	vmov v28;
	v63 =	vmul.u32 $0x82, v33;
	v51 =	vld.idx.msk [tilespmem:v53+s2+$0x0], $0xffff  }
0x377: {  	v28 =	vld [tilespmem:$0x1FFF0];
	[tilespmem:v44+s7+$0x0] =	vst.idx.msk $0xffff, v46;
	v46 =	vmov v12;
	v1 =	vadd.s32 v2, v13;
	v44 =	vadd.s32 v5, v40  }
0x378: {  	v0 =	vadd.s32 v3, v9;
	v9 =	vmovc v13;
	v13 =	vbroadcast v63, $0x0;
	v22 =	vld.idx.msk [tilespmem:v22+s2+$0x0], $0xffff;
	v56 =	vadd.s32 v1, v25  }
0x379: {  	[tilespmem:v43+s7+$0x0] =	vst.idx.msk $0xffff, v45;
	v12 =	vmov v18;
	v34 =	vadd.s32 v0, v18;
	v18 =	vadd.s32 v4, v40;
	v4 =	vld [tilespmem:$0x1FB20]  }
0x37a: {  	v62 =	vld.idx.msk [tilespmem:v62+s2+$0x0], $0xffff;
	v61 =	vadd.s32 v16, v13  }
0x37b: {  	v63 =	vadd.s32 v5, v13;
	v5 =	vld [tilespmem:$0x1FD20]  }
0x37c: {  	[tilespmem:v57+s7+$0x0] =	vst.idx.msk $0xffff, v59;
	v60 =	vadd.s32 v17, v13;
	v44 =	vld.idx.msk [tilespmem:v44+s2+$0x0], $0xffff  }
0x37d: {  	v56 =	vld.idx.msk [tilespmem:v56+s2+$0x0], $0xffff;
	[tilespmem:v49+s7+$0x0] =	vst.idx.msk $0xffff, v52  }
0x37e: {  	v34 =	vld.idx.msk [tilespmem:v34+s2+$0x0], $0xffff  }
0x37f: {  	v57 =	vadd.s32 v2, v14;
	v43 =	vadd.s32 v20, v13;
	[tilespmem:v50+s7+$0x0] =	vst.idx.msk $0xffff, v51;
	v61 =	vld.idx.msk [tilespmem:v61+s2+$0x0], $0xffff  }
0x380: {  	v51 =	vadd.s32 v3, v10;
	v59 =	vadd.s32 v5, v10;
	v3 =	vadd.s32 v5, v7;
	v5 =	vld [tilespmem:$0x1FBE0]  }
0x381: {  	v2 =	vadd.s32 v57, v26;
	[tilespmem:v4+s7+$0x0] =	vst.idx.msk $0xffff, v22;
	v22 =	vld.idx.msk [tilespmem:v60+s2+$0x0], $0xffff  }
0x382: {  	v32 =	vadd.s32 v51, v24;
	[tilespmem:v42+s7+$0x0] =	vst.idx.msk $0xffff, v62;
	v4 =	vadd.s32 v17, v40;
	v17 =	vld [tilespmem:$0x1FBF0]  }
0x383: {  	v19 =	vadd.s32 v16, v40;
	v42 =	vld.idx.msk [tilespmem:v63+s2+$0x0], $0xffff  }
0x384: {  	v33 =	vmov v29;
	v49 =	vadd.s32 v6, v10;
	v60 =	vadd.s32 v20, v40;
	v43 =	vld.idx.msk [tilespmem:v43+s2+$0x0], $0xffff  }
0x385: {  	v29 =	vmov v24;
	v63 =	vadd.s32 v49, v24;
	[tilespmem:v55+s7+$0x0] =	vst.idx.msk $0xffff, v58;
	v58 =	vadd.s32 v59, v24;
	v24 =	vld [tilespmem:$0x1FB30]  }
0x386: {  	[tilespmem:v1+s7+$0x0] =	vst.idx.msk $0xffff, v56;
	v2 =	vld.idx.msk [tilespmem:v2+s2+$0x0], $0xffff;
	v1 =	vadd.s32 v5, v9;
	v5 =	vadd.s32 v5, v14  }
0x387: {  	[tilespmem:v0+s7+$0x0] =	vst.idx.msk $0xffff, v34;
	v0 =	vld.idx.msk [tilespmem:v32+s2+$0x0], $0xffff;
	v16 =	vadd.s32 v5, v26  }
0x388: {  	v34 =	vld.idx.msk [tilespmem:v19+s2+$0x0], $0xffff  }
0x389: {  	v52 =	vadd.s32 v37, v46;
	v32 =	vld [tilespmem:$0x1FC00]  }
0x38a: {  	v60 =	vld.idx.msk [tilespmem:v60+s2+$0x0], $0xffff  }
0x38b: {  	vm0 =	vgt.f32 v42, v61;
	vm1 =	vgt.f32 v61, v42;
	v61 =	vld.idx.msk [tilespmem:v4+s2+$0x0], $0xffff;
	[tilespmem:v57+s7+$0x0] =	vst.idx.msk $0xffff, v2  }
0x38c: {  	v48 =	vadd.s32 v6, v7;
	v56 =	vadd.s32 v1, v25;
	v2 =	vld.idx.msk [tilespmem:v16+s2+$0x0], $0xffff  }
0x38d: {  	v53 =	vadd.s32 v38, v15;
	v62 =	vadd.s32 v48, v12;
	v55 =	vadd.s32 v3, v12;
	v16 =	vld [tilespmem:$0x1FB90]  }
0x38e: {  	v52 =	vld.idx.msk [tilespmem:v52+s2+$0x0], $0xffff;
	v6 =	vadd.s32 v17, v9;
	v19 =	vadd.s32 v17, v14;
	v17 =	vadd.s32 v28, v13  }
0x38f: {  	v20 =	vadd.s32 v6, v25;
	v23 =	vadd.s32 v19, v26;
	vm2 =	vne.f32 v43, $0.0e+00;
	v42 =	vld [tilespmem:$0x1FB60]  }
0x390: {  	vm3 =	vne.f32 v43, $1.000000000e+00;
	vm4 =	vne.f32 v43, v22;
	vm11 =	vgt.f32 v22, v43;
	v22 =	vld [tilespmem:$0x1FB50]  }
0x391: {  	vm0 =	vmneg vm0;
	vm1 =	vmneg vm1;
	v50 =	vadd.s32 v32, v9;
	v56 =	vld.idx.msk [tilespmem:v56+s2+$0x0], $0xffff  }
0x392: {  	v57 =	vmovc v18;
	vm0 =	vmor vm2, vm0;
	vm1 =	vmor vm3, vm1;
	[tilespmem:v51+s7+$0x0] =	vst.idx.msk $0xffff, v0;
	v18 =	vmov v16;
	v16 =	vld.idx.msk [tilespmem:v55+s2+$0x0], $0xffff  }
0x393: {  	vm12 =	vgt.f32 v44, v34;
	vm13 =	vgt.f32 v34, v44;
	vm2 =	vmneg vm11;
	[tilespmem:v37+s7+$0x0] =	vst.idx.msk $0xffff, v52;
	v37 =	vld [tilespmem:$0x1FB70]  }
0x394: {  	v4 =	vmovc v24;
	vm0 =	vmand vm0, vm1;
	vm1 =	vmneg vm12;
	vm3 =	vmneg vm13;
	v0 =	vld.idx.msk [tilespmem:v58+s2+$0x0], $0xffff  }
0x395: {  	[tilespmem:$0x1FB20] =	vst v4;
	v4 =	vld [tilespmem:$0x1FBA0];
	vm0 =	vmor vm4, vm0;
	vm14 =	vne.f32 v60, $0.0e+00;
	vm5 =	vne.f32 v60, $1.000000000e+00;
	v24 =	vmovc v42  }
0x396: {  	v51 =	vld.idx.msk [tilespmem:v53+s2+$0x0], $0xffff;
	vm6 =	vne.f32 v60, v61;
	vm1 =	vmor vm14, vm1;
	vm3 =	vmor vm5, vm3;
	[tilespmem:$0x1FB30] =	vst v24  }
0x397: {  	vm0 =	vmand vm2, vm0;
	vm15 =	vgt.f32 v61, v60;
	v24 =	vld [tilespmem:$0x1FB40];
	vm1 =	vmand vm1, vm3;
	[tilespmem:v5+s7+$0x0] =	vst.idx.msk $0xffff, v2  }
0x398: {  	vm2 =	vmneg vm15;
	vm1 =	vmor vm6, vm1;
	v52 =	vld.idx.msk [tilespmem:v54+s2+$0x0], $0xffff;
	[tilespmem:v1+s7+$0x0] =	vst.idx.msk $0xffff, v56;
	v54 =	vimm.s32 $0x0;
	v44 =	vmovc v37  }
0x399: {  	v2 =	vadd.s32 v28, v40;
	vm1 =	vmand vm2, vm1;
	v5 =	vld.idx.msk [tilespmem:v23+s2+$0x0], $0xffff;
	[tilespmem:v59+s7+$0x0] =	vst.idx.msk $0xffff, v0;
	v53 =	vsel vm0, $0x2, v54  }
0x39a: {  	v42 =	vmov v4;
	v20 =	vld.idx.msk [tilespmem:v20+s2+$0x0], $0xffff;
	v23 =	vsel vm1, $0x2, v54;
	v1 =	vadd.s32 v17, v53;
	[tilespmem:v3+s7+$0x0] =	vst.idx.msk $0xffff, v16  }
0x39b: {  	v3 =	vadd.s32 v2, v23;
	[tilespmem:$0x1FB40] =	vst v44;
	v23 =	vld.idx.msk [tilespmem:v62+s2+$0x0], $0xffff;
	v62 =	vmovc v21;
	v21 =	vsel vm1, $0xFFFFFFC1, v54;
	v44 =	vmov v25  }
0x39c: {  	v4 =	vmovc v22;
	v22 =	vmov v24;
	v24 =	vld [tilespmem:$0x1FBC0];
	[tilespmem:$0x1FB50] =	vst v21;
	v21 =	vadd.s32 v57, v21;
	v25 =	vadd.s32 v50, v44  }
0x39d: {  	[tilespmem:$0x1FB70] =	vst v21;
	v21 =	vld [tilespmem:$0x1FC10]  }
0x39e: {  	v37 =	vmov v26;
	v26 =	vld.idx.msk [tilespmem:v63+s2+$0x0], $0xffff;
	[tilespmem:v39+s7+$0x0] =	vst.idx.msk $0xffff, v52  }
0x39f: {  	v36 =	vld.idx.msk [tilespmem:v36+s2+$0x0], $0xffff  }
0x3a0: {  	v1 =	vld.idx.msk [tilespmem:v1+s2+$0x0], $0xffff;
	[tilespmem:v6+s7+$0x0] =	vst.idx.msk $0xffff, v20  }
0x3a1: {  	[tilespmem:v38+s7+$0x0] =	vst.idx.msk $0xffff, v51;
	v25 =	vld.idx.msk [tilespmem:v25+s2+$0x0], $0xffff  }
0x3a2: {  	v51 =	vadd.s32 v21, v9;
	[tilespmem:v48+s7+$0x0] =	vst.idx.msk $0xffff, v23;
	v23 =	vadd.s32 v21, v14;
	v21 =	vld [tilespmem:$0x1FB00]  }
0x3a3: {  	v16 =	vadd.s32 v32, v14;
	v34 =	vnsel vm0, $0x0, v24;
	v56 =	vnsel vm1, $0x0, v24;
	v24 =	vld [tilespmem:$0x1FD40]  }
0x3a4: {  	v58 =	vadd.s32 v16, v37;
	_ =	sdelay $0x2  }
0x3a5: {  	v41 =	vmov v27;
	v27 =	vld [tilespmem:$0x1FF50]  }
0x3a6: {  	v3 =	vld.idx.msk [tilespmem:v3+s2+$0x0], $0xffff;
	[tilespmem:v19+s7+$0x0] =	vst.idx.msk $0xffff, v5;
	v39 =	vadd.s32 v24, v7  }
0x3a7: {  	v0 =	vld.idx.msk [tilespmem:v58+s2+$0x0], $0xffff;
	[tilespmem:v49+s7+$0x0] =	vst.idx.msk $0xffff, v26;
	v6 =	vadd.s32 v39, v12  }
0x3a8: {  	v63 =	vmov v35;
	v38 =	vadd.s32 v62, v13;
	v20 =	vsel vm0, $0xFFFFFFFE, v54;
	v35 =	vld.idx.msk [tilespmem:v21+s2+$0x0], $0xffff  }
0x3a9: {  	v20 =	vadd.s32 v38, v20;
	v5 =	vsel vm1, $0xFFFFFFFE, v54;
	v19 =	vadd.s32 v62, v40;
	v21 =	vld [tilespmem:$0x1FBB0]  }
0x3aa: {  	v53 =	vld [tilespmem:$0x1FD60];
	v5 =	vadd.s32 v19, v5  }
0x3ab: {  	v49 =	vadd.s32 v24, v10;
	v24 =	vld [tilespmem:$0x1FD50];
	v60 =	vadd.s32 v23, v37  }
0x3ac: {  	v6 =	vld.idx.msk [tilespmem:v6+s2+$0x0], $0xffff;
	[tilespmem:v30+s7+$0x0] =	vst.idx.msk $0xffff, v36  }
0x3ad: {  	v52 =	vld [tilespmem:$0x1FEB0];
	[tilespmem:v17+s7+$0x0] =	vst.idx.msk $0xffff, v1  }
0x3ae: {  	v20 =	vld.idx.msk [tilespmem:v20+s2+$0x0], $0xffff;
	[tilespmem:v2+s7+$0x0] =	vst.idx.msk $0xffff, v3  }
0x3af: {  	v5 =	vld.idx.msk [tilespmem:v5+s2+$0x0], $0xffff;
	[tilespmem:v16+s7+$0x0] =	vst.idx.msk $0xffff, v0  }
0x3b0: {  	v43 =	vmov v15;
	v15 =	vmov v29;
	v59 =	vadd.s32 v51, v44;
	v16 =	vld.idx.msk [tilespmem:v60+s2+$0x0], $0xffff  }
0x3b1: {  	v1 =	vadd.s32 v24, v7;
	v17 =	vadd.s32 v49, v15;
	v28 =	vld.idx.msk [tilespmem:v21+s2+$0x0], $0xffff  }
0x3b2: {  	[tilespmem:$0x1FB60] =	vst v57;
	v61 =	vadd.s32 v1, v12;
	v21 =	vld [tilespmem:$0x1FC20]  }
0x3b3: {  	[tilespmem:v11+s7+$0x0] =	vst.idx.msk $0xffff, v35;
	v11 =	vld [tilespmem:$0x1FB10]  }
0x3b4: {  	v55 =	vsel vm0, $0xFFFFFFC1, v54;
	v26 =	vsel vm1, $0x3F, v54;
	[tilespmem:v50+s7+$0x0] =	vst.idx.msk $0xffff, v25;
	v25 =	vsel vm0, $0x3F, v54;
	v54 =	vld [tilespmem:$0x1FEF0]  }
0x3b5: {  	v45 =	vadd.s32 v27, v13;
	[tilespmem:$0x1FBA0] =	vst v56;
	v56 =	vld.idx.msk [tilespmem:v59+s2+$0x0], $0xffff  }
0x3b6: {  	v57 =	vadd.s32 v45, v25;
	v59 =	vadd.s32 v27, v40;
	[tilespmem:v39+s7+$0x0] =	vst.idx.msk $0xffff, v6;
	v6 =	vld.idx.msk [tilespmem:v17+s2+$0x0], $0xffff  }
0x3b7: {  	v30 =	vadd.s32 v59, v26;
	v32 =	vld.idx.msk [tilespmem:v61+s2+$0x0], $0xffff;
	v61 =	vadd.s32 v24, v10;
	v3 =	vadd.s32 v21, v9  }
0x3b8: {  	v24 =	vld [tilespmem:$0x1FD70];
	v60 =	vadd.s32 v21, v14;
	[tilespmem:v33+s7+$0x0] =	vst.idx.msk $0xffff, v28;
	v58 =	vadd.s32 v3, v44  }
0x3b9: {  	v21 =	vld [tilespmem:$0x1FC30];
	v17 =	vadd.s32 v60, v37;
	[tilespmem:v38+s7+$0x0] =	vst.idx.msk $0xffff, v20  }
0x3ba: {  	v29 =	vld.idx.msk [tilespmem:v31+s2+$0x0], $0xffff  }
0x3bb: {  	[tilespmem:v19+s7+$0x0] =	vst.idx.msk $0xffff, v5;
	v31 =	vld.idx.msk [tilespmem:v57+s2+$0x0], $0xffff  }
0x3bc: {  	v36 =	vadd.s32 v53, v7;
	[tilespmem:v51+s7+$0x0] =	vst.idx.msk $0xffff, v56;
	v30 =	vld.idx.msk [tilespmem:v30+s2+$0x0], $0xffff  }
0x3bd: {  	v33 =	vadd.s32 v36, v12;
	[tilespmem:v23+s7+$0x0] =	vst.idx.msk $0xffff, v16;
	v5 =	vld.idx.msk [tilespmem:v58+s2+$0x0], $0xffff  }
0x3be: {  	v28 =	vadd.s32 v61, v15;
	v20 =	vadd.s32 v63, v13;
	v38 =	vadd.s32 v54, v47;
	v17 =	vld.idx.msk [tilespmem:v17+s2+$0x0], $0xffff  }
0x3bf: {  	v19 =	vadd.s32 v38, v46;
	[tilespmem:v1+s7+$0x0] =	vst.idx.msk $0xffff, v32;
	v32 =	vadd.s32 v53, v10;
	v53 =	vld [tilespmem:$0x1FF00]  }
0x3c0: {  	[tilespmem:$0x1FB90] =	vst v55;
	v55 =	vadd.s32 v20, v25;
	v16 =	vadd.s32 v63, v40;
	v58 =	vld [tilespmem:$0x1FF60]  }
0x3c1: {  	v50 =	vadd.s32 v21, v9;
	[tilespmem:v49+s7+$0x0] =	vst.idx.msk $0xffff, v6;
	v49 =	vadd.s32 v21, v14;
	v21 =	vld [tilespmem:$0x1FC40]  }
0x3c2: {  	v6 =	vadd.s32 v16, v26;
	v2 =	vld.idx.msk [tilespmem:v33+s2+$0x0], $0xffff;
	[tilespmem:v41+s7+$0x0] =	vst.idx.msk $0xffff, v29  }
0x3c3: {  	v56 =	vld.idx.msk [tilespmem:v28+s2+$0x0], $0xffff;
	[tilespmem:v45+s7+$0x0] =	vst.idx.msk $0xffff, v31  }
0x3c4: {  	v23 =	vadd.s32 v50, v44;
	v19 =	vld.idx.msk [tilespmem:v19+s2+$0x0], $0xffff  }
0x3c5: {  	v28 =	vadd.s32 v49, v37;
	v31 =	vld.idx.msk [tilespmem:v55+s2+$0x0], $0xffff  }
0x3c6: {  	v27 =	vadd.s32 v24, v7;
	[tilespmem:v59+s7+$0x0] =	vst.idx.msk $0xffff, v30;
	v55 =	vld [tilespmem:$0x1FF70]  }
0x3c7: {  	v57 =	vadd.s32 v27, v12;
	v29 =	vadd.s32 v32, v15;
	[tilespmem:v3+s7+$0x0] =	vst.idx.msk $0xffff, v5;
	v6 =	vld.idx.msk [tilespmem:v6+s2+$0x0], $0xffff  }
0x3c8: {  	v5 =	vadd.s32 v53, v47;
	v48 =	vadd.s32 v21, v9;
	v39 =	vadd.s32 v21, v14;
	v21 =	vld [tilespmem:$0x1FC50]  }
0x3c9: {  	v45 =	vadd.s32 v58, v13;
	[tilespmem:v60+s7+$0x0] =	vst.idx.msk $0xffff, v17;
	v59 =	vld.idx.msk [tilespmem:v23+s2+$0x0], $0xffff;
	v23 =	vadd.s32 v5, v46  }
0x3ca: {  	v17 =	vadd.s32 v58, v40;
	v30 =	vadd.s32 v45, v25;
	v28 =	vld.idx.msk [tilespmem:v28+s2+$0x0], $0xffff;
	[tilespmem:v61+s7+$0x0] =	vst.idx.msk $0xffff, v56  }
0x3cb: {  	v61 =	vadd.s32 v17, v26;
	[tilespmem:v36+s7+$0x0] =	vst.idx.msk $0xffff, v2;
	v36 =	vadd.s32 v24, v10;
	v24 =	vld [tilespmem:$0x1FD80]  }
0x3cc: {  	v3 =	vld.idx.msk [tilespmem:v57+s2+$0x0], $0xffff;
	[tilespmem:v38+s7+$0x0] =	vst.idx.msk $0xffff, v19  }
0x3cd: {  	v60 =	vadd.s32 v48, v44;
	v41 =	vld.idx.msk [tilespmem:v29+s2+$0x0], $0xffff;
	[tilespmem:v20+s7+$0x0] =	vst.idx.msk $0xffff, v31  }
0x3ce: {  	v29 =	vadd.s32 v39, v37;
	v23 =	vld.idx.msk [tilespmem:v23+s2+$0x0], $0xffff  }
0x3cf: {  	[tilespmem:v16+s7+$0x0] =	vst.idx.msk $0xffff, v6;
	v30 =	vld.idx.msk [tilespmem:v30+s2+$0x0], $0xffff  }
0x3d0: {  	v1 =	vld.idx.msk [tilespmem:v61+s2+$0x0], $0xffff  }
0x3d1: {  	v20 =	vadd.s32 v36, v15;
	v19 =	vadd.s32 v24, v7;
	[tilespmem:v50+s7+$0x0] =	vst.idx.msk $0xffff, v59;
	v61 =	vld [tilespmem:$0x1FE60]  }
0x3d2: {  	[tilespmem:v49+s7+$0x0] =	vst.idx.msk $0xffff, v28;
	v50 =	vadd.s32 v19, v12;
	v6 =	vld.idx.msk [tilespmem:v60+s2+$0x0], $0xffff  }
0x3d3: {  	v38 =	vadd.s32 v55, v13;
	v31 =	vadd.s32 v52, v47;
	v29 =	vld.idx.msk [tilespmem:v29+s2+$0x0], $0xffff  }
0x3d4: {  	v16 =	vadd.s32 v31, v46;
	[tilespmem:v27+s7+$0x0] =	vst.idx.msk $0xffff, v3;
	v27 =	vadd.s32 v24, v10;
	v24 =	vld [tilespmem:$0x1FD90]  }
0x3d5: {  	v56 =	vadd.s32 v38, v25;
	v28 =	vadd.s32 v55, v40;
	[tilespmem:v32+s7+$0x0] =	vst.idx.msk $0xffff, v41;
	v41 =	vld [tilespmem:$0x1FF90]  }
0x3d6: {  	v58 =	vadd.s32 v28, v26;
	v32 =	vadd.s32 v21, v14;
	v59 =	vld.idx.msk [tilespmem:v20+s2+$0x0], $0xffff  }
0x3d7: {  	v46 =	vadd.s32 v21, v9;
	v20 =	vadd.s32 v32, v37;
	v0 =	vld.idx.msk [tilespmem:v50+s2+$0x0], $0xffff;
	[tilespmem:v5+s7+$0x0] =	vst.idx.msk $0xffff, v23  }
0x3d8: {  	v57 =	vadd.s32 v46, v44;
	v21 =	vld [tilespmem:$0x1FC60];
	[tilespmem:v45+s7+$0x0] =	vst.idx.msk $0xffff, v30  }
0x3d9: {  	[tilespmem:v17+s7+$0x0] =	vst.idx.msk $0xffff, v1;
	v5 =	vadd.s32 v24, v7;
	v23 =	vadd.s32 v27, v15;
	v16 =	vld.idx.msk [tilespmem:v16+s2+$0x0], $0xffff  }
0x3da: {  	v30 =	vld.idx.msk [tilespmem:v56+s2+$0x0], $0xffff;
	[tilespmem:v48+s7+$0x0] =	vst.idx.msk $0xffff, v6;
	v6 =	vadd.s32 v5, v12  }
0x3db: {  	v2 =	vld.idx.msk [tilespmem:v58+s2+$0x0], $0xffff;
	[tilespmem:v39+s7+$0x0] =	vst.idx.msk $0xffff, v29;
	v45 =	vadd.s32 v41, v13  }
0x3dc: {  	v56 =	vadd.s32 v45, v25;
	v20 =	vld.idx.msk [tilespmem:v20+s2+$0x0], $0xffff  }
0x3dd: {  	[tilespmem:v36+s7+$0x0] =	vst.idx.msk $0xffff, v59;
	v55 =	vld.idx.msk [tilespmem:v57+s2+$0x0], $0xffff  }
0x3de: {  	[tilespmem:v19+s7+$0x0] =	vst.idx.msk $0xffff, v0;
	v59 =	vld.idx.msk [tilespmem:v23+s2+$0x0], $0xffff  }
0x3df: {  	v6 =	vld.idx.msk [tilespmem:v6+s2+$0x0], $0xffff;
	[tilespmem:v31+s7+$0x0] =	vst.idx.msk $0xffff, v16  }
0x3e0: {  	v35 =	vadd.s32 v61, v8;
	v23 =	vadd.s32 v24, v10;
	v24 =	vld [tilespmem:$0x1FDA0];
	[tilespmem:v38+s7+$0x0] =	vst.idx.msk $0xffff, v30  }
0x3e1: {  	v17 =	vadd.s32 v35, v43;
	v29 =	vadd.s32 v41, v40;
	v31 =	vld.idx.msk [tilespmem:v56+s2+$0x0], $0xffff  }
0x3e2: {  	v58 =	vadd.s32 v29, v26;
	v48 =	vadd.s32 v21, v9;
	[tilespmem:v46+s7+$0x0] =	vst.idx.msk $0xffff, v55;
	v55 =	vld [tilespmem:$0x1FFC0]  }
0x3e3: {  	v51 =	vld [tilespmem:$0x1FE90];
	v36 =	vadd.s32 v21, v14;
	v57 =	vadd.s32 v48, v44  }
0x3e4: {  	v49 =	vld [tilespmem:$0x1FE70];
	v19 =	vadd.s32 v36, v37  }
0x3e5: {  	v21 =	vld [tilespmem:$0x1FC70];
	v30 =	vadd.s32 v23, v15  }
0x3e6: {  	v17 =	vld.idx.msk [tilespmem:v17+s2+$0x0], $0xffff;
	[tilespmem:v28+s7+$0x0] =	vst.idx.msk $0xffff, v2;
	v16 =	vadd.s32 v24, v7  }
0x3e7: {  	v3 =	vld.idx.msk [tilespmem:v58+s2+$0x0], $0xffff;
	v60 =	vadd.s32 v16, v12;
	v46 =	vadd.s32 v55, v13  }
0x3e8: {  	[tilespmem:v32+s7+$0x0] =	vst.idx.msk $0xffff, v20;
	v56 =	vld.idx.msk [tilespmem:v57+s2+$0x0], $0xffff;
	v57 =	vadd.s32 v46, v25  }
0x3e9: {  	v19 =	vld.idx.msk [tilespmem:v19+s2+$0x0], $0xffff;
	[tilespmem:v27+s7+$0x0] =	vst.idx.msk $0xffff, v59  }
0x3ea: {  	[tilespmem:v5+s7+$0x0] =	vst.idx.msk $0xffff, v6;
	v5 =	vld.idx.msk [tilespmem:v30+s2+$0x0], $0xffff  }
0x3eb: {  	v38 =	vadd.s32 v49, v8;
	v30 =	vadd.s32 v24, v10;
	v24 =	vld [tilespmem:$0x1FDB0]  }
0x3ec: {  	v28 =	vadd.s32 v38, v43;
	v20 =	vadd.s32 v55, v40;
	v1 =	vld.idx.msk [tilespmem:v60+s2+$0x0], $0xffff;
	[tilespmem:v45+s7+$0x0] =	vst.idx.msk $0xffff, v31  }
0x3ed: {  	v47 =	vadd.s32 v21, v9;
	v59 =	vadd.s32 v20, v26;
	v60 =	vld.idx.msk [tilespmem:v57+s2+$0x0], $0xffff  }
0x3ee: {  	v58 =	vadd.s32 v47, v44;
	v27 =	vadd.s32 v21, v14;
	[tilespmem:v48+s7+$0x0] =	vst.idx.msk $0xffff, v56;
	v56 =	vld [tilespmem:$0x1FFA0]  }
0x3ef: {  	v50 =	vld [tilespmem:$0x1FE80];
	v6 =	vadd.s32 v27, v37  }
0x3f0: {  	v21 =	vld [tilespmem:$0x1FC80];
	[tilespmem:v35+s7+$0x0] =	vst.idx.msk $0xffff, v17  }
0x3f1: {  	v28 =	vld.idx.msk [tilespmem:v28+s2+$0x0], $0xffff;
	[tilespmem:v29+s7+$0x0] =	vst.idx.msk $0xffff, v3;
	v31 =	vadd.s32 v30, v15  }
0x3f2: {  	v17 =	vadd.s32 v24, v7;
	v0 =	vld.idx.msk [tilespmem:v59+s2+$0x0], $0xffff  }
0x3f3: {  	v55 =	vadd.s32 v17, v12;
	[tilespmem:v36+s7+$0x0] =	vst.idx.msk $0xffff, v19;
	v57 =	vld.idx.msk [tilespmem:v58+s2+$0x0], $0xffff;
	v45 =	vadd.s32 v56, v13  }
0x3f4: {  	v39 =	vadd.s32 v50, v8;
	v6 =	vld.idx.msk [tilespmem:v6+s2+$0x0], $0xffff;
	v58 =	vadd.s32 v45, v25  }
0x3f5: {  	v48 =	vadd.s32 v21, v9;
	[tilespmem:v23+s7+$0x0] =	vst.idx.msk $0xffff, v5;
	v23 =	vadd.s32 v21, v14;
	v21 =	vld [tilespmem:$0x1FC90]  }
0x3f6: {  	v29 =	vadd.s32 v39, v43;
	[tilespmem:v16+s7+$0x0] =	vst.idx.msk $0xffff, v1;
	v1 =	vld.idx.msk [tilespmem:v31+s2+$0x0], $0xffff  }
0x3f7: {  	v31 =	vadd.s32 v24, v10;
	v24 =	vld [tilespmem:$0x1FDC0];
	v19 =	vadd.s32 v56, v40  }
0x3f8: {  	v2 =	vld.idx.msk [tilespmem:v55+s2+$0x0], $0xffff;
	[tilespmem:v46+s7+$0x0] =	vst.idx.msk $0xffff, v60;
	v5 =	vadd.s32 v19, v26  }
0x3f9: {  	v59 =	vadd.s32 v48, v44;
	[tilespmem:v38+s7+$0x0] =	vst.idx.msk $0xffff, v28;
	v32 =	vld.idx.msk [tilespmem:v58+s2+$0x0], $0xffff  }
0x3fa: {  	v16 =	vadd.s32 v23, v37;
	[tilespmem:v47+s7+$0x0] =	vst.idx.msk $0xffff, v57;
	v57 =	vld [tilespmem:$0x1FF80]  }
0x3fb: {  	v29 =	vld.idx.msk [tilespmem:v29+s2+$0x0], $0xffff;
	v60 =	vadd.s32 v31, v15  }
0x3fc: {  	[tilespmem:v20+s7+$0x0] =	vst.idx.msk $0xffff, v0;
	v28 =	vadd.s32 v24, v7;
	v35 =	vadd.s32 v24, v10;
	v24 =	vld [tilespmem:$0x1FDD0]  }
0x3fd: {  	v38 =	vadd.s32 v51, v8;
	v41 =	vadd.s32 v28, v12;
	v5 =	vld.idx.msk [tilespmem:v5+s2+$0x0], $0xffff  }
0x3fe: {  	v20 =	vadd.s32 v38, v43;
	[tilespmem:v27+s7+$0x0] =	vst.idx.msk $0xffff, v6;
	v58 =	vld.idx.msk [tilespmem:v59+s2+$0x0], $0xffff  }
0x3ff: {  	v47 =	vadd.s32 v21, v9;
	v16 =	vld.idx.msk [tilespmem:v16+s2+$0x0], $0xffff;
	v46 =	vadd.s32 v57, v13  }
0x400: {  	[tilespmem:v30+s7+$0x0] =	vst.idx.msk $0xffff, v1;
	v30 =	vadd.s32 v21, v14;
	v21 =	vld [tilespmem:$0x1FCA0];
	v59 =	vadd.s32 v46, v25  }
0x401: {  	[tilespmem:v17+s7+$0x0] =	vst.idx.msk $0xffff, v2;
	v60 =	vld.idx.msk [tilespmem:v60+s2+$0x0], $0xffff;
	v6 =	vadd.s32 v57, v40  }
0x402: {  	v3 =	vld.idx.msk [tilespmem:v41+s2+$0x0], $0xffff;
	[tilespmem:v39+s7+$0x0] =	vst.idx.msk $0xffff, v29;
	v1 =	vadd.s32 v6, v26  }
0x403: {  	v27 =	vadd.s32 v47, v44;
	v17 =	vadd.s32 v30, v37;
	v20 =	vld.idx.msk [tilespmem:v20+s2+$0x0], $0xffff  }
0x404: {  	v29 =	vadd.s32 v24, v7;
	[tilespmem:v45+s7+$0x0] =	vst.idx.msk $0xffff, v32;
	v32 =	vadd.s32 v24, v10;
	v24 =	vld [tilespmem:$0x1FDE0]  }
0x405: {  	v36 =	vld.idx.msk [tilespmem:v59+s2+$0x0], $0xffff  }
0x406: {  	v57 =	vadd.s32 v35, v15;
	[tilespmem:v19+s7+$0x0] =	vst.idx.msk $0xffff, v5;
	v59 =	vld [tilespmem:$0x1FFB0]  }
0x407: {  	[tilespmem:v48+s7+$0x0] =	vst.idx.msk $0xffff, v58;
	v1 =	vld.idx.msk [tilespmem:v1+s2+$0x0], $0xffff  }
0x408: {  	v39 =	vadd.s32 v54, v8;
	[tilespmem:v23+s7+$0x0] =	vst.idx.msk $0xffff, v16;
	v5 =	vld.idx.msk [tilespmem:v27+s2+$0x0], $0xffff  }
0x409: {  	v19 =	vadd.s32 v39, v43;
	v58 =	vadd.s32 v29, v12;
	v17 =	vld.idx.msk [tilespmem:v17+s2+$0x0], $0xffff  }
0x40a: {  	v48 =	vadd.s32 v21, v9;
	[tilespmem:v31+s7+$0x0] =	vst.idx.msk $0xffff, v60;
	v31 =	vadd.s32 v21, v14;
	v21 =	vld [tilespmem:$0x1FCB0]  }
0x40b: {  	v41 =	vld.idx.msk [tilespmem:v57+s2+$0x0], $0xffff;
	v45 =	vadd.s32 v59, v13  }
0x40c: {  	v57 =	vld [tilespmem:$0x1FFD0];
	v16 =	vadd.s32 v59, v40;
	v27 =	vadd.s32 v45, v25  }
0x40d: {  	[tilespmem:v38+s7+$0x0] =	vst.idx.msk $0xffff, v20;
	v38 =	vadd.s32 v53, v8;
	v53 =	vld [tilespmem:$0x1FF10];
	v60 =	vadd.s32 v16, v26  }
0x40e: {  	v23 =	vadd.s32 v48, v44;
	[tilespmem:v28+s7+$0x0] =	vst.idx.msk $0xffff, v3;
	v19 =	vld.idx.msk [tilespmem:v19+s2+$0x0], $0xffff  }
0x40f: {  	v28 =	vadd.s32 v31, v37;
	v0 =	vld.idx.msk [tilespmem:v58+s2+$0x0], $0xffff  }
0x410: {  	v20 =	vadd.s32 v24, v7;
	[tilespmem:v46+s7+$0x0] =	vst.idx.msk $0xffff, v36;
	v36 =	vadd.s32 v24, v10;
	v24 =	vld [tilespmem:$0x1FDF0]  }
0x411: {  	v56 =	vadd.s32 v32, v15;
	[tilespmem:v6+s7+$0x0] =	vst.idx.msk $0xffff, v1;
	v27 =	vld.idx.msk [tilespmem:v27+s2+$0x0], $0xffff  }
0x412: {  	v6 =	vadd.s32 v38, v43;
	[tilespmem:v47+s7+$0x0] =	vst.idx.msk $0xffff, v5;
	v2 =	vld.idx.msk [tilespmem:v60+s2+$0x0], $0xffff  }
0x413: {  	v46 =	vadd.s32 v57, v13;
	v5 =	vadd.s32 v20, v12;
	[tilespmem:v30+s7+$0x0] =	vst.idx.msk $0xffff, v17;
	v58 =	vld.idx.msk [tilespmem:v23+s2+$0x0], $0xffff  }
0x414: {  	v59 =	vadd.s32 v21, v9;
	v17 =	vadd.s32 v57, v40;
	v23 =	vadd.s32 v46, v25;
	v28 =	vld.idx.msk [tilespmem:v28+s2+$0x0], $0xffff  }
0x415: {  	[tilespmem:v35+s7+$0x0] =	vst.idx.msk $0xffff, v41;
	v60 =	vadd.s32 v17, v26;
	v35 =	vadd.s32 v21, v14;
	v21 =	vld [tilespmem:$0x1FCC0]  }
0x416: {  	v30 =	vadd.s32 v59, v44;
	v33 =	vld.idx.msk [tilespmem:v56+s2+$0x0], $0xffff;
	[tilespmem:v39+s7+$0x0] =	vst.idx.msk $0xffff, v19  }
0x417: {  	[tilespmem:v29+s7+$0x0] =	vst.idx.msk $0xffff, v0;
	v29 =	vadd.s32 v35, v37;
	v6 =	vld.idx.msk [tilespmem:v6+s2+$0x0], $0xffff  }
0x418: {  	v5 =	vld.idx.msk [tilespmem:v5+s2+$0x0], $0xffff;
	[tilespmem:v45+s7+$0x0] =	vst.idx.msk $0xffff, v27;
	v27 =	vadd.s32 v36, v15  }
0x419: {  	v19 =	vadd.s32 v24, v7;
	[tilespmem:v16+s7+$0x0] =	vst.idx.msk $0xffff, v2;
	v23 =	vld.idx.msk [tilespmem:v23+s2+$0x0], $0xffff  }
0x41a: {  	v54 =	vadd.s32 v53, v13;
	[tilespmem:v48+s7+$0x0] =	vst.idx.msk $0xffff, v58;
	v48 =	vadd.s32 v19, v12;
	v3 =	vld.idx.msk [tilespmem:v60+s2+$0x0], $0xffff  }
0x41b: {  	[tilespmem:v31+s7+$0x0] =	vst.idx.msk $0xffff, v28;
	v55 =	vld.idx.msk [tilespmem:v30+s2+$0x0], $0xffff;
	v30 =	vadd.s32 v54, v25  }
0x41c: {  	v29 =	vld.idx.msk [tilespmem:v29+s2+$0x0], $0xffff;
	[tilespmem:v32+s7+$0x0] =	vst.idx.msk $0xffff, v33  }
0x41d: {  	v8 =	vadd.s32 v52, v8;
	v32 =	vadd.s32 v21, v14;
	[tilespmem:v20+s7+$0x0] =	vst.idx.msk $0xffff, v5;
	v5 =	vld.idx.msk [tilespmem:v27+s2+$0x0], $0xffff  }
0x41e: {  	v16 =	vadd.s32 v8, v43;
	v20 =	vadd.s32 v32, v37;
	v37 =	vadd.s32 v24, v10;
	v24 =	vld [tilespmem:$0x1FE00]  }
0x41f: {  	v31 =	vadd.s32 v53, v40;
	v1 =	vld.idx.msk [tilespmem:v48+s2+$0x0], $0xffff;
	[tilespmem:v46+s7+$0x0] =	vst.idx.msk $0xffff, v23  }
0x420: {  	v56 =	vadd.s32 v21, v9;
	v57 =	vadd.s32 v31, v26;
	v27 =	vld.idx.msk [tilespmem:v30+s2+$0x0], $0xffff  }
0x421: {  	v28 =	vadd.s32 v56, v44;
	[tilespmem:v59+s7+$0x0] =	vst.idx.msk $0xffff, v55;
	v59 =	vld [tilespmem:$0x1FEC0]  }
0x422: {  	v21 =	vld [tilespmem:$0x1FCD0];
	[tilespmem:v38+s7+$0x0] =	vst.idx.msk $0xffff, v6  }
0x423: {  	v16 =	vld.idx.msk [tilespmem:v16+s2+$0x0], $0xffff  }
0x424: {  	v23 =	vadd.s32 v37, v15;
	v48 =	vld [tilespmem:$0x1FE50];
	[tilespmem:v17+s7+$0x0] =	vst.idx.msk $0xffff, v3  }
0x425: {  	v0 =	vld.idx.msk [tilespmem:v57+s2+$0x0], $0xffff;
	v6 =	vadd.s32 v24, v7  }
0x426: {  	[tilespmem:v35+s7+$0x0] =	vst.idx.msk $0xffff, v29;
	v60 =	vld.idx.msk [tilespmem:v28+s2+$0x0], $0xffff;
	v58 =	vadd.s32 v6, v12;
	v38 =	vadd.s32 v59, v13  }
0x427: {  	v20 =	vld.idx.msk [tilespmem:v20+s2+$0x0], $0xffff;
	v17 =	vadd.s32 v38, v25  }
0x428: {  	v52 =	vadd.s32 v21, v9;
	[tilespmem:v36+s7+$0x0] =	vst.idx.msk $0xffff, v5;
	v36 =	vadd.s32 v21, v14;
	v21 =	vld [tilespmem:$0x1FCE0]  }
0x429: {  	v53 =	vld.idx.msk [tilespmem:v23+s2+$0x0], $0xffff  }
0x42a: {  	[tilespmem:v19+s7+$0x0] =	vst.idx.msk $0xffff, v1;
	v23 =	vadd.s32 v24, v10;
	v24 =	vld [tilespmem:$0x1FE10]  }
0x42b: {  	v28 =	vadd.s32 v49, v7;
	v2 =	vld.idx.msk [tilespmem:v58+s2+$0x0], $0xffff;
	[tilespmem:v54+s7+$0x0] =	vst.idx.msk $0xffff, v27  }
0x42c: {  	v30 =	vadd.s32 v48, v10;
	[tilespmem:v8+s7+$0x0] =	vst.idx.msk $0xffff, v16;
	v8 =	vmov v10;
	v10 =	vld.idx.msk [tilespmem:v17+s2+$0x0], $0xffff  }
0x42d: {  	v29 =	vadd.s32 v52, v11;
	v49 =	vadd.s32 v59, v40;
	[tilespmem:v56+s7+$0x0] =	vst.idx.msk $0xffff, v60;
	v56 =	vld [tilespmem:$0x1FED0]  }
0x42e: {  	v5 =	vadd.s32 v49, v26  }
0x42f: {  	v19 =	vadd.s32 v36, v42  }
0x430: {  	[tilespmem:v31+s7+$0x0] =	vst.idx.msk $0xffff, v0;
	v31 =	vld [tilespmem:$0x1FEA0];
	v42 =	vadd.s32 v21, v9;
	v45 =	vadd.s32 v21, v14  }
0x431: {  	v16 =	vadd.s32 v24, v7;
	v54 =	vadd.s32 v23, v15;
	v39 =	vadd.s32 v24, v8;
	v24 =	vld [tilespmem:$0x1FE20]  }
0x432: {  	v55 =	vadd.s32 v16, v12;
	v57 =	vld.idx.msk [tilespmem:v29+s2+$0x0], $0xffff;
	v29 =	vadd.s32 v50, v7;
	v17 =	vadd.s32 v56, v13  }
0x433: {  	v5 =	vld.idx.msk [tilespmem:v5+s2+$0x0], $0xffff;
	[tilespmem:v32+s7+$0x0] =	vst.idx.msk $0xffff, v20;
	v21 =	vadd.s32 v29, v12;
	v58 =	vadd.s32 v17, v25  }
0x434: {  	[tilespmem:$0x1FBB0] =	vst v21;
	v21 =	vld [tilespmem:$0x1FCF0];
	v20 =	vadd.s32 v56, v40  }
0x435: {  	v19 =	vld.idx.msk [tilespmem:v19+s2+$0x0], $0xffff;
	[tilespmem:v37+s7+$0x0] =	vst.idx.msk $0xffff, v53;
	v60 =	vadd.s32 v20, v26  }
0x436: {  	v59 =	vadd.s32 v42, v18;
	v37 =	vadd.s32 v48, v7;
	[tilespmem:v6+s7+$0x0] =	vst.idx.msk $0xffff, v2;
	v32 =	vld.idx.msk [tilespmem:v54+s2+$0x0], $0xffff  }
0x437: {  	v6 =	vadd.s32 v45, v4;
	v46 =	vadd.s32 v24, v7;
	v3 =	vld.idx.msk [tilespmem:v55+s2+$0x0], $0xffff;
	[tilespmem:v38+s7+$0x0] =	vst.idx.msk $0xffff, v10  }
0x438: {  	v10 =	vmov v14;
	v14 =	vld.idx.msk [tilespmem:v58+s2+$0x0], $0xffff;
	[tilespmem:v52+s7+$0x0] =	vst.idx.msk $0xffff, v57;
	v52 =	vadd.s32 v46, v12  }
0x439: {  	[tilespmem:v49+s7+$0x0] =	vst.idx.msk $0xffff, v5;
	v41 =	vadd.s32 v21, v9;
	v48 =	vadd.s32 v21, v10;
	v21 =	vld [tilespmem:$0x1FE40]  }
0x43a: {  	v1 =	vld.idx.msk [tilespmem:v60+s2+$0x0], $0xffff  }
0x43b: {  	v33 =	vadd.s32 v39, v15;
	v47 =	vadd.s32 v31, v13;
	[tilespmem:v36+s7+$0x0] =	vst.idx.msk $0xffff, v19;
	v5 =	vld.idx.msk [tilespmem:v59+s2+$0x0], $0xffff  }
0x43c: {  	v53 =	vadd.s32 v47, v25;
	v6 =	vld.idx.msk [tilespmem:v6+s2+$0x0], $0xffff;
	[tilespmem:v16+s7+$0x0] =	vst.idx.msk $0xffff, v3  }
0x43d: {  	v0 =	vld.idx.msk [tilespmem:v52+s2+$0x0], $0xffff  }
0x43e: {  	[tilespmem:v17+s7+$0x0] =	vst.idx.msk $0xffff, v14;
	v14 =	vld [tilespmem:$0x1FE30]  }
0x43f: {  	v56 =	vadd.s32 v31, v40;
	[tilespmem:v23+s7+$0x0] =	vst.idx.msk $0xffff, v32;
	v23 =	vld [tilespmem:$0x1FEE0]  }
0x440: {  	v2 =	vadd.s32 v56, v26;
	v60 =	vld.idx.msk [tilespmem:v33+s2+$0x0], $0xffff  }
0x441: {  	v35 =	vadd.s32 v30, v15;
	v27 =	vadd.s32 v51, v7;
	v16 =	vadd.s32 v48, v4;
	v54 =	vld.idx.msk [tilespmem:v53+s2+$0x0], $0xffff  }
0x442: {  	v44 =	vadd.s32 v24, v8;
	v19 =	vadd.s32 v41, v18;
	[tilespmem:v42+s7+$0x0] =	vst.idx.msk $0xffff, v5;
	v42 =	vld [tilespmem:$0x1FD00]  }
0x443: {  	s9 =	sadd.s32 $0x2, s9;
	v11 =	vadd.s32 v27, v12;
	v17 =	vadd.s32 v44, v15;
	v43 =	vadd.s32 v14, v7  }
0x444: {  	p0 =	slt.u32 s9, $0x1E;
	v36 =	vadd.s32 v28, v12;
	[tilespmem:v20+s7+$0x0] =	vst.idx.msk $0xffff, v1;
	v5 =	vadd.s32 v43, v12  }
.Ltmp0:
0x445: {  	v38 =	vadd.s32 v21, v8;
	v57 =	vadd.s32 v23, v13;
	v58 =	vld.idx.msk [tilespmem:v2+s2+$0x0], $0xffff;
	[tilespmem:v45+s7+$0x0] =	vst.idx.msk $0xffff, v6;
	(pc) =	sbr.rel @p0 .LBB2_2-.Ltmp0, $4  }
0x446: {  	v59 =	vadd.s32 v57, v25;
	v51 =	vld.idx.msk [tilespmem:v16+s2+$0x0], $0xffff;
	[tilespmem:v39+s7+$0x0] =	vst.idx.msk $0xffff, v60;
	v39 =	vadd.s32 v61, v7  }
0x447: {  	v24 =	vmov v4;
	v14 =	vmov v40;
	v40 =	vld.idx.msk [tilespmem:v19+s2+$0x0], $0xffff;
	[tilespmem:v46+s7+$0x0] =	vst.idx.msk $0xffff, v0;
	v49 =	vadd.s32 v42, v9  }
0x448: {  	v46 =	vld.idx.msk [tilespmem:v17+s2+$0x0], $0xffff;
	v55 =	vadd.s32 v23, v14;
	v50 =	vadd.s32 v42, v10;
	v42 =	vadd.s32 v21, v7  }
0x449: {  	s10 =	sadd.s32 $0x10, s10;
	v52 =	vadd.s32 v49, v18;
	v60 =	vadd.s32 v55, v26;
	v53 =	vadd.s32 v50, v4;
	v45 =	vld.idx.msk [tilespmem:v5+s2+$0x0], $0xffff  }
0x44a: {  	_ =	sdelay $0x3  }
0x44b: {  	[tilespmem:v47+s7+$0x0] =	vst.idx.msk $0xffff, v54  }
0x44c: {  	v0 =	vld.idx.msk [tilespmem:v59+s2+$0x0], $0xffff  }
0x44d: {  	v5 =	vld [tilespmem:$0x1FBD0];
	[tilespmem:v56+s7+$0x0] =	vst.idx.msk $0xffff, v58  }
0x44e: {  	v3 =	vld.idx.msk [tilespmem:v60+s2+$0x0], $0xffff;
	_ =	sdelay $0x3  }
0x44f: {  	v1 =	vadd.s32 v5, v13;
	[tilespmem:v57+s7+$0x0] =	vst.idx.msk $0xffff, v0  }
0x450: {  	v2 =	vadd.s32 v1, v25;
	[tilespmem:v55+s7+$0x0] =	vst.idx.msk $0xffff, v3  }
0x451: {  	v5 =	vadd.s32 v5, v14;
	v16 =	vld [tilespmem:$0x1FBE0]  }
0x452: {  	v6 =	vadd.s32 v5, v26;
	_ =	sdelay $0x2  }
0x453: {  	v0 =	vld.idx.msk [tilespmem:v2+s2+$0x0], $0xffff  }
0x454: {  	v2 =	vadd.s32 v16, v13  }
0x455: {  	v3 =	vld.idx.msk [tilespmem:v6+s2+$0x0], $0xffff;
	v6 =	vadd.s32 v2, v25;
	_ =	sdelay $0x2  }
0x456: {  	[tilespmem:v1+s7+$0x0] =	vst.idx.msk $0xffff, v0  }
0x457: {  	v19 =	vld [tilespmem:$0x1FBF0]  }
0x458: {  	v1 =	vld.idx.msk [tilespmem:v6+s2+$0x0], $0xffff  }
0x459: {  	v16 =	vadd.s32 v16, v14  }
0x45a: {  	v17 =	vadd.s32 v16, v26;
	_ =	sdelay $0x1  }
0x45b: {  	[tilespmem:v5+s7+$0x0] =	vst.idx.msk $0xffff, v3  }
0x45c: {  	v0 =	vadd.s32 v19, v13;
	[tilespmem:v2+s7+$0x0] =	vst.idx.msk $0xffff, v1  }
0x45d: {  	v3 =	vadd.s32 v19, v14;
	v5 =	vadd.s32 v0, v25;
	v19 =	vld [tilespmem:$0x1FC00]  }
0x45e: {  	v6 =	vld.idx.msk [tilespmem:v17+s2+$0x0], $0xffff;
	_ =	sdelay $0x3  }
0x45f: {  	v17 =	vadd.s32 v3, v26;
	v2 =	vld.idx.msk [tilespmem:v5+s2+$0x0], $0xffff;
	v1 =	vadd.s32 v19, v13  }
0x460: {  	[tilespmem:v16+s7+$0x0] =	vst.idx.msk $0xffff, v6;
	v6 =	vadd.s32 v1, v25;
	_ =	sdelay $0x3  }
0x461: {  	v5 =	vld.idx.msk [tilespmem:v17+s2+$0x0], $0xffff;
	[tilespmem:v0+s7+$0x0] =	vst.idx.msk $0xffff, v2  }
0x462: {  	v0 =	vld.idx.msk [tilespmem:v6+s2+$0x0], $0xffff  }
0x463: {  	v6 =	vld [tilespmem:$0x1FC10];
	_ =	sdelay $0x3  }
0x464: {  	v16 =	vadd.s32 v19, v14  }
0x465: {  	v17 =	vadd.s32 v16, v26;
	[tilespmem:v3+s7+$0x0] =	vst.idx.msk $0xffff, v5;
	v2 =	vadd.s32 v6, v13  }
0x466: {  	[tilespmem:v1+s7+$0x0] =	vst.idx.msk $0xffff, v0;
	v3 =	vadd.s32 v2, v25  }
0x467: {  	v19 =	vld [tilespmem:$0x1FC20];
	_ =	sdelay $0x2  }
0x468: {  	v5 =	vld.idx.msk [tilespmem:v17+s2+$0x0], $0xffff;
	v6 =	vadd.s32 v6, v14  }
0x469: {  	v17 =	vadd.s32 v6, v26;
	v0 =	vld.idx.msk [tilespmem:v3+s2+$0x0], $0xffff  }
0x46a: {  	v1 =	vadd.s32 v19, v13  }
0x46b: {  	v3 =	vadd.s32 v1, v25;
	_ =	sdelay $0x1  }
0x46c: {  	[tilespmem:v16+s7+$0x0] =	vst.idx.msk $0xffff, v5  }
0x46d: {  	v5 =	vld.idx.msk [tilespmem:v17+s2+$0x0], $0xffff;
	[tilespmem:v2+s7+$0x0] =	vst.idx.msk $0xffff, v0  }
0x46e: {  	v16 =	vadd.s32 v19, v14;
	v19 =	vld [tilespmem:$0x1FC30]  }
0x46f: {  	v0 =	vld.idx.msk [tilespmem:v3+s2+$0x0], $0xffff;
	_ =	sdelay $0x3  }
0x470: {  	v17 =	vadd.s32 v16, v26;
	[tilespmem:v6+s7+$0x0] =	vst.idx.msk $0xffff, v5;
	v2 =	vadd.s32 v19, v13  }
0x471: {  	[tilespmem:v1+s7+$0x0] =	vst.idx.msk $0xffff, v0;
	v3 =	vadd.s32 v2, v25  }
0x472: {  	v6 =	vadd.s32 v19, v14;
	v19 =	vld [tilespmem:$0x1FC40];
	_ =	sdelay $0x2  }
0x473: {  	v5 =	vld.idx.msk [tilespmem:v17+s2+$0x0], $0xffff  }
0x474: {  	v17 =	vadd.s32 v6, v26;
	v0 =	vld.idx.msk [tilespmem:v3+s2+$0x0], $0xffff  }
0x475: {  	v1 =	vadd.s32 v19, v13  }
0x476: {  	v3 =	vadd.s32 v1, v25;
	_ =	sdelay $0x1  }
0x477: {  	[tilespmem:v16+s7+$0x0] =	vst.idx.msk $0xffff, v5  }
0x478: {  	v5 =	vld.idx.msk [tilespmem:v17+s2+$0x0], $0xffff;
	[tilespmem:v2+s7+$0x0] =	vst.idx.msk $0xffff, v0  }
0x479: {  	v16 =	vadd.s32 v19, v14;
	v19 =	vld [tilespmem:$0x1FC50]  }
0x47a: {  	v0 =	vld.idx.msk [tilespmem:v3+s2+$0x0], $0xffff;
	_ =	sdelay $0x3  }
0x47b: {  	v17 =	vadd.s32 v16, v26;
	[tilespmem:v6+s7+$0x0] =	vst.idx.msk $0xffff, v5;
	v2 =	vadd.s32 v19, v13  }
0x47c: {  	[tilespmem:v1+s7+$0x0] =	vst.idx.msk $0xffff, v0;
	v3 =	vadd.s32 v2, v25  }
0x47d: {  	v6 =	vadd.s32 v19, v14;
	v19 =	vld [tilespmem:$0x1FC60];
	_ =	sdelay $0x2  }
0x47e: {  	v5 =	vld.idx.msk [tilespmem:v17+s2+$0x0], $0xffff  }
0x47f: {  	v17 =	vadd.s32 v6, v26;
	v0 =	vld.idx.msk [tilespmem:v3+s2+$0x0], $0xffff  }
0x480: {  	v1 =	vadd.s32 v19, v13  }
0x481: {  	v3 =	vadd.s32 v1, v25;
	_ =	sdelay $0x1  }
0x482: {  	[tilespmem:v16+s7+$0x0] =	vst.idx.msk $0xffff, v5  }
0x483: {  	v5 =	vld.idx.msk [tilespmem:v17+s2+$0x0], $0xffff;
	[tilespmem:v2+s7+$0x0] =	vst.idx.msk $0xffff, v0  }
0x484: {  	v16 =	vadd.s32 v19, v14;
	v19 =	vld [tilespmem:$0x1FC70]  }
0x485: {  	v0 =	vld.idx.msk [tilespmem:v3+s2+$0x0], $0xffff;
	_ =	sdelay $0x3  }
0x486: {  	v17 =	vadd.s32 v16, v26;
	[tilespmem:v6+s7+$0x0] =	vst.idx.msk $0xffff, v5;
	v2 =	vadd.s32 v19, v13  }
0x487: {  	[tilespmem:v1+s7+$0x0] =	vst.idx.msk $0xffff, v0;
	v3 =	vadd.s32 v2, v25  }
0x488: {  	v6 =	vadd.s32 v19, v14;
	v19 =	vld [tilespmem:$0x1FC80];
	_ =	sdelay $0x2  }
0x489: {  	v5 =	vld.idx.msk [tilespmem:v17+s2+$0x0], $0xffff  }
0x48a: {  	v17 =	vadd.s32 v6, v26;
	v0 =	vld.idx.msk [tilespmem:v3+s2+$0x0], $0xffff  }
0x48b: {  	v1 =	vadd.s32 v19, v13  }
0x48c: {  	v3 =	vadd.s32 v1, v25;
	_ =	sdelay $0x1  }
0x48d: {  	[tilespmem:v16+s7+$0x0] =	vst.idx.msk $0xffff, v5  }
0x48e: {  	v5 =	vld.idx.msk [tilespmem:v17+s2+$0x0], $0xffff;
	[tilespmem:v2+s7+$0x0] =	vst.idx.msk $0xffff, v0  }
0x48f: {  	v16 =	vadd.s32 v19, v14;
	v19 =	vld [tilespmem:$0x1FC90]  }
0x490: {  	v17 =	vadd.s32 v16, v26;
	v0 =	vld.idx.msk [tilespmem:v3+s2+$0x0], $0xffff;
	_ =	sdelay $0x3  }
0x491: {  	[tilespmem:v6+s7+$0x0] =	vst.idx.msk $0xffff, v5;
	v2 =	vadd.s32 v19, v13  }
0x492: {  	v5 =	vld.idx.msk [tilespmem:v17+s2+$0x0], $0xffff;
	[tilespmem:v1+s7+$0x0] =	vst.idx.msk $0xffff, v0;
	v3 =	vadd.s32 v2, v25  }
0x493: {  	v6 =	vadd.s32 v19, v14;
	v19 =	vld [tilespmem:$0x1FCA0]  }
0x494: {  	v17 =	vadd.s32 v6, v26;
	_ =	sdelay $0x2  }
0x495: {  	v0 =	vld.idx.msk [tilespmem:v3+s2+$0x0], $0xffff  }
0x496: {  	[tilespmem:v16+s7+$0x0] =	vst.idx.msk $0xffff, v5;
	v1 =	vadd.s32 v19, v13  }
0x497: {  	v5 =	vld.idx.msk [tilespmem:v17+s2+$0x0], $0xffff;
	v16 =	vadd.s32 v19, v14;
	v3 =	vadd.s32 v1, v25  }
0x498: {  	v17 =	vadd.s32 v16, v26;
	_ =	sdelay $0x1  }
0x499: {  	[tilespmem:v2+s7+$0x0] =	vst.idx.msk $0xffff, v0  }
0x49a: {  	v19 =	vld [tilespmem:$0x1FCB0]  }
0x49b: {  	v0 =	vld.idx.msk [tilespmem:v3+s2+$0x0], $0xffff;
	[tilespmem:v6+s7+$0x0] =	vst.idx.msk $0xffff, v5  }
0x49c: {  	v5 =	vld.idx.msk [tilespmem:v17+s2+$0x0], $0xffff;
	_ =	sdelay $0x2  }
0x49d: {  	v2 =	vadd.s32 v19, v13  }
0x49e: {  	v6 =	vadd.s32 v19, v14;
	[tilespmem:v1+s7+$0x0] =	vst.idx.msk $0xffff, v0;
	v3 =	vadd.s32 v2, v25  }
0x49f: {  	v17 =	vadd.s32 v6, v26;
	[tilespmem:v16+s7+$0x0] =	vst.idx.msk $0xffff, v5  }
0x4a0: {  	v16 =	vld [tilespmem:$0x1FCC0];
	_ =	sdelay $0x2  }
0x4a1: {  	v0 =	vld.idx.msk [tilespmem:v3+s2+$0x0], $0xffff  }
0x4a2: {  	v5 =	vld.idx.msk [tilespmem:v17+s2+$0x0], $0xffff  }
0x4a3: {  	v1 =	vadd.s32 v16, v13  }
0x4a4: {  	v16 =	vadd.s32 v16, v14;
	v3 =	vadd.s32 v1, v25  }
0x4a5: {  	v17 =	vadd.s32 v16, v26  }
0x4a6: {  	[tilespmem:v2+s7+$0x0] =	vst.idx.msk $0xffff, v0  }
0x4a7: {  	[tilespmem:v6+s7+$0x0] =	vst.idx.msk $0xffff, v5  }
0x4a8: {  	v6 =	vld [tilespmem:$0x1FCD0]  }
0x4a9: {  	v0 =	vld.idx.msk [tilespmem:v3+s2+$0x0], $0xffff  }
0x4aa: {  	v5 =	vld.idx.msk [tilespmem:v17+s2+$0x0], $0xffff  }
0x4ab: {  	v4 =	vld [tilespmem:$0x1FBA0];
	_ =	sdelay $0x1  }
0x4ac: {  	v2 =	vadd.s32 v6, v13  }
0x4ad: {  	v3 =	vadd.s32 v2, v34;
	[tilespmem:v1+s7+$0x0] =	vst.idx.msk $0xffff, v0  }
0x4ae: {  	v6 =	vadd.s32 v6, v14;
	v19 =	vld [tilespmem:$0x1FCE0];
	[tilespmem:v16+s7+$0x0] =	vst.idx.msk $0xffff, v5  }
0x4af: {  	v17 =	vadd.s32 v6, v4;
	v54 =	vld [tilespmem:$0x1FB90]  }
0x4b0: {  	v47 =	vld [tilespmem:$0x1FB50];
	_ =	sdelay $0x1  }
0x4b1: {  	v0 =	vld.idx.msk [tilespmem:v3+s2+$0x0], $0xffff  }
0x4b2: {  	v1 =	vadd.s32 v19, v13  }
0x4b3: {  	v5 =	vld.idx.msk [tilespmem:v17+s2+$0x0], $0xffff;
	v16 =	vadd.s32 v19, v14;
	v3 =	vadd.s32 v1, v54  }
0x4b4: {  	v17 =	vadd.s32 v16, v47;
	_ =	sdelay $0x1  }
0x4b5: {  	[tilespmem:v2+s7+$0x0] =	vst.idx.msk $0xffff, v0  }
0x4b6: {  	v19 =	vld [tilespmem:$0x1FCF0]  }
0x4b7: {  	[tilespmem:v6+s7+$0x0] =	vst.idx.msk $0xffff, v5;
	v0 =	vld.idx.msk [tilespmem:v3+s2+$0x0], $0xffff  }
0x4b8: {  	v5 =	vld.idx.msk [tilespmem:v17+s2+$0x0], $0xffff;
	_ =	sdelay $0x3  }
0x4b9: {  	v6 =	vadd.s32 v19, v14;
	[tilespmem:v1+s7+$0x0] =	vst.idx.msk $0xffff, v0  }
0x4ba: {  	v2 =	vadd.s32 v19, v13;
	v17 =	vadd.s32 v6, v47;
	v19 =	vld [tilespmem:$0x1FD00];
	[tilespmem:v16+s7+$0x0] =	vst.idx.msk $0xffff, v5  }
0x4bb: {  	v3 =	vadd.s32 v2, v54;
	[tilespmem:v41+s7+$0x0] =	vst.idx.msk $0xffff, v40  }
0x4bc: {  	v21 =	vld [tilespmem:$0x1FD10]  }
0x4bd: {  	v20 =	vld.idx.msk [tilespmem:v52+s2+$0x0], $0xffff;
	[tilespmem:v48+s7+$0x0] =	vst.idx.msk $0xffff, v51  }
0x4be: {  	v25 =	vld.idx.msk [tilespmem:v53+s2+$0x0], $0xffff  }
0x4bf: {  	v5 =	vld.idx.msk [tilespmem:v17+s2+$0x0], $0xffff;
	v16 =	vadd.s32 v19, v14  }
0x4c0: {  	v0 =	vld.idx.msk [tilespmem:v3+s2+$0x0], $0xffff;
	v17 =	vadd.s32 v16, v47  }
0x4c1: {  	v1 =	vadd.s32 v19, v13  }
0x4c2: {  	v3 =	vadd.s32 v1, v54;
	[tilespmem:v49+s7+$0x0] =	vst.idx.msk $0xffff, v20  }
0x4c3: {  	v19 =	vadd.s32 v21, v9;
	[tilespmem:v50+s7+$0x0] =	vst.idx.msk $0xffff, v25  }
0x4c4: {  	v23 =	vadd.s32 v19, v18;
	[tilespmem:v6+s7+$0x0] =	vst.idx.msk $0xffff, v5  }
0x4c5: {  	[tilespmem:v2+s7+$0x0] =	vst.idx.msk $0xffff, v0;
	v6 =	vld.idx.msk [tilespmem:v17+s2+$0x0], $0xffff  }
0x4c6: {  	v26 =	vadd.s32 v21, v10;
	v2 =	vadd.s32 v21, v13;
	v17 =	vadd.s32 v21, v14;
	v21 =	vld [tilespmem:$0x1FD20]  }
0x4c7: {  	v0 =	vadd.s32 v26, v24;
	v3 =	vld.idx.msk [tilespmem:v3+s2+$0x0], $0xffff;
	_ =	sdelay $0x1  }
0x4c8: {  	v5 =	vadd.s32 v2, v54;
	v20 =	vld.idx.msk [tilespmem:v23+s2+$0x0], $0xffff;
	_ =	sdelay $0x1  }
0x4c9: {  	v33 =	vadd.s32 v17, v47;
	v23 =	vadd.s32 v21, v9  }
0x4ca: {  	v0 =	vld.idx.msk [tilespmem:v0+s2+$0x0], $0xffff;
	v25 =	vadd.s32 v21, v10;
	[tilespmem:v1+s7+$0x0] =	vst.idx.msk $0xffff, v3;
	v55 =	vadd.s32 v23, v18  }
0x4cb: {  	[tilespmem:v16+s7+$0x0] =	vst.idx.msk $0xffff, v6;
	v1 =	vadd.s32 v25, v24  }
0x4cc: {  	v3 =	vld.idx.msk [tilespmem:v5+s2+$0x0], $0xffff;
	[tilespmem:v19+s7+$0x0] =	vst.idx.msk $0xffff, v20  }
0x4cd: {  	v6 =	vadd.s32 v21, v14;
	v5 =	vadd.s32 v21, v13;
	v21 =	vld [tilespmem:$0x1FD30]  }
0x4ce: {  	v33 =	vld.idx.msk [tilespmem:v33+s2+$0x0], $0xffff  }
0x4cf: {  	[tilespmem:v26+s7+$0x0] =	vst.idx.msk $0xffff, v0;
	v0 =	vld.idx.msk [tilespmem:v55+s2+$0x0], $0xffff  }
0x4d0: {  	v16 =	vadd.s32 v5, v54;
	v1 =	vld.idx.msk [tilespmem:v1+s2+$0x0], $0xffff;
	_ =	sdelay $0x1  }
0x4d1: {  	v56 =	vadd.s32 v6, v47;
	[tilespmem:v2+s7+$0x0] =	vst.idx.msk $0xffff, v3;
	v19 =	vadd.s32 v21, v9  }
0x4d2: {  	[tilespmem:v17+s7+$0x0] =	vst.idx.msk $0xffff, v33;
	v20 =	vadd.s32 v21, v10;
	v26 =	vadd.s32 v19, v18  }
0x4d3: {  	v2 =	vadd.s32 v20, v24;
	[tilespmem:v23+s7+$0x0] =	vst.idx.msk $0xffff, v0  }
0x4d4: {  	v16 =	vld.idx.msk [tilespmem:v16+s2+$0x0], $0xffff;
	[tilespmem:v25+s7+$0x0] =	vst.idx.msk $0xffff, v1  }
0x4d5: {  	v3 =	vadd.s32 v21, v13;
	v17 =	vadd.s32 v21, v14;
	v21 =	vld [tilespmem:$0x1FD40]  }
0x4d6: {  	v58 =	vld.idx.msk [tilespmem:v56+s2+$0x0], $0xffff  }
0x4d7: {  	v0 =	vld.idx.msk [tilespmem:v26+s2+$0x0], $0xffff  }
0x4d8: {  	v57 =	vadd.s32 v3, v54;
	v2 =	vld.idx.msk [tilespmem:v2+s2+$0x0], $0xffff;
	_ =	sdelay $0x1  }
0x4d9: {  	v59 =	vadd.s32 v17, v47;
	[tilespmem:v5+s7+$0x0] =	vst.idx.msk $0xffff, v16;
	v1 =	vadd.s32 v21, v9  }
0x4da: {  	[tilespmem:v6+s7+$0x0] =	vst.idx.msk $0xffff, v58;
	v23 =	vadd.s32 v1, v18  }
0x4db: {  	[tilespmem:v19+s7+$0x0] =	vst.idx.msk $0xffff, v0  }
0x4dc: {  	v16 =	vld.idx.msk [tilespmem:v57+s2+$0x0], $0xffff;
	[tilespmem:v20+s7+$0x0] =	vst.idx.msk $0xffff, v2  }
0x4dd: {  	v25 =	vadd.s32 v21, v10;
	v6 =	vadd.s32 v21, v13;
	v61 =	vadd.s32 v21, v14;
	v21 =	vld [tilespmem:$0x1FD50]  }
0x4de: {  	v26 =	vld.idx.msk [tilespmem:v59+s2+$0x0], $0xffff  }
0x4df: {  	v5 =	vadd.s32 v25, v24;
	v0 =	vld.idx.msk [tilespmem:v23+s2+$0x0], $0xffff;
	_ =	sdelay $0x1  }
0x4e0: {  	v60 =	vadd.s32 v6, v54  }
0x4e1: {  	v32 =	vadd.s32 v61, v47;
	[tilespmem:v3+s7+$0x0] =	vst.idx.msk $0xffff, v16;
	v2 =	vadd.s32 v21, v9  }
0x4e2: {  	[tilespmem:v17+s7+$0x0] =	vst.idx.msk $0xffff, v26;
	v19 =	vadd.s32 v2, v18  }
0x4e3: {  	v5 =	vld.idx.msk [tilespmem:v5+s2+$0x0], $0xffff;
	[tilespmem:v1+s7+$0x0] =	vst.idx.msk $0xffff, v0  }
0x4e4: {  	v20 =	vadd.s32 v21, v10;
	v17 =	vadd.s32 v21, v13;
	v48 =	vadd.s32 v21, v14;
	v21 =	vld [tilespmem:$0x1FD60]  }
0x4e5: {  	v16 =	vld.idx.msk [tilespmem:v60+s2+$0x0], $0xffff  }
0x4e6: {  	v26 =	vld.idx.msk [tilespmem:v32+s2+$0x0], $0xffff;
	v3 =	vadd.s32 v20, v24  }
0x4e7: {  	v23 =	vadd.s32 v17, v54;
	v1 =	vld.idx.msk [tilespmem:v19+s2+$0x0], $0xffff;
	_ =	sdelay $0x1  }
0x4e8: {  	v49 =	vadd.s32 v48, v47;
	[tilespmem:v25+s7+$0x0] =	vst.idx.msk $0xffff, v5;
	v0 =	vadd.s32 v21, v9  }
0x4e9: {  	[tilespmem:v6+s7+$0x0] =	vst.idx.msk $0xffff, v16;
	v5 =	vadd.s32 v0, v18  }
0x4ea: {  	[tilespmem:v61+s7+$0x0] =	vst.idx.msk $0xffff, v26;
	v3 =	vld.idx.msk [tilespmem:v3+s2+$0x0], $0xffff  }
0x4eb: {  	v23 =	vld.idx.msk [tilespmem:v23+s2+$0x0], $0xffff;
	[tilespmem:v2+s7+$0x0] =	vst.idx.msk $0xffff, v1  }
0x4ec: {  	v19 =	vadd.s32 v21, v10;
	v16 =	vadd.s32 v21, v13;
	v50 =	vadd.s32 v21, v14;
	v21 =	vld [tilespmem:$0x1FD70]  }
0x4ed: {  	v26 =	vld.idx.msk [tilespmem:v49+s2+$0x0], $0xffff  }
0x4ee: {  	v6 =	vadd.s32 v19, v24;
	v1 =	vld.idx.msk [tilespmem:v5+s2+$0x0], $0xffff;
	_ =	sdelay $0x1  }
0x4ef: {  	v25 =	vadd.s32 v16, v54;
	[tilespmem:v20+s7+$0x0] =	vst.idx.msk $0xffff, v3  }
0x4f0: {  	v51 =	vadd.s32 v50, v47;
	[tilespmem:v17+s7+$0x0] =	vst.idx.msk $0xffff, v23;
	v2 =	vadd.s32 v21, v9  }
0x4f1: {  	[tilespmem:v48+s7+$0x0] =	vst.idx.msk $0xffff, v26;
	v3 =	vadd.s32 v2, v18  }
0x4f2: {  	v5 =	vld.idx.msk [tilespmem:v6+s2+$0x0], $0xffff;
	[tilespmem:v0+s7+$0x0] =	vst.idx.msk $0xffff, v1  }
0x4f3: {  	v6 =	vadd.s32 v21, v10;
	v23 =	vadd.s32 v21, v13;
	v52 =	vadd.s32 v21, v14;
	v21 =	vld [tilespmem:$0x1FD80]  }
0x4f4: {  	v20 =	vld.idx.msk [tilespmem:v25+s2+$0x0], $0xffff  }
0x4f5: {  	v26 =	vld.idx.msk [tilespmem:v51+s2+$0x0], $0xffff;
	v17 =	vadd.s32 v6, v24  }
0x4f6: {  	v25 =	vadd.s32 v23, v54;
	v0 =	vld.idx.msk [tilespmem:v3+s2+$0x0], $0xffff;
	_ =	sdelay $0x1  }
0x4f7: {  	v53 =	vadd.s32 v52, v47;
	[tilespmem:v19+s7+$0x0] =	vst.idx.msk $0xffff, v5;
	v1 =	vadd.s32 v21, v9  }
0x4f8: {  	[tilespmem:v16+s7+$0x0] =	vst.idx.msk $0xffff, v20;
	v3 =	vadd.s32 v1, v18  }
0x4f9: {  	[tilespmem:v50+s7+$0x0] =	vst.idx.msk $0xffff, v26;
	v5 =	vld.idx.msk [tilespmem:v17+s2+$0x0], $0xffff  }
0x4fa: {  	v19 =	vld.idx.msk [tilespmem:v25+s2+$0x0], $0xffff;
	[tilespmem:v2+s7+$0x0] =	vst.idx.msk $0xffff, v0  }
0x4fb: {  	v17 =	vadd.s32 v21, v10;
	v20 =	vadd.s32 v21, v13;
	v55 =	vadd.s32 v21, v14;
	v21 =	vld [tilespmem:$0x1FD90]  }
0x4fc: {  	v26 =	vld.idx.msk [tilespmem:v53+s2+$0x0], $0xffff  }
0x4fd: {  	v16 =	vadd.s32 v17, v24;
	v0 =	vld.idx.msk [tilespmem:v3+s2+$0x0], $0xffff;
	_ =	sdelay $0x1  }
0x4fe: {  	v25 =	vadd.s32 v20, v54;
	[tilespmem:v6+s7+$0x0] =	vst.idx.msk $0xffff, v5  }
0x4ff: {  	v56 =	vadd.s32 v55, v47;
	[tilespmem:v23+s7+$0x0] =	vst.idx.msk $0xffff, v19;
	v2 =	vadd.s32 v21, v9  }
0x500: {  	[tilespmem:v52+s7+$0x0] =	vst.idx.msk $0xffff, v26;
	v3 =	vadd.s32 v2, v18  }
0x501: {  	v5 =	vld.idx.msk [tilespmem:v16+s2+$0x0], $0xffff;
	[tilespmem:v1+s7+$0x0] =	vst.idx.msk $0xffff, v0  }
0x502: {  	v6 =	vadd.s32 v21, v10;
	v23 =	vadd.s32 v21, v13;
	v57 =	vadd.s32 v21, v14;
	v21 =	vld [tilespmem:$0x1FDA0]  }
0x503: {  	v19 =	vld.idx.msk [tilespmem:v25+s2+$0x0], $0xffff  }
0x504: {  	v26 =	vld.idx.msk [tilespmem:v56+s2+$0x0], $0xffff;
	v16 =	vadd.s32 v6, v24  }
0x505: {  	v25 =	vadd.s32 v23, v54;
	v0 =	vld.idx.msk [tilespmem:v3+s2+$0x0], $0xffff;
	_ =	sdelay $0x1  }
0x506: {  	v58 =	vadd.s32 v57, v47;
	[tilespmem:v17+s7+$0x0] =	vst.idx.msk $0xffff, v5;
	v1 =	vadd.s32 v21, v9  }
0x507: {  	[tilespmem:v20+s7+$0x0] =	vst.idx.msk $0xffff, v19;
	v3 =	vadd.s32 v1, v18  }
0x508: {  	[tilespmem:v55+s7+$0x0] =	vst.idx.msk $0xffff, v26;
	v5 =	vld.idx.msk [tilespmem:v16+s2+$0x0], $0xffff  }
0x509: {  	v19 =	vld.idx.msk [tilespmem:v25+s2+$0x0], $0xffff;
	[tilespmem:v2+s7+$0x0] =	vst.idx.msk $0xffff, v0  }
0x50a: {  	v16 =	vadd.s32 v21, v10;
	v20 =	vadd.s32 v21, v13;
	v59 =	vadd.s32 v21, v14;
	v21 =	vld [tilespmem:$0x1FDB0]  }
0x50b: {  	v26 =	vld.idx.msk [tilespmem:v58+s2+$0x0], $0xffff  }
0x50c: {  	v17 =	vadd.s32 v16, v24;
	v0 =	vld.idx.msk [tilespmem:v3+s2+$0x0], $0xffff;
	_ =	sdelay $0x1  }
0x50d: {  	v25 =	vadd.s32 v20, v54;
	[tilespmem:v6+s7+$0x0] =	vst.idx.msk $0xffff, v5  }
0x50e: {  	v60 =	vadd.s32 v59, v47;
	[tilespmem:v23+s7+$0x0] =	vst.idx.msk $0xffff, v19;
	v2 =	vadd.s32 v21, v9  }
0x50f: {  	[tilespmem:v57+s7+$0x0] =	vst.idx.msk $0xffff, v26;
	v3 =	vadd.s32 v2, v18  }
0x510: {  	v5 =	vld.idx.msk [tilespmem:v17+s2+$0x0], $0xffff;
	[tilespmem:v1+s7+$0x0] =	vst.idx.msk $0xffff, v0  }
0x511: {  	v6 =	vadd.s32 v21, v10;
	v23 =	vadd.s32 v21, v13;
	v61 =	vadd.s32 v21, v14;
	v21 =	vld [tilespmem:$0x1FDC0]  }
0x512: {  	v19 =	vld.idx.msk [tilespmem:v25+s2+$0x0], $0xffff  }
0x513: {  	v26 =	vld.idx.msk [tilespmem:v60+s2+$0x0], $0xffff;
	v17 =	vadd.s32 v6, v24  }
0x514: {  	v25 =	vadd.s32 v23, v54;
	v0 =	vld.idx.msk [tilespmem:v3+s2+$0x0], $0xffff;
	_ =	sdelay $0x1  }
0x515: {  	v32 =	vadd.s32 v61, v47;
	[tilespmem:v16+s7+$0x0] =	vst.idx.msk $0xffff, v5;
	v1 =	vadd.s32 v21, v9  }
0x516: {  	[tilespmem:v20+s7+$0x0] =	vst.idx.msk $0xffff, v19;
	v3 =	vadd.s32 v1, v18  }
0x517: {  	[tilespmem:v59+s7+$0x0] =	vst.idx.msk $0xffff, v26;
	v5 =	vld.idx.msk [tilespmem:v17+s2+$0x0], $0xffff  }
0x518: {  	v19 =	vld.idx.msk [tilespmem:v25+s2+$0x0], $0xffff;
	[tilespmem:v2+s7+$0x0] =	vst.idx.msk $0xffff, v0  }
0x519: {  	v16 =	vadd.s32 v21, v10;
	v20 =	vadd.s32 v21, v13;
	v48 =	vadd.s32 v21, v14;
	v21 =	vld [tilespmem:$0x1FDD0]  }
0x51a: {  	v26 =	vld.idx.msk [tilespmem:v32+s2+$0x0], $0xffff  }
0x51b: {  	v17 =	vadd.s32 v16, v24;
	v0 =	vld.idx.msk [tilespmem:v3+s2+$0x0], $0xffff;
	_ =	sdelay $0x1  }
0x51c: {  	v25 =	vadd.s32 v20, v54;
	[tilespmem:v6+s7+$0x0] =	vst.idx.msk $0xffff, v5  }
0x51d: {  	v49 =	vadd.s32 v48, v47;
	[tilespmem:v23+s7+$0x0] =	vst.idx.msk $0xffff, v19;
	v2 =	vadd.s32 v21, v9  }
0x51e: {  	[tilespmem:v61+s7+$0x0] =	vst.idx.msk $0xffff, v26;
	v3 =	vadd.s32 v2, v18  }
0x51f: {  	v5 =	vld.idx.msk [tilespmem:v17+s2+$0x0], $0xffff;
	[tilespmem:v1+s7+$0x0] =	vst.idx.msk $0xffff, v0  }
0x520: {  	v6 =	vadd.s32 v21, v10;
	v23 =	vadd.s32 v21, v13;
	v50 =	vadd.s32 v21, v14;
	v21 =	vld [tilespmem:$0x1FDE0]  }
0x521: {  	v19 =	vld.idx.msk [tilespmem:v25+s2+$0x0], $0xffff  }
0x522: {  	v26 =	vld.idx.msk [tilespmem:v49+s2+$0x0], $0xffff;
	v17 =	vadd.s32 v6, v24  }
0x523: {  	v25 =	vadd.s32 v23, v54;
	v0 =	vld.idx.msk [tilespmem:v3+s2+$0x0], $0xffff;
	_ =	sdelay $0x1  }
0x524: {  	v51 =	vadd.s32 v50, v47;
	[tilespmem:v16+s7+$0x0] =	vst.idx.msk $0xffff, v5;
	v1 =	vadd.s32 v21, v9  }
0x525: {  	[tilespmem:v20+s7+$0x0] =	vst.idx.msk $0xffff, v19;
	v3 =	vadd.s32 v1, v18  }
0x526: {  	[tilespmem:v48+s7+$0x0] =	vst.idx.msk $0xffff, v26;
	v5 =	vld.idx.msk [tilespmem:v17+s2+$0x0], $0xffff  }
0x527: {  	v19 =	vld.idx.msk [tilespmem:v25+s2+$0x0], $0xffff;
	[tilespmem:v2+s7+$0x0] =	vst.idx.msk $0xffff, v0  }
0x528: {  	v16 =	vadd.s32 v21, v10;
	v20 =	vadd.s32 v21, v13;
	v52 =	vadd.s32 v21, v14;
	v21 =	vld [tilespmem:$0x1FDF0]  }
0x529: {  	v26 =	vld.idx.msk [tilespmem:v51+s2+$0x0], $0xffff  }
0x52a: {  	v17 =	vadd.s32 v16, v24;
	v0 =	vld.idx.msk [tilespmem:v3+s2+$0x0], $0xffff;
	_ =	sdelay $0x1  }
0x52b: {  	v25 =	vadd.s32 v20, v54;
	[tilespmem:v6+s7+$0x0] =	vst.idx.msk $0xffff, v5  }
0x52c: {  	v53 =	vadd.s32 v52, v47;
	[tilespmem:v23+s7+$0x0] =	vst.idx.msk $0xffff, v19;
	v2 =	vadd.s32 v21, v9  }
0x52d: {  	[tilespmem:v50+s7+$0x0] =	vst.idx.msk $0xffff, v26;
	v3 =	vadd.s32 v2, v18  }
0x52e: {  	v5 =	vld.idx.msk [tilespmem:v17+s2+$0x0], $0xffff;
	[tilespmem:v1+s7+$0x0] =	vst.idx.msk $0xffff, v0  }
0x52f: {  	v6 =	vadd.s32 v21, v10;
	v23 =	vadd.s32 v21, v13;
	v55 =	vadd.s32 v21, v14;
	v21 =	vld [tilespmem:$0x1FE00]  }
0x530: {  	v19 =	vld.idx.msk [tilespmem:v25+s2+$0x0], $0xffff  }
0x531: {  	v26 =	vld.idx.msk [tilespmem:v53+s2+$0x0], $0xffff;
	v17 =	vadd.s32 v6, v24  }
0x532: {  	v25 =	vadd.s32 v23, v54;
	v0 =	vld.idx.msk [tilespmem:v3+s2+$0x0], $0xffff;
	_ =	sdelay $0x1  }
0x533: {  	v56 =	vadd.s32 v55, v47;
	[tilespmem:v16+s7+$0x0] =	vst.idx.msk $0xffff, v5;
	v1 =	vadd.s32 v21, v9  }
0x534: {  	[tilespmem:v20+s7+$0x0] =	vst.idx.msk $0xffff, v19;
	v3 =	vadd.s32 v1, v18  }
0x535: {  	[tilespmem:v52+s7+$0x0] =	vst.idx.msk $0xffff, v26;
	v5 =	vld.idx.msk [tilespmem:v17+s2+$0x0], $0xffff  }
0x536: {  	v19 =	vld.idx.msk [tilespmem:v25+s2+$0x0], $0xffff;
	[tilespmem:v2+s7+$0x0] =	vst.idx.msk $0xffff, v0  }
0x537: {  	v16 =	vadd.s32 v21, v10;
	v20 =	vadd.s32 v21, v13;
	v57 =	vadd.s32 v21, v14;
	v21 =	vld [tilespmem:$0x1FE10]  }
0x538: {  	v26 =	vld.idx.msk [tilespmem:v56+s2+$0x0], $0xffff;
	v17 =	vadd.s32 v16, v24  }
0x539: {  	v0 =	vld.idx.msk [tilespmem:v3+s2+$0x0], $0xffff;
	_ =	sdelay $0x1  }
0x53a: {  	v25 =	vadd.s32 v20, v54;
	[tilespmem:v6+s7+$0x0] =	vst.idx.msk $0xffff, v5  }
0x53b: {  	v58 =	vadd.s32 v57, v47;
	[tilespmem:v23+s7+$0x0] =	vst.idx.msk $0xffff, v19;
	v2 =	vadd.s32 v21, v9  }
0x53c: {  	[tilespmem:v55+s7+$0x0] =	vst.idx.msk $0xffff, v26;
	v5 =	vld.idx.msk [tilespmem:v17+s2+$0x0], $0xffff;
	v6 =	vadd.s32 v21, v10;
	v3 =	vadd.s32 v2, v18  }
0x53d: {  	v17 =	vadd.s32 v6, v24;
	[tilespmem:v1+s7+$0x0] =	vst.idx.msk $0xffff, v0  }
0x53e: {  	v23 =	vadd.s32 v21, v13;
	v59 =	vadd.s32 v21, v14;
	v21 =	vld [tilespmem:$0x1FE20]  }
0x53f: {  	v19 =	vld.idx.msk [tilespmem:v25+s2+$0x0], $0xffff  }
0x540: {  	v26 =	vld.idx.msk [tilespmem:v58+s2+$0x0], $0xffff;
	v25 =	vadd.s32 v23, v54  }
0x541: {  	v60 =	vadd.s32 v59, v47;
	[tilespmem:v16+s7+$0x0] =	vst.idx.msk $0xffff, v5;
	v0 =	vld.idx.msk [tilespmem:v3+s2+$0x0], $0xffff  }
0x542: {  	v5 =	vld.idx.msk [tilespmem:v17+s2+$0x0], $0xffff  }
0x543: {  	v1 =	vadd.s32 v21, v9  }
0x544: {  	[tilespmem:v20+s7+$0x0] =	vst.idx.msk $0xffff, v19;
	v16 =	vadd.s32 v21, v10;
	v3 =	vadd.s32 v1, v18  }
0x545: {  	[tilespmem:v57+s7+$0x0] =	vst.idx.msk $0xffff, v26;
	v19 =	vld.idx.msk [tilespmem:v25+s2+$0x0], $0xffff;
	v20 =	vadd.s32 v21, v13;
	v17 =	vadd.s32 v16, v24  }
0x546: {  	v26 =	vld.idx.msk [tilespmem:v60+s2+$0x0], $0xffff;
	v61 =	vadd.s32 v21, v14;
	v25 =	vadd.s32 v20, v54;
	[tilespmem:v2+s7+$0x0] =	vst.idx.msk $0xffff, v0  }
0x547: {  	v32 =	vadd.s32 v61, v47;
	[tilespmem:v6+s7+$0x0] =	vst.idx.msk $0xffff, v5  }
0x548: {  	v21 =	vld [tilespmem:$0x1FE30]  }
0x549: {  	v0 =	vld.idx.msk [tilespmem:v3+s2+$0x0], $0xffff  }
0x54a: {  	[tilespmem:v23+s7+$0x0] =	vst.idx.msk $0xffff, v19;
	v5 =	vld.idx.msk [tilespmem:v17+s2+$0x0], $0xffff  }
0x54b: {  	[tilespmem:v59+s7+$0x0] =	vst.idx.msk $0xffff, v26;
	v6 =	vld.idx.msk [tilespmem:v25+s2+$0x0], $0xffff  }
0x54c: {  	v23 =	vld.idx.msk [tilespmem:v32+s2+$0x0], $0xffff  }
0x54d: {  	[tilespmem:v44+s7+$0x0] =	vst.idx.msk $0xffff, v46  }
0x54e: {  	[tilespmem:v1+s7+$0x0] =	vst.idx.msk $0xffff, v0  }
0x54f: {  	v2 =	vadd.s32 v21, v9;
	v1 =	vld.idx.msk [tilespmem:v22+s2+$0x0], $0xffff;
	[tilespmem:v16+s7+$0x0] =	vst.idx.msk $0xffff, v5  }
0x550: {  	v17 =	vadd.s32 v21, v13;
	v3 =	vadd.s32 v2, v18;
	v21 =	vld [tilespmem:$0x1FE40];
	[tilespmem:v20+s7+$0x0] =	vst.idx.msk $0xffff, v6  }
0x551: {  	v22 =	vld [tilespmem:$0x1FB40];
	[tilespmem:v61+s7+$0x0] =	vst.idx.msk $0xffff, v23  }
0x552: {  	[tilespmem:v43+s7+$0x0] =	vst.idx.msk $0xffff, v45  }
0x553: {  	v4 =	vld [tilespmem:$0x1FB20];
	_ =	sdelay $0x1  }
0x554: {  	v3 =	vld.idx.msk [tilespmem:v3+s2+$0x0], $0xffff;
	_ =	sdelay $0x3  }
0x555: {  	v16 =	vadd.s32 v21, v9;
	v6 =	vadd.s32 v21, v10  }
0x556: {  	v25 =	vadd.s32 v21, v13;
	v26 =	vadd.s32 v21, v14;
	v21 =	vld [tilespmem:$0x1FB70];
	[tilespmem:v2+s7+$0x0] =	vst.idx.msk $0xffff, v3  }
0x557: {  	v19 =	vadd.s32 v17, v54;
	[tilespmem:v4+s7+$0x0] =	vst.idx.msk $0xffff, v1  }
0x558: {  	v4 =	vld [tilespmem:$0x1FB30];
	_ =	sdelay $0x1  }
0x559: {  	v0 =	vadd.s32 v42, v12  }
0x55a: {  	v22 =	vld.idx.msk [tilespmem:v22+s2+$0x0], $0xffff  }
0x55b: {  	v19 =	vld.idx.msk [tilespmem:v19+s2+$0x0], $0xffff;
	_ =	sdelay $0x1  }
0x55c: {  	v5 =	vadd.s32 v38, v15  }
0x55d: {  	v0 =	vld.idx.msk [tilespmem:v0+s2+$0x0], $0xffff;
	v20 =	vadd.s32 v16, v18  }
0x55e: {  	v41 =	vmov v24;
	v23 =	vadd.s32 v6, v24;
	v24 =	vld.idx.msk [tilespmem:v21+s2+$0x0], $0xffff;
	[tilespmem:v4+s7+$0x0] =	vst.idx.msk $0xffff, v22  }
0x55f: {  	v32 =	vld [tilespmem:$0x1FE50];
	[tilespmem:v17+s7+$0x0] =	vst.idx.msk $0xffff, v19  }
0x560: {  	v21 =	vld [tilespmem:$0x1FB60]  }
0x561: {  	v45 =	vadd.s32 v25, v54;
	v3 =	vld.idx.msk [tilespmem:v5+s2+$0x0], $0xffff  }
0x562: {  	v2 =	vadd.s32 v37, v12;
	v5 =	vld.idx.msk [tilespmem:v20+s2+$0x0], $0xffff;
	_ =	sdelay $0x1  }
0x563: {  	v1 =	vadd.s32 v26, v47  }
0x564: {  	v20 =	vld.idx.msk [tilespmem:v23+s2+$0x0], $0xffff;
	[tilespmem:v42+s7+$0x0] =	vst.idx.msk $0xffff, v0;
	v4 =	vadd.s32 v32, v9  }
0x565: {  	v23 =	vld.idx.msk [tilespmem:v45+s2+$0x0], $0xffff;
	[tilespmem:v38+s7+$0x0] =	vst.idx.msk $0xffff, v3;
	v19 =	vadd.s32 v4, v18  }
0x566: {  	[tilespmem:v16+s7+$0x0] =	vst.idx.msk $0xffff, v5;
	v2 =	vld.idx.msk [tilespmem:v2+s2+$0x0], $0xffff  }
0x567: {  	v16 =	vld.idx.msk [tilespmem:v35+s2+$0x0], $0xffff;
	[tilespmem:v21+s7+$0x0] =	vst.idx.msk $0xffff, v24  }
0x568: {  	v1 =	vld.idx.msk [tilespmem:v1+s2+$0x0], $0xffff  }
0x569: {  	v46 =	vld [tilespmem:$0x1FE60]  }
0x56a: {  	[tilespmem:v6+s7+$0x0] =	vst.idx.msk $0xffff, v20;
	v19 =	vld.idx.msk [tilespmem:v19+s2+$0x0], $0xffff  }
0x56b: {  	v17 =	vadd.s32 v32, v10;
	[tilespmem:v25+s7+$0x0] =	vst.idx.msk $0xffff, v23  }
0x56c: {  	v22 =	vadd.s32 v32, v13;
	v21 =	vadd.s32 v17, v41;
	[tilespmem:v37+s7+$0x0] =	vst.idx.msk $0xffff, v2  }
0x56d: {  	v0 =	vadd.s32 v32, v14;
	v24 =	vadd.s32 v22, v54;
	[tilespmem:v30+s7+$0x0] =	vst.idx.msk $0xffff, v16  }
0x56e: {  	v3 =	vadd.s32 v0, v47;
	[tilespmem:v26+s7+$0x0] =	vst.idx.msk $0xffff, v1  }
0x56f: {  	v5 =	vadd.s32 v39, v12;
	v48 =	vadd.s32 v46, v8;
	[tilespmem:v4+s7+$0x0] =	vst.idx.msk $0xffff, v19  }
0x570: {  	v20 =	vadd.s32 v46, v9;
	v6 =	vadd.s32 v48, v15;
	v30 =	vld [tilespmem:$0x1FE70]  }
0x571: {  	v21 =	vld.idx.msk [tilespmem:v21+s2+$0x0], $0xffff;
	v25 =	vadd.s32 v46, v10;
	v23 =	vadd.s32 v20, v18  }
0x572: {  	v24 =	vld.idx.msk [tilespmem:v24+s2+$0x0], $0xffff;
	v26 =	vadd.s32 v46, v13;
	v1 =	vadd.s32 v25, v41  }
0x573: {  	v49 =	vadd.s32 v46, v14;
	v2 =	vadd.s32 v26, v54;
	v3 =	vld.idx.msk [tilespmem:v3+s2+$0x0], $0xffff  }
0x574: {  	v5 =	vld.idx.msk [tilespmem:v5+s2+$0x0], $0xffff;
	v16 =	vadd.s32 v49, v47  }
0x575: {  	v4 =	vld.idx.msk [tilespmem:v6+s2+$0x0], $0xffff;
	v6 =	vadd.s32 v30, v8  }
0x576: {  	[tilespmem:v17+s7+$0x0] =	vst.idx.msk $0xffff, v21;
	v21 =	vld.idx.msk [tilespmem:v23+s2+$0x0], $0xffff;
	v17 =	vadd.s32 v6, v15  }
0x577: {  	[tilespmem:v22+s7+$0x0] =	vst.idx.msk $0xffff, v24;
	v1 =	vld.idx.msk [tilespmem:v1+s2+$0x0], $0xffff  }
0x578: {  	[tilespmem:v0+s7+$0x0] =	vst.idx.msk $0xffff, v3;
	v2 =	vld.idx.msk [tilespmem:v2+s2+$0x0], $0xffff  }
0x579: {  	[tilespmem:v39+s7+$0x0] =	vst.idx.msk $0xffff, v5;
	v16 =	vld.idx.msk [tilespmem:v16+s2+$0x0], $0xffff  }
0x57a: {  	v19 =	vadd.s32 v30, v9;
	[tilespmem:v48+s7+$0x0] =	vst.idx.msk $0xffff, v4;
	v4 =	vld.idx.msk [tilespmem:v36+s2+$0x0], $0xffff  }
0x57b: {  	v22 =	vadd.s32 v19, v18;
	[tilespmem:v20+s7+$0x0] =	vst.idx.msk $0xffff, v21;
	v17 =	vld.idx.msk [tilespmem:v17+s2+$0x0], $0xffff  }
0x57c: {  	v50 =	vld [tilespmem:$0x1FE80];
	[tilespmem:v25+s7+$0x0] =	vst.idx.msk $0xffff, v1  }
0x57d: {  	[tilespmem:v26+s7+$0x0] =	vst.idx.msk $0xffff, v2  }
0x57e: {  	v23 =	vadd.s32 v30, v10;
	[tilespmem:v49+s7+$0x0] =	vst.idx.msk $0xffff, v16  }
0x57f: {  	v3 =	vadd.s32 v30, v13;
	v0 =	vadd.s32 v23, v41;
	[tilespmem:v28+s7+$0x0] =	vst.idx.msk $0xffff, v4  }
0x580: {  	v24 =	vadd.s32 v30, v14;
	v5 =	vadd.s32 v3, v54;
	v22 =	vld.idx.msk [tilespmem:v22+s2+$0x0], $0xffff;
	[tilespmem:v6+s7+$0x0] =	vst.idx.msk $0xffff, v17  }
0x581: {  	v30 =	vadd.s32 v24, v47;
	v6 =	vld [tilespmem:$0x1FBB0]  }
0x582: {  	v20 =	vadd.s32 v50, v8  }
0x583: {  	v1 =	vadd.s32 v20, v15  }
0x584: {  	v0 =	vld.idx.msk [tilespmem:v0+s2+$0x0], $0xffff  }
0x585: {  	v5 =	vld.idx.msk [tilespmem:v5+s2+$0x0], $0xffff  }
0x586: {  	v28 =	vld.idx.msk [tilespmem:v30+s2+$0x0], $0xffff;
	[tilespmem:v19+s7+$0x0] =	vst.idx.msk $0xffff, v22  }
0x587: {  	v21 =	vadd.s32 v50, v9;
	v51 =	vld [tilespmem:$0x1FE90]  }
0x588: {  	v25 =	vadd.s32 v50, v10;
	v2 =	vadd.s32 v21, v18;
	v1 =	vld.idx.msk [tilespmem:v1+s2+$0x0], $0xffff  }
0x589: {  	v16 =	vadd.s32 v25, v41;
	v6 =	vld.idx.msk [tilespmem:v6+s2+$0x0], $0xffff  }
0x58a: {  	v26 =	vadd.s32 v50, v13;
	[tilespmem:v23+s7+$0x0] =	vst.idx.msk $0xffff, v0  }
0x58b: {  	v30 =	vadd.s32 v50, v14;
	v4 =	vadd.s32 v26, v54;
	[tilespmem:v3+s7+$0x0] =	vst.idx.msk $0xffff, v5  }
0x58c: {  	v17 =	vadd.s32 v30, v47;
	[tilespmem:v24+s7+$0x0] =	vst.idx.msk $0xffff, v28;
	v19 =	vadd.s32 v51, v8  }
0x58d: {  	v2 =	vld.idx.msk [tilespmem:v2+s2+$0x0], $0xffff;
	v0 =	vadd.s32 v19, v15;
	[tilespmem:v20+s7+$0x0] =	vst.idx.msk $0xffff, v1  }
0x58e: {  	v5 =	vld.idx.msk [tilespmem:v16+s2+$0x0], $0xffff;
	[tilespmem:v29+s7+$0x0] =	vst.idx.msk $0xffff, v6  }
0x58f: {  	v22 =	vadd.s32 v51, v9;
	v52 =	vld [tilespmem:$0x1FEF0]  }
0x590: {  	v4 =	vld.idx.msk [tilespmem:v4+s2+$0x0], $0xffff;
	v16 =	vadd.s32 v51, v10;
	v3 =	vadd.s32 v22, v18  }
0x591: {  	v17 =	vld.idx.msk [tilespmem:v17+s2+$0x0], $0xffff;
	v28 =	vadd.s32 v51, v14;
	v23 =	vadd.s32 v16, v41  }
0x592: {  	v24 =	vadd.s32 v51, v13;
	v20 =	vadd.s32 v28, v47;
	v0 =	vld.idx.msk [tilespmem:v0+s2+$0x0], $0xffff  }
0x593: {  	v6 =	vadd.s32 v24, v54;
	v29 =	vld.idx.msk [tilespmem:v11+s2+$0x0], $0xffff;
	[tilespmem:v21+s7+$0x0] =	vst.idx.msk $0xffff, v2  }
0x594: {  	[tilespmem:v25+s7+$0x0] =	vst.idx.msk $0xffff, v5;
	v1 =	vadd.s32 v52, v7  }
0x595: {  	[tilespmem:v26+s7+$0x0] =	vst.idx.msk $0xffff, v4;
	v3 =	vld.idx.msk [tilespmem:v3+s2+$0x0], $0xffff;
	v21 =	vadd.s32 v52, v8;
	v2 =	vadd.s32 v1, v12  }
0x596: {  	[tilespmem:v30+s7+$0x0] =	vst.idx.msk $0xffff, v17;
	v23 =	vld.idx.msk [tilespmem:v23+s2+$0x0], $0xffff;
	v5 =	vadd.s32 v21, v15  }
0x597: {  	v20 =	vld.idx.msk [tilespmem:v20+s2+$0x0], $0xffff;
	[tilespmem:v19+s7+$0x0] =	vst.idx.msk $0xffff, v0  }
0x598: {  	v6 =	vld.idx.msk [tilespmem:v6+s2+$0x0], $0xffff;
	[tilespmem:v27+s7+$0x0] =	vst.idx.msk $0xffff, v29  }
0x599: {  	v33 =	vld [tilespmem:$0x1FF00]  }
0x59a: {  	v2 =	vld.idx.msk [tilespmem:v2+s2+$0x0], $0xffff  }
0x59b: {  	[tilespmem:v22+s7+$0x0] =	vst.idx.msk $0xffff, v3;
	v5 =	vld.idx.msk [tilespmem:v5+s2+$0x0], $0xffff  }
0x59c: {  	v25 =	vadd.s32 v52, v9;
	[tilespmem:v16+s7+$0x0] =	vst.idx.msk $0xffff, v23  }
0x59d: {  	v26 =	vadd.s32 v52, v10;
	v4 =	vadd.s32 v25, v18;
	[tilespmem:v28+s7+$0x0] =	vst.idx.msk $0xffff, v20  }
0x59e: {  	v30 =	vadd.s32 v52, v13;
	v17 =	vadd.s32 v26, v41;
	[tilespmem:v24+s7+$0x0] =	vst.idx.msk $0xffff, v6  }
0x59f: {  	v29 =	vadd.s32 v52, v14;
	v27 =	vadd.s32 v30, v54;
	[tilespmem:v1+s7+$0x0] =	vst.idx.msk $0xffff, v2  }
0x5a0: {  	v19 =	vadd.s32 v29, v47;
	v0 =	vadd.s32 v33, v7;
	[tilespmem:v21+s7+$0x0] =	vst.idx.msk $0xffff, v5  }
0x5a1: {  	v22 =	vadd.s32 v33, v8;
	v3 =	vadd.s32 v0, v12;
	v21 =	vld [tilespmem:$0x1FEB0]  }
0x5a2: {  	v4 =	vld.idx.msk [tilespmem:v4+s2+$0x0], $0xffff;
	v23 =	vadd.s32 v33, v9;
	v16 =	vadd.s32 v22, v15  }
0x5a3: {  	v17 =	vld.idx.msk [tilespmem:v17+s2+$0x0], $0xffff;
	v24 =	vadd.s32 v33, v10;
	v6 =	vadd.s32 v23, v18  }
0x5a4: {  	v27 =	vld.idx.msk [tilespmem:v27+s2+$0x0], $0xffff;
	v28 =	vadd.s32 v33, v13;
	v20 =	vadd.s32 v24, v41  }
0x5a5: {  	v1 =	vadd.s32 v28, v54;
	v2 =	vld.idx.msk [tilespmem:v19+s2+$0x0], $0xffff;
	v19 =	vadd.s32 v33, v14  }
0x5a6: {  	v3 =	vld.idx.msk [tilespmem:v3+s2+$0x0], $0xffff;
	v5 =	vadd.s32 v21, v7;
	v7 =	vadd.s32 v19, v47  }
0x5a7: {  	[tilespmem:v25+s7+$0x0] =	vst.idx.msk $0xffff, v4;
	v53 =	vld.idx.msk [tilespmem:v16+s2+$0x0], $0xffff;
	v55 =	vadd.s32 v21, v8;
	v4 =	vadd.s32 v5, v12  }
0x5a8: {  	[tilespmem:v26+s7+$0x0] =	vst.idx.msk $0xffff, v17;
	v6 =	vld.idx.msk [tilespmem:v6+s2+$0x0], $0xffff;
	v57 =	vadd.s32 v21, v9;
	v56 =	vadd.s32 v55, v15  }
0x5a9: {  	[tilespmem:v30+s7+$0x0] =	vst.idx.msk $0xffff, v27;
	v17 =	vld.idx.msk [tilespmem:v20+s2+$0x0], $0xffff;
	v58 =	vadd.s32 v21, v10;
	v16 =	vadd.s32 v57, v18  }
0x5aa: {  	[tilespmem:v29+s7+$0x0] =	vst.idx.msk $0xffff, v2;
	v1 =	vld.idx.msk [tilespmem:v1+s2+$0x0], $0xffff;
	v59 =	vadd.s32 v21, v13;
	v2 =	vadd.s32 v58, v41  }
0x5ab: {  	[tilespmem:v0+s7+$0x0] =	vst.idx.msk $0xffff, v3;
	v0 =	vadd.s32 v59, v54;
	v3 =	vld.idx.msk [tilespmem:v7+s2+$0x0], $0xffff;
	v7 =	vadd.s32 v21, v14  }
0x5ac: {  	[tilespmem:v22+s7+$0x0] =	vst.idx.msk $0xffff, v53;
	v4 =	vld.idx.msk [tilespmem:v4+s2+$0x0], $0xffff;
	v60 =	vadd.s32 v7, v47  }
0x5ad: {  	[tilespmem:v23+s7+$0x0] =	vst.idx.msk $0xffff, v6;
	v6 =	vld.idx.msk [tilespmem:v56+s2+$0x0], $0xffff  }
0x5ae: {  	[tilespmem:v24+s7+$0x0] =	vst.idx.msk $0xffff, v17;
	v61 =	vld.idx.msk [tilespmem:v16+s2+$0x0], $0xffff  }
0x5af: {  	[tilespmem:v28+s7+$0x0] =	vst.idx.msk $0xffff, v1;
	v1 =	vld.idx.msk [tilespmem:v2+s2+$0x0], $0xffff  }
0x5b0: {  	v0 =	vld.idx.msk [tilespmem:v0+s2+$0x0], $0xffff;
	[tilespmem:v19+s7+$0x0] =	vst.idx.msk $0xffff, v3  }
0x5b1: {  	[tilespmem:v5+s7+$0x0] =	vst.idx.msk $0xffff, v4;
	v2 =	vld.idx.msk [tilespmem:v60+s2+$0x0], $0xffff  }
0x5b2: {  	[tilespmem:v55+s7+$0x0] =	vst.idx.msk $0xffff, v6  }
0x5b3: {  	[tilespmem:v57+s7+$0x0] =	vst.idx.msk $0xffff, v61  }
0x5b4: {  	[tilespmem:v58+s7+$0x0] =	vst.idx.msk $0xffff, v1  }
0x5b5: {  	[tilespmem:v59+s7+$0x0] =	vst.idx.msk $0xffff, v0  }
0x5b6: {  	[tilespmem:v7+s7+$0x0] =	vst.idx.msk $0xffff, v2  }
0x5b7: {  	[hbm4b:s4+s2] =	stream.linear.scatter [tilespmem:s7], [sflag:$0x1], $0x8200, $0x38;
	[tilespmem:$0x10400] =	vst v63  }
0x5b8: {  	_ =	swait.ge [sflag:s6], $0x8200  }
0x5b9: {  	v5 =	vld [tilespmem:$0x1FFE0]  }
0x5ba: {  	v53 =	vld [tilespmem:$0x1FFF0]  }
0x5bb: {  	v18 =	vld [tilespmem:$0x1FF50]  }
0x5bc: {  	v20 =	vld [tilespmem:$0x1FF60]  }
0x5bd: {  	v24 =	vld [tilespmem:$0x1FF70]  }
0x5be: {  	v23 =	vld [tilespmem:$0x1FF90]  }
0x5bf: {  	v19 =	vld [tilespmem:$0x1FFC0]  }
0x5c0: {  	v28 =	vld [tilespmem:$0x1FFA0]  }
0x5c1: {  	v29 =	vld [tilespmem:$0x1FF80]  }
0x5c2: {  	v27 =	vld [tilespmem:$0x1FFB0]  }
0x5c3: {  	v30 =	vld [tilespmem:$0x1FFD0]  }
0x5c4: {  	s8 =	sadd.s32 $0x1, s8;
	v4 =	vld [tilespmem:$0x1FF10]  }
0x5c5: {  	p0 =	sne.s32 s8, s5;
	v22 =	vld [tilespmem:$0x1FEC0]  }
.Ltmp1:
0x5c6: {  	v25 =	vld [tilespmem:$0x1FED0];
	(pc) =	sbr.rel @p0 .LBB2_1-.Ltmp1, $4  }
0x5c7: {  	v26 =	vld [tilespmem:$0x1FEE0]  }
0x5c8: {  	v36 =	vld [tilespmem:$0x1FF20]  }
0x5c9: {  	[sflag:s6] =	ssyncset.done $0x0;
	v45 =	vld [tilespmem:$0x1FF40]  }
0x5ca: {  	v1 =	vimm.s32 $0x0;
	v40 =	vld [tilespmem:$0x1FF30];
	[sflag:s6] =	ssyncadd.s32 $0xFFFF7E00  }
0x5cb: {  	_ =	sfence.sel $0x180000  }
0x5cc: {  	[bflag:$0x0] =	sbarrier.arrive $0xFFFF  }
0x5cd: {  	p0 =	sne.s32 s0, $0x0;
	_ =	strace $0x90000047  }
0x5ce: {  	s0 =	sadd.s32 @!p0 $0x100000, s1;
	[bflag:$0x2] =	sbarrier.arrive $0xFFFF  }
0x5cf: {  	[sflag:s0] =	ssyncadd.tile.s32 @!p0 $0x1;
	_ =	shalt  }
.Lfunc_end2:
_tile_overlayer_lowered:
.L_overlay_start_2:
0x5d0: {  	(tag) =	ssettag $0x2  }
0x5d1: {  	s0 =	rddreg [dreg:$0x0];
	s2 =	stileid.u32  }
0x5d2: {  	s1 =	rddreg [dreg:$0x1];
	p0 =	sne.s32 s2, $0x0  }
0x5d3: {  	s3 =	rddreg [dreg:$0x2];
	[bflag:$0x3] =	sbarrier.arrive $0xFFFF;
	s2 =	simm.s32 @!p0 $0x1C01  }
0x5d4: {  	[timem:s3], [sflag:s2] =	dma.local @!p0 [hbm:s0], s1  }
0x5d5: {  	s0 =	simm.s32 @!p0 $0x1  }
0x5d6: {  	_ =	swait.ge @!p0 [sflag:s0], s1  }
0x5d7: {  	s1 =	ssub.s32 @!p0 $0x0, s1;
	[sflag:s0] =	ssyncset.done @!p0 $0x0  }
0x5d8: {  	[sflag:s0] =	ssyncadd.s32 @!p0 s1  }
0x5d9: {  	[bflag:$0x3] =	sbarrier.arrive $0xFFFF  }
0x5da: {  	_ =	shalt  }

</sc_bundles>
